<compile_context>
chip_gen: v7x
topology: tpu7x:2x2x1
jax: 0.10.2.dev20260603
libtpu: 0.0.44.dev20260713+nightly
codegen_flags: <defaults>
</compile_context>

<pallas_src>
import functools

import jax
import jax.numpy as jnp
from jax import lax
from jax.experimental import pallas as pl
from jax.experimental.pallas import tpu as pltpu
from jax.experimental.pallas import tpu_sc as plsc

N = 10000
E = 320000
D = 128
K = 10
OC = 128

NC = 2
NS = 16
NW = NC * NS
N_PAD = 10240
SLAB = N_PAD // NS
CW = 128
NCH = 79
EPW = E // NW
TRASH = N_PAD - 1

F32 = jnp.float32
I32 = jnp.int32


def _sc_mesh():
    return plsc.VectorSubcoreMesh(core_axis_name="c", subcore_axis_name="s")



def _sc_degrees(src_p, dst_p):

    @functools.partial(
        pl.kernel,
        out_type=jax.ShapeDtypeStruct((NC, 2, N_PAD), F32),
        mesh=_sc_mesh(),
        scratch_types=[
            pltpu.VMEM((NCH, CW), I32),
            pltpu.VMEM((NCH, CW), I32),
            pltpu.VMEM((SLAB,), F32),
            pltpu.VMEM((CW,), F32),
            pltpu.VMEM_SHARED((N_PAD,), F32),
            pltpu.VMEM_SHARED((N_PAD,), F32),
        ],
    )
    def kern(src_hbm, dst_hbm, out_hbm, src_v, dst_v, z_v, ones_v, d_src, d_dst):
        c = lax.axis_index("c")
        s = lax.axis_index("s")
        wid = s * NC + c
        pltpu.sync_copy(src_hbm.at[wid], src_v)
        pltpu.sync_copy(dst_hbm.at[wid], dst_v)

        def zfill(i, _):
            z_v[pl.ds(i * 16, 16)] = jnp.zeros((16,), F32)
            return ()

        lax.fori_loop(0, SLAB // 16, zfill, ())
        def ofill(i, _):
            ones_v[pl.ds(i * 16, 16)] = jnp.ones((16,), F32)
            return ()

        lax.fori_loop(0, CW // 16, ofill, ())
        pltpu.sync_copy(z_v, d_src.at[pl.ds(s * SLAB, SLAB)])
        pltpu.sync_copy(z_v, d_dst.at[pl.ds(s * SLAB, SLAB)])
        plsc.subcore_barrier()

        def chunk(i, _):
            pltpu.sync_copy(ones_v, d_src.at[src_v.at[i]], add=True)
            pltpu.sync_copy(ones_v, d_dst.at[dst_v.at[i]], add=True)
            return ()

        lax.fori_loop(0, NCH, chunk, ())
        plsc.subcore_barrier()
        pltpu.sync_copy(d_src.at[pl.ds(s * SLAB, SLAB)],
                        out_hbm.at[c, 0, pl.ds(s * SLAB, SLAB)])
        pltpu.sync_copy(d_dst.at[pl.ds(s * SLAB, SLAB)],
                        out_hbm.at[c, 1, pl.ds(s * SLAB, SLAB)])

    return kern(src_p, dst_p)


def _sc_edges(y, src_p, dst_p):

    @functools.partial(
        pl.kernel,
        out_type=jax.ShapeDtypeStruct((NC, N_PAD, D), F32),
        mesh=_sc_mesh(),
        scratch_types=[
            pltpu.VMEM((NCH, CW), I32),
            pltpu.VMEM((NCH, CW), I32),
            pltpu.VMEM((CW, D), F32),
            pltpu.VMEM((CW, D), F32),
            pltpu.VMEM_SHARED((N_PAD, D), F32),
            pltpu.SemaphoreType.DMA,
            pltpu.SemaphoreType.DMA,
        ],
    )
    def kern(y_hbm, src_hbm, dst_hbm, out_hbm, src_v, dst_v, ra, rb, acc, sem_a, sem_b):
        c = lax.axis_index("c")
        s = lax.axis_index("s")
        wid = s * NC + c
        pltpu.sync_copy(src_hbm.at[wid], src_v)
        pltpu.sync_copy(dst_hbm.at[wid], dst_v)

        def zfill(i, _):
            for q in range(D // 16):
                ra[i, pl.ds(q * 16, 16)] = jnp.zeros((16,), F32)
            return ()

        lax.fori_loop(0, CW, zfill, ())
        for t in range(SLAB // CW):
            pltpu.sync_copy(ra, acc.at[pl.ds(s * SLAB + t * CW, CW)])
        plsc.subcore_barrier()

        def step(i, _):
            pltpu.async_copy(y_hbm.at[src_v.at[i]], ra, sem_a).wait()
            pltpu.sync_copy(ra, acc.at[dst_v.at[i]], add=True)
            return ()

        lax.fori_loop(0, NCH, step, ())
        plsc.subcore_barrier()
        pltpu.sync_copy(acc.at[pl.ds(s * SLAB, SLAB)],
                        out_hbm.at[c, pl.ds(s * SLAB, SLAB)])

    return kern(y, src_p, dst_p)



def _prep_kern(deg_ref, f_ref, y0_ref, ns_ref, nd_ref):
    d_src = deg_ref[0, 0] + deg_ref[1, 0]
    d_dst = deg_ref[0, 1] + deg_ref[1, 1]
    ns = jnp.where(d_src > 0, lax.rsqrt(d_src), 0.0)
    nd = jnp.where(d_dst > 0, lax.rsqrt(d_dst), 0.0)
    y0_ref[...] = f_ref[...] * ns
    ns_ref[...] = ns
    nd_ref[...] = nd


def _tc_prep(feats_p, degparts):
    deg4 = degparts.reshape(NC, 2, N_PAD, 1)
    grid = N_PAD // 128
    return pl.pallas_call(
        _prep_kern,
        grid=(grid,),
        in_specs=[
            pl.BlockSpec((NC, 2, 128, 1), lambda r: (0, 0, r, 0)),
            pl.BlockSpec((128, D), lambda r: (r, 0)),
        ],
        out_specs=[
            pl.BlockSpec((128, D), lambda r: (r, 0)),
            pl.BlockSpec((128, 1), lambda r: (r, 0)),
            pl.BlockSpec((128, 1), lambda r: (r, 0)),
        ],
        out_shape=[
            jax.ShapeDtypeStruct((N_PAD, D), F32),
            jax.ShapeDtypeStruct((N_PAD, 1), F32),
            jax.ShapeDtypeStruct((N_PAD, 1), F32),
        ],
    )(deg4, feats_p)


def _dense1_kern(agg_ref, nd_ref, w_ref, b_ref, ns_ref, out_ref):
    agg = agg_ref[0] + agg_ref[1]
    x = agg * nd_ref[...]
    h = jnp.dot(x, w_ref[...], preferred_element_type=F32) + b_ref[...]
    out_ref[...] = jnp.maximum(h, 0.0) * ns_ref[...]


def _tc_dense1(aggparts, nd, w, b2d, ns):
    grid = N_PAD // 128
    return pl.pallas_call(
        _dense1_kern,
        grid=(grid,),
        in_specs=[
            pl.BlockSpec((NC, 128, D), lambda r: (0, r, 0)),
            pl.BlockSpec((128, 1), lambda r: (r, 0)),
            pl.BlockSpec((D, D), lambda r: (0, 0)),
            pl.BlockSpec((1, D), lambda r: (0, 0)),
            pl.BlockSpec((128, 1), lambda r: (r, 0)),
        ],
        out_specs=pl.BlockSpec((128, D), lambda r: (r, 0)),
        out_shape=jax.ShapeDtypeStruct((N_PAD, D), F32),
    )(aggparts, nd, w, b2d, ns)


def _dense2_kern(agg_ref, nd_ref, w_ref, b_ref, h_ref, rm_ref):
    agg = agg_ref[0] + agg_ref[1]
    x = agg * nd_ref[...]
    h = jnp.dot(x, w_ref[...], preferred_element_type=F32) + b_ref[...]
    h = jnp.maximum(h, 0.0)
    h_ref[...] = h
    rm = jnp.max(h, axis=1, keepdims=True)
    ridx = pl.program_id(0) * 128 + lax.broadcasted_iota(I32, (128, 1), 0)
    rm_ref[...] = jnp.where(ridx < N, rm, -1.0)


def _tc_dense2(aggparts, nd, w, b2d):
    grid = N_PAD // 128
    return pl.pallas_call(
        _dense2_kern,
        grid=(grid,),
        in_specs=[
            pl.BlockSpec((NC, 128, D), lambda r: (0, r, 0)),
            pl.BlockSpec((128, 1), lambda r: (r, 0)),
            pl.BlockSpec((D, D), lambda r: (0, 0)),
            pl.BlockSpec((1, D), lambda r: (0, 0)),
        ],
        out_specs=[
            pl.BlockSpec((128, D), lambda r: (r, 0)),
            pl.BlockSpec((128, 1), lambda r: (r, 0)),
        ],
        out_shape=[
            jax.ShapeDtypeStruct((N_PAD, D), F32),
            jax.ShapeDtypeStruct((N_PAD, 1), F32),
        ],
    )(aggparts, nd, w, b2d)


def _topk_kern(rm_ref, idx_ref):
    vals0 = rm_ref[...]
    lin = (lax.broadcasted_iota(I32, (80, 128), 0) * 128
           + lax.broadcasted_iota(I32, (80, 128), 1))
    lane = lax.broadcasted_iota(I32, (1, 128), 1)
    big = jnp.int32(2 ** 30)

    def body(k, carry):
        vals, acc = carry
        m = jnp.max(vals)
        cand = jnp.where(vals == m, lin, big)
        j = jnp.min(cand)
        acc = jnp.where(lane == k, j, acc)
        vals = jnp.where(lin == j, -2.0, vals)
        return vals, acc

    _, acc = lax.fori_loop(0, K, body, (vals0, jnp.zeros((1, 128), I32)))
    idx_ref[...] = acc


def _tc_topk(rm2d):
    return pl.pallas_call(
        _topk_kern,
        out_shape=jax.ShapeDtypeStruct((1, 128), I32),
    )(rm2d)


def _gather_kern(idx_ref, h_ref, o_ref):
    o_ref[...] = h_ref[...]


def _tc_gather(idx10, h):
    h3 = h.reshape(N_PAD, 1, D)
    grid_spec = pltpu.PrefetchScalarGridSpec(
        num_scalar_prefetch=1,
        grid=(K,),
        in_specs=[pl.BlockSpec((1, 1, D), lambda k, idx: (idx[k], 0, 0))],
        out_specs=pl.BlockSpec((1, 1, D), lambda k, idx: (k, 0, 0)),
    )
    return pl.pallas_call(
        _gather_kern,
        grid_spec=grid_spec,
        out_shape=jax.ShapeDtypeStruct((K, 1, D), F32),
    )(idx10, h3).reshape(K, D)


def _tail_kern(p_ref, w1_ref, b1_ref, w2_ref, b2_ref, out_ref):
    p = p_ref[...]
    row = lax.broadcasted_iota(I32, (D, D), 0)
    col = lax.broadcasted_iota(I32, (D, D), 1)
    lane = lax.broadcasted_iota(I32, (1, D), 1)
    for k in [2, 4, 8, 16, 32, 64, 128]:
        j = k // 2
        while j >= 1:
            perm_m = (row == jnp.bitwise_xor(col, j)).astype(F32)
            part = jnp.dot(p, perm_m, preferred_element_type=F32,
                           precision=lax.Precision.HIGHEST)
            take_min = ((lane & k) == 0) ^ ((lane & j) != 0)
            p = jnp.where(take_min, jnp.minimum(p, part), jnp.maximum(p, part))
            j //= 2
    u = jnp.dot(p, w1_ref[...], preferred_element_type=F32,
                precision=lax.Precision.HIGHEST) + b1_ref[...]
    u = jnp.maximum(u, 0.0)
    ar = lax.broadcasted_iota(I32, (8, 16), 0)
    ac = lax.broadcasted_iota(I32, (8, 16), 1)
    a_m = (ac == 2 * ar).astype(F32)
    b_m = (ac == 2 * ar + 1).astype(F32)
    v = jnp.maximum(
        jnp.dot(a_m, u, preferred_element_type=F32, precision=lax.Precision.HIGHEST),
        jnp.dot(b_m, u, preferred_element_type=F32, precision=lax.Precision.HIGHEST),
    )
    acc = b2_ref[...]
    for t in range(5):
        acc = acc + jnp.dot(v[t:t + 1, :], w2_ref[t],
                            preferred_element_type=F32,
                            precision=lax.Precision.HIGHEST)
    out_ref[...] = jnp.maximum(acc, 0.0)


def _tc_tail(pooled_p, cw1r, cb1r, cw2m, cb2r):
    return pl.pallas_call(
        _tail_kern,
        out_shape=jax.ShapeDtypeStruct((1, OC), F32),
    )(pooled_p, cw1r, cb1r, cw2m, cb2r)



def kernel(feats, edge_index, W1, b1, W2, b2, cw1, cb1, cw2, cb2):
    pad = NCH * CW - EPW
    es = edge_index.astype(I32).reshape(2, NW, EPW)
    wtrash = (N + jnp.arange(NW, dtype=I32))[None, :, None] * jnp.ones(
        (1, 1, pad), I32)
    pad_vals = jnp.concatenate(
        [jnp.full((1, NW, pad), TRASH, I32), wtrash], axis=0)
    es_p = jnp.concatenate([es, pad_vals], axis=2).reshape(2, NW, NCH, CW)
    src_p = es_p[0]
    dst_p = es_p[1]
    feats_p = jnp.pad(feats, ((0, N_PAD - N), (0, 0)))

    degparts = _sc_degrees(src_p, dst_p)
    y0, ns, nd = _tc_prep(feats_p, degparts)

    b1r = b1.reshape(1, D)
    b2r = b2.reshape(1, D)
    agg1 = _sc_edges(y0, src_p, dst_p)
    y1 = _tc_dense1(agg1, nd, W1, b1r, ns)
    agg2 = _sc_edges(y1, src_p, dst_p)
    h2, rm = _tc_dense2(agg2, nd, W2, b2r)

    idxv = _tc_topk(rm.reshape(N_PAD // 128, 128))
    idx10 = idxv[0, :K]
    pooled = _tc_gather(idx10, h2)
    pooled_p = jnp.pad(pooled, ((0, 6), (0, 0)))

    cw1r = jnp.transpose(cw1.reshape(OC // 2, D))
    cb1r = cb1.reshape(1, OC // 2)
    cw2m = jnp.transpose(cw2, (2, 1, 0))
    cb2r = cb2.reshape(1, OC)
    return _tc_tail(pooled_p, cw1r, cb1r, cw2m, cb2r)

# --- scband reference (transcript-rebuilt; emitter-appended) ---
"""Pipeline reference for scband-graph-conv-embedding-84679575208612 (READ-ONLY COPY).

The authoritative reference and input builder live on the scoring server;
editing this copy changes nothing except your own understanding.
"""

import jax, jax.numpy as jnp
import numpy as np

N_NODES = 10000
N_EDGES = 320000
IN_DIM = 128
HID = 128
K = 10          # sortpooling_k
KS = 5          # kernel_size
OC = 128        # out_channels of SortPoolingWithConv (= num_hidden)


def setup_inputs(seed: int = 0):
    key = jax.random.key(seed)
    ks = jax.random.split(key, 12)
    feats = jax.random.normal(ks[0], (N_NODES, IN_DIM), dtype=jnp.float32)
    edge_index = jax.random.randint(ks[1], (2, N_EDGES), 0, N_NODES)
    # GraphConv layer 1 params
    W1 = jax.random.normal(ks[2], (IN_DIM, HID), dtype=jnp.float32) * (1.0 / np.sqrt(IN_DIM))
    b1 = jnp.zeros((HID,), dtype=jnp.float32)
    # GraphConv layer 2 params
    W2 = jax.random.normal(ks[3], (HID, HID), dtype=jnp.float32) * (1.0 / np.sqrt(HID))
    b2 = jnp.zeros((HID,), dtype=jnp.float32)
    # Conv1d(1, OC//2, kernel=HID, stride=HID)
    cw1 = jax.random.normal(ks[4], (OC // 2, 1, HID), dtype=jnp.float32) * (1.0 / np.sqrt(HID))
    cb1 = jnp.zeros((OC // 2,), dtype=jnp.float32)
    # Conv1d(OC//2, OC, kernel=KS, stride=1)
    cw2 = jax.random.normal(ks[5], (OC, OC // 2, KS), dtype=jnp.float32) * (1.0 / np.sqrt((OC // 2) * KS))
    cb2 = jnp.zeros((OC,), dtype=jnp.float32)
    return {"feats": feats, "edge_index": edge_index, "W1": W1, "b1": b1,
            "W2": W2, "b2": b2, "cw1": cw1, "cb1": cb1, "cw2": cw2, "cb2": cb2}


def _graph_conv(x, W, b, src, dst, n):
    # DGL GraphConv with norm='both': D_dst^{-1/2} A D_src^{-1/2} X W + b, then relu
    out_deg = jnp.zeros((n,), x.dtype).at[src].add(1.0)
    in_deg = jnp.zeros((n,), x.dtype).at[dst].add(1.0)
    ns = jnp.where(out_deg > 0, out_deg ** -0.5, 0.0)
    nd = jnp.where(in_deg > 0, in_deg ** -0.5, 0.0)
    h = x * ns[:, None]
    agg = jnp.zeros((n, x.shape[1]), x.dtype).at[dst].add(h[src])
    agg = agg * nd[:, None]
    return jax.nn.relu(agg @ W + b)


def _conv1d(x, w, b, stride):
    out = jax.lax.conv_general_dilated(x, w, (stride,), 'VALID',
                                       dimension_numbers=('NCH', 'OIH', 'NCH'))
    return out + b[None, :, None]


def _sort_pool_conv(h, cw1, cb1, cw2, cb2):
    # DGL SortPooling: sort each node's features ascending, then take top-K
    # nodes by the last (largest) channel value, descending.
    hs = jnp.sort(h, axis=-1)
    last = hs[:, -1]
    _, idx = jax.lax.top_k(last, K)
    pooled = hs[idx]                      # [K, HID]
    x = pooled.reshape(1, 1, K * HID)     # view(-1, 1, k * in_dim)
    x = jax.nn.relu(_conv1d(x, cw1, cb1, HID))
    x = jax.lax.reduce_window(x, -jnp.inf, jax.lax.max, (1, 1, 2), (1, 1, 2), 'VALID')
    x = jax.nn.relu(_conv1d(x, cw2, cb2, 1))
    return x.reshape(1, -1)               # [1, out_dim] = [1, 128]


def reference(feats, edge_index, W1, b1, W2, b2, cw1, cb1, cw2, cb2):
    src = edge_index[0]
    dst = edge_index[1]
    h = _graph_conv(feats, W1, b1, src, dst, N_NODES)
    h = _graph_conv(h, W2, b2, src, dst, N_NODES)
    return _sort_pool_conv(h, cw1, cb1, cw2, cb2)

if __name__ == "__main__":
    import jax
    _d = setup_inputs()
    print(jax.jit(kernel)(*tuple(_d.values())))

</pallas_src>

<mosaic_0001>
#map = affine_map<(d0, d1) -> (0, 0)>
#map1 = affine_map<(d0, d1) -> (0, 0, 0)>
module attributes {stable_mosaic.version = 14 : i64} {
  func.func @kern(%arg0: i32, %arg1: i32, %arg2: memref<10240x128xf32, #tpu.memory_space<hbm>>, %arg3: memref<32x79x128xi32, #tpu.memory_space<hbm>>, %arg4: memref<32x79x128xi32, #tpu.memory_space<hbm>>, %arg5: memref<2x10240x128xf32, #tpu.memory_space<hbm>>, %arg6: memref<79x128xi32, #tpu.memory_space<vmem>>, %arg7: memref<79x128xi32, #tpu.memory_space<vmem>>, %arg8: memref<128x128xf32, #tpu.memory_space<vmem>>, %arg9: memref<128x128xf32, #tpu.memory_space<vmem>>, %arg10: memref<10240x128xf32, #tpu.memory_space<vmem_shared>>, %arg11: memref<!tpu.dma_semaphore, #tpu.memory_space<semaphore_mem>>, %arg12: memref<!tpu.dma_semaphore, #tpu.memory_space<semaphore_mem>>) attributes {dimension_semantics = [#tpu.dimension_semantics<core_parallel>, #tpu.dimension_semantics<subcore_parallel>], iteration_bounds = array<i64: 2, 16>, scalar_prefetch = 0 : i64, scratch_operands = 7 : i64, tpu.core_type = #tpu.core_type<sc_vector_subcore>, window_params = [{transform_indices = #map}, {transform_indices = #map1}, {transform_indices = #map1}, {transform_indices = #map1}]} {
    %mul3A = arith.constant 2 : i32
    %mul3A_0 = arith.muli %arg1, %mul3A : i32
    %add3A = arith.addi %mul3A_0, %arg0 : i32
    "tpu.region"() ({
      %run_scoped3A = tpu.sem_alloc : memref<!tpu.dma_semaphore, #tpu.memory_space<semaphore_mem>>
      %dma_start3A = arith.constant 0 : i32
      %dma_start3A_35 = arith.constant 0 : i32
      %dma_start3A_36 = tpu.memref_slice %arg3[%add3A, %dma_start3A, %dma_start3A_35] : memref<32x79x128xi32, #tpu.memory_space<hbm>> -> memref<1x79x128xi32, #tpu.memory_space<hbm>>
      %dma_start3A_37 = tpu.memref_squeeze %dma_start3A_36 : memref<1x79x128xi32, #tpu.memory_space<hbm>> -> memref<79x128xi32, #tpu.memory_space<hbm>>
      %dma_start3A_38 = arith.constant 0 : i32
      %dma_start3A_39 = arith.constant 0 : i32
      %dma_start3A_40 = tpu.memref_slice %arg3[%add3A, %dma_start3A_38, %dma_start3A_39] : memref<32x79x128xi32, #tpu.memory_space<hbm>> -> memref<1x79x128xi32, #tpu.memory_space<hbm>>
      %dma_start3A_41 = tpu.memref_squeeze %dma_start3A_40 : memref<1x79x128xi32, #tpu.memory_space<hbm>> -> memref<79x128xi32, #tpu.memory_space<hbm>>
      tpu.enqueue_dma source(%dma_start3A_41 : memref<79x128xi32, #tpu.memory_space<hbm>>) target(%arg6 : memref<79x128xi32, #tpu.memory_space<vmem>>) target_semaphore(%run_scoped3A : memref<!tpu.dma_semaphore, #tpu.memory_space<semaphore_mem>>)
      %dma_wait3A = arith.constant 0 : i32
      %dma_wait3A_42 = arith.constant 0 : i32
      %dma_wait3A_43 = tpu.memref_slice %arg3[%add3A, %dma_wait3A, %dma_wait3A_42] : memref<32x79x128xi32, #tpu.memory_space<hbm>> -> memref<1x79x128xi32, #tpu.memory_space<hbm>>
      %dma_wait3A_44 = tpu.memref_squeeze %dma_wait3A_43 : memref<1x79x128xi32, #tpu.memory_space<hbm>> -> memref<79x128xi32, #tpu.memory_space<hbm>>
      %dma_wait3A_45 = arith.constant 0 : i32
      %dma_wait3A_46 = arith.constant 0 : i32
      %dma_wait3A_47 = tpu.memref_slice %arg3[%add3A, %dma_wait3A_45, %dma_wait3A_46] : memref<32x79x128xi32, #tpu.memory_space<hbm>> -> memref<1x79x128xi32, #tpu.memory_space<hbm>>
      %dma_wait3A_48 = tpu.memref_squeeze %dma_wait3A_47 : memref<1x79x128xi32, #tpu.memory_space<hbm>> -> memref<79x128xi32, #tpu.memory_space<hbm>>
      tpu.wait_dma2 semaphore(%run_scoped3A : memref<!tpu.dma_semaphore, #tpu.memory_space<semaphore_mem>>) src(%dma_wait3A_48 : memref<79x128xi32, #tpu.memory_space<hbm>>) dst(%arg6 : memref<79x128xi32, #tpu.memory_space<vmem>>)
      tpu.yield
    }) : () -> ()
    "tpu.region"() ({
      %run_scoped3A = tpu.sem_alloc : memref<!tpu.dma_semaphore, #tpu.memory_space<semaphore_mem>>
      %dma_start3A = arith.constant 0 : i32
      %dma_start3A_35 = arith.constant 0 : i32
      %dma_start3A_36 = tpu.memref_slice %arg4[%add3A, %dma_start3A, %dma_start3A_35] : memref<32x79x128xi32, #tpu.memory_space<hbm>> -> memref<1x79x128xi32, #tpu.memory_space<hbm>>
      %dma_start3A_37 = tpu.memref_squeeze %dma_start3A_36 : memref<1x79x128xi32, #tpu.memory_space<hbm>> -> memref<79x128xi32, #tpu.memory_space<hbm>>
      %dma_start3A_38 = arith.constant 0 : i32
      %dma_start3A_39 = arith.constant 0 : i32
      %dma_start3A_40 = tpu.memref_slice %arg4[%add3A, %dma_start3A_38, %dma_start3A_39] : memref<32x79x128xi32, #tpu.memory_space<hbm>> -> memref<1x79x128xi32, #tpu.memory_space<hbm>>
      %dma_start3A_41 = tpu.memref_squeeze %dma_start3A_40 : memref<1x79x128xi32, #tpu.memory_space<hbm>> -> memref<79x128xi32, #tpu.memory_space<hbm>>
      tpu.enqueue_dma source(%dma_start3A_41 : memref<79x128xi32, #tpu.memory_space<hbm>>) target(%arg7 : memref<79x128xi32, #tpu.memory_space<vmem>>) target_semaphore(%run_scoped3A : memref<!tpu.dma_semaphore, #tpu.memory_space<semaphore_mem>>)
      %dma_wait3A = arith.constant 0 : i32
      %dma_wait3A_42 = arith.constant 0 : i32
      %dma_wait3A_43 = tpu.memref_slice %arg4[%add3A, %dma_wait3A, %dma_wait3A_42] : memref<32x79x128xi32, #tpu.memory_space<hbm>> -> memref<1x79x128xi32, #tpu.memory_space<hbm>>
      %dma_wait3A_44 = tpu.memref_squeeze %dma_wait3A_43 : memref<1x79x128xi32, #tpu.memory_space<hbm>> -> memref<79x128xi32, #tpu.memory_space<hbm>>
      %dma_wait3A_45 = arith.constant 0 : i32
      %dma_wait3A_46 = arith.constant 0 : i32
      %dma_wait3A_47 = tpu.memref_slice %arg4[%add3A, %dma_wait3A_45, %dma_wait3A_46] : memref<32x79x128xi32, #tpu.memory_space<hbm>> -> memref<1x79x128xi32, #tpu.memory_space<hbm>>
      %dma_wait3A_48 = tpu.memref_squeeze %dma_wait3A_47 : memref<1x79x128xi32, #tpu.memory_space<hbm>> -> memref<79x128xi32, #tpu.memory_space<hbm>>
      tpu.wait_dma2 semaphore(%run_scoped3A : memref<!tpu.dma_semaphore, #tpu.memory_space<semaphore_mem>>) src(%dma_wait3A_48 : memref<79x128xi32, #tpu.memory_space<hbm>>) dst(%arg7 : memref<79x128xi32, #tpu.memory_space<vmem>>)
      tpu.yield
    }) : () -> ()
    %scan3A = arith.constant 0 : i32
    %scan3A_1 = arith.constant 128 : i32
    %scan3A_2 = arith.addi %scan3A, %scan3A_1 : i32
    %scan3A_3 = arith.constant 1 : i32
    scf.for %scan3A_35 = %scan3A to %scan3A_2 step %scan3A_3  : i32 {
      %broadcast_in_dim3A = arith.constant 0.000000e+00 : f32
      %broadcast_in_dim3A_36 = vector.broadcast %broadcast_in_dim3A : f32 to vector<16xf32>
      %swap3A = arith.index_cast %scan3A_35 : i32 to index
      %swap3A_37 = arith.constant 0 : index
      %swap3A_38 = tpu.vector_load %arg8[%swap3A, %swap3A_37] {strides = array<i32>} : memref<128x128xf32, #tpu.memory_space<vmem>>, vector<1x16xf32>,
      %swap3A_39 = vector.shape_cast %swap3A_38 : vector<1x16xf32> to vector<16xf32>
      %swap3A_40 = vector.shape_cast %broadcast_in_dim3A_36 : vector<16xf32> to vector<1x16xf32>
      tpu.vector_store %arg8[%swap3A, %swap3A_37], %swap3A_40 {strides = array<i32>} : memref<128x128xf32, #tpu.memory_space<vmem>>, vector<1x16xf32>,
      %broadcast_in_dim3A_41 = arith.constant 0.000000e+00 : f32
      %broadcast_in_dim3A_42 = vector.broadcast %broadcast_in_dim3A_41 : f32 to vector<16xf32>
      %swap3A_43 = arith.index_cast %scan3A_35 : i32 to index
      %swap3A_44 = arith.constant 16 : index
      %swap3A_45 = tpu.vector_load %arg8[%swap3A_43, %swap3A_44] {strides = array<i32>} : memref<128x128xf32, #tpu.memory_space<vmem>>, vector<1x16xf32>,
      %swap3A_46 = vector.shape_cast %swap3A_45 : vector<1x16xf32> to vector<16xf32>
      %swap3A_47 = vector.shape_cast %broadcast_in_dim3A_42 : vector<16xf32> to vector<1x16xf32>
      tpu.vector_store %arg8[%swap3A_43, %swap3A_44], %swap3A_47 {strides = array<i32>} : memref<128x128xf32, #tpu.memory_space<vmem>>, vector<1x16xf32>,
      %broadcast_in_dim3A_48 = arith.constant 0.000000e+00 : f32
      %broadcast_in_dim3A_49 = vector.broadcast %broadcast_in_dim3A_48 : f32 to vector<16xf32>
      %swap3A_50 = arith.index_cast %scan3A_35 : i32 to index
      %swap3A_51 = arith.constant 32 : index
      %swap3A_52 = tpu.vector_load %arg8[%swap3A_50, %swap3A_51] {strides = array<i32>} : memref<128x128xf32, #tpu.memory_space<vmem>>, vector<1x16xf32>,
      %swap3A_53 = vector.shape_cast %swap3A_52 : vector<1x16xf32> to vector<16xf32>
      %swap3A_54 = vector.shape_cast %broadcast_in_dim3A_49 : vector<16xf32> to vector<1x16xf32>
      tpu.vector_store %arg8[%swap3A_50, %swap3A_51], %swap3A_54 {strides = array<i32>} : memref<128x128xf32, #tpu.memory_space<vmem>>, vector<1x16xf32>,
      %broadcast_in_dim3A_55 = arith.constant 0.000000e+00 : f32
      %broadcast_in_dim3A_56 = vector.broadcast %broadcast_in_dim3A_55 : f32 to vector<16xf32>
      %swap3A_57 = arith.index_cast %scan3A_35 : i32 to index
      %swap3A_58 = arith.constant 48 : index
      %swap3A_59 = tpu.vector_load %arg8[%swap3A_57, %swap3A_58] {strides = array<i32>} : memref<128x128xf32, #tpu.memory_space<vmem>>, vector<1x16xf32>,
      %swap3A_60 = vector.shape_cast %swap3A_59 : vector<1x16xf32> to vector<16xf32>
      %swap3A_61 = vector.shape_cast %broadcast_in_dim3A_56 : vector<16xf32> to vector<1x16xf32>
      tpu.vector_store %arg8[%swap3A_57, %swap3A_58], %swap3A_61 {strides = array<i32>} : memref<128x128xf32, #tpu.memory_space<vmem>>, vector<1x16xf32>,
      %broadcast_in_dim3A_62 = arith.constant 0.000000e+00 : f32
      %broadcast_in_dim3A_63 = vector.broadcast %broadcast_in_dim3A_62 : f32 to vector<16xf32>
      %swap3A_64 = arith.index_cast %scan3A_35 : i32 to index
      %swap3A_65 = arith.constant 64 : index
      %swap3A_66 = tpu.vector_load %arg8[%swap3A_64, %swap3A_65] {strides = array<i32>} : memref<128x128xf32, #tpu.memory_space<vmem>>, vector<1x16xf32>,
      %swap3A_67 = vector.shape_cast %swap3A_66 : vector<1x16xf32> to vector<16xf32>
      %swap3A_68 = vector.shape_cast %broadcast_in_dim3A_63 : vector<16xf32> to vector<1x16xf32>
      tpu.vector_store %arg8[%swap3A_64, %swap3A_65], %swap3A_68 {strides = array<i32>} : memref<128x128xf32, #tpu.memory_space<vmem>>, vector<1x16xf32>,
      %broadcast_in_dim3A_69 = arith.constant 0.000000e+00 : f32
      %broadcast_in_dim3A_70 = vector.broadcast %broadcast_in_dim3A_69 : f32 to vector<16xf32>
      %swap3A_71 = arith.index_cast %scan3A_35 : i32 to index
      %swap3A_72 = arith.constant 80 : index
      %swap3A_73 = tpu.vector_load %arg8[%swap3A_71, %swap3A_72] {strides = array<i32>} : memref<128x128xf32, #tpu.memory_space<vmem>>, vector<1x16xf32>,
      %swap3A_74 = vector.shape_cast %swap3A_73 : vector<1x16xf32> to vector<16xf32>
      %swap3A_75 = vector.shape_cast %broadcast_in_dim3A_70 : vector<16xf32> to vector<1x16xf32>
      tpu.vector_store %arg8[%swap3A_71, %swap3A_72], %swap3A_75 {strides = array<i32>} : memref<128x128xf32, #tpu.memory_space<vmem>>, vector<1x16xf32>,
      %broadcast_in_dim3A_76 = arith.constant 0.000000e+00 : f32
      %broadcast_in_dim3A_77 = vector.broadcast %broadcast_in_dim3A_76 : f32 to vector<16xf32>
      %swap3A_78 = arith.index_cast %scan3A_35 : i32 to index
      %swap3A_79 = arith.constant 96 : index
      %swap3A_80 = tpu.vector_load %arg8[%swap3A_78, %swap3A_79] {strides = array<i32>} : memref<128x128xf32, #tpu.memory_space<vmem>>, vector<1x16xf32>,
      %swap3A_81 = vector.shape_cast %swap3A_80 : vector<1x16xf32> to vector<16xf32>
      %swap3A_82 = vector.shape_cast %broadcast_in_dim3A_77 : vector<16xf32> to vector<1x16xf32>
      tpu.vector_store %arg8[%swap3A_78, %swap3A_79], %swap3A_82 {strides = array<i32>} : memref<128x128xf32, #tpu.memory_space<vmem>>, vector<1x16xf32>,
      %broadcast_in_dim3A_83 = arith.constant 0.000000e+00 : f32
      %broadcast_in_dim3A_84 = vector.broadcast %broadcast_in_dim3A_83 : f32 to vector<16xf32>
      %swap3A_85 = arith.index_cast %scan3A_35 : i32 to index
      %swap3A_86 = arith.constant 112 : index
      %swap3A_87 = tpu.vector_load %arg8[%swap3A_85, %swap3A_86] {strides = array<i32>} : memref<128x128xf32, #tpu.memory_space<vmem>>, vector<1x16xf32>,
      %swap3A_88 = vector.shape_cast %swap3A_87 : vector<1x16xf32> to vector<16xf32>
      %swap3A_89 = vector.shape_cast %broadcast_in_dim3A_84 : vector<16xf32> to vector<1x16xf32>
      tpu.vector_store %arg8[%swap3A_85, %swap3A_86], %swap3A_89 {strides = array<i32>} : memref<128x128xf32, #tpu.memory_space<vmem>>, vector<1x16xf32>,
    }
    %scan3A_4 = arith.constant 128 : i32
    %mul3A_5 = arith.constant 640 : i32
    %mul3A_6 = arith.muli %arg1, %mul3A_5 : i32
    %add3A_7 = arith.constant 0 : i32
    %add3A_8 = arith.addi %mul3A_6, %add3A_7 : i32
    "tpu.region"() ({
      %run_scoped3A = tpu.sem_alloc : memref<!tpu.dma_semaphore, #tpu.memory_space<semaphore_mem>>
      %dma_start3A = arith.constant 0 : i32
      %dma_start3A_35 = tpu.memref_slice %arg10[%add3A_8, %dma_start3A] : memref<10240x128xf32, #tpu.memory_space<vmem_shared>> -> memref<128x128xf32, #tpu.memory_space<vmem_shared>>
      %dma_start3A_36 = arith.constant 0 : i32
      %dma_start3A_37 = tpu.memref_slice %arg10[%add3A_8, %dma_start3A_36] : memref<10240x128xf32, #tpu.memory_space<vmem_shared>> -> memref<128x128xf32, #tpu.memory_space<vmem_shared>>
      tpu.enqueue_dma source(%arg8 : memref<128x128xf32, #tpu.memory_space<vmem>>) target(%dma_start3A_37 : memref<128x128xf32, #tpu.memory_space<vmem_shared>>) target_semaphore(%run_scoped3A : memref<!tpu.dma_semaphore, #tpu.memory_space<semaphore_mem>>)
      %dma_wait3A = arith.constant 0 : i32
      %dma_wait3A_38 = tpu.memref_slice %arg10[%add3A_8, %dma_wait3A] : memref<10240x128xf32, #tpu.memory_space<vmem_shared>> -> memref<128x128xf32, #tpu.memory_space<vmem_shared>>
      %dma_wait3A_39 = arith.constant 0 : i32
      %dma_wait3A_40 = tpu.memref_slice %arg10[%add3A_8, %dma_wait3A_39] : memref<10240x128xf32, #tpu.memory_space<vmem_shared>> -> memref<128x128xf32, #tpu.memory_space<vmem_shared>>
      tpu.wait_dma2 semaphore(%run_scoped3A : memref<!tpu.dma_semaphore, #tpu.memory_space<semaphore_mem>>) src(%arg8 : memref<128x128xf32, #tpu.memory_space<vmem>>) dst(%dma_wait3A_40 : memref<128x128xf32, #tpu.memory_space<vmem_shared>>)
      tpu.yield
    }) : () -> ()
    %mul3A_9 = arith.constant 640 : i32
    %mul3A_10 = arith.muli %arg1, %mul3A_9 : i32
    %add3A_11 = arith.constant 128 : i32
    %add3A_12 = arith.addi %mul3A_10, %add3A_11 : i32
    "tpu.region"() ({
      %run_scoped3A = tpu.sem_alloc : memref<!tpu.dma_semaphore, #tpu.memory_space<semaphore_mem>>
      %dma_start3A = arith.constant 0 : i32
      %dma_start3A_35 = tpu.memref_slice %arg10[%add3A_12, %dma_start3A] : memref<10240x128xf32, #tpu.memory_space<vmem_shared>> -> memref<128x128xf32, #tpu.memory_space<vmem_shared>>
      %dma_start3A_36 = arith.constant 0 : i32
      %dma_start3A_37 = tpu.memref_slice %arg10[%add3A_12, %dma_start3A_36] : memref<10240x128xf32, #tpu.memory_space<vmem_shared>> -> memref<128x128xf32, #tpu.memory_space<vmem_shared>>
      tpu.enqueue_dma source(%arg8 : memref<128x128xf32, #tpu.memory_space<vmem>>) target(%dma_start3A_37 : memref<128x128xf32, #tpu.memory_space<vmem_shared>>) target_semaphore(%run_scoped3A : memref<!tpu.dma_semaphore, #tpu.memory_space<semaphore_mem>>)
      %dma_wait3A = arith.constant 0 : i32
      %dma_wait3A_38 = tpu.memref_slice %arg10[%add3A_12, %dma_wait3A] : memref<10240x128xf32, #tpu.memory_space<vmem_shared>> -> memref<128x128xf32, #tpu.memory_space<vmem_shared>>
      %dma_wait3A_39 = arith.constant 0 : i32
      %dma_wait3A_40 = tpu.memref_slice %arg10[%add3A_12, %dma_wait3A_39] : memref<10240x128xf32, #tpu.memory_space<vmem_shared>> -> memref<128x128xf32, #tpu.memory_space<vmem_shared>>
      tpu.wait_dma2 semaphore(%run_scoped3A : memref<!tpu.dma_semaphore, #tpu.memory_space<semaphore_mem>>) src(%arg8 : memref<128x128xf32, #tpu.memory_space<vmem>>) dst(%dma_wait3A_40 : memref<128x128xf32, #tpu.memory_space<vmem_shared>>)
      tpu.yield
    }) : () -> ()
    %mul3A_13 = arith.constant 640 : i32
    %mul3A_14 = arith.muli %arg1, %mul3A_13 : i32
    %add3A_15 = arith.constant 256 : i32
    %add3A_16 = arith.addi %mul3A_14, %add3A_15 : i32
    "tpu.region"() ({
      %run_scoped3A = tpu.sem_alloc : memref<!tpu.dma_semaphore, #tpu.memory_space<semaphore_mem>>
      %dma_start3A = arith.constant 0 : i32
      %dma_start3A_35 = tpu.memref_slice %arg10[%add3A_16, %dma_start3A] : memref<10240x128xf32, #tpu.memory_space<vmem_shared>> -> memref<128x128xf32, #tpu.memory_space<vmem_shared>>
      %dma_start3A_36 = arith.constant 0 : i32
      %dma_start3A_37 = tpu.memref_slice %arg10[%add3A_16, %dma_start3A_36] : memref<10240x128xf32, #tpu.memory_space<vmem_shared>> -> memref<128x128xf32, #tpu.memory_space<vmem_shared>>
      tpu.enqueue_dma source(%arg8 : memref<128x128xf32, #tpu.memory_space<vmem>>) target(%dma_start3A_37 : memref<128x128xf32, #tpu.memory_space<vmem_shared>>) target_semaphore(%run_scoped3A : memref<!tpu.dma_semaphore, #tpu.memory_space<semaphore_mem>>)
      %dma_wait3A = arith.constant 0 : i32
      %dma_wait3A_38 = tpu.memref_slice %arg10[%add3A_16, %dma_wait3A] : memref<10240x128xf32, #tpu.memory_space<vmem_shared>> -> memref<128x128xf32, #tpu.memory_space<vmem_shared>>
      %dma_wait3A_39 = arith.constant 0 : i32
      %dma_wait3A_40 = tpu.memref_slice %arg10[%add3A_16, %dma_wait3A_39] : memref<10240x128xf32, #tpu.memory_space<vmem_shared>> -> memref<128x128xf32, #tpu.memory_space<vmem_shared>>
      tpu.wait_dma2 semaphore(%run_scoped3A : memref<!tpu.dma_semaphore, #tpu.memory_space<semaphore_mem>>) src(%arg8 : memref<128x128xf32, #tpu.memory_space<vmem>>) dst(%dma_wait3A_40 : memref<128x128xf32, #tpu.memory_space<vmem_shared>>)
      tpu.yield
    }) : () -> ()
    %mul3A_17 = arith.constant 640 : i32
    %mul3A_18 = arith.muli %arg1, %mul3A_17 : i32
    %add3A_19 = arith.constant 384 : i32
    %add3A_20 = arith.addi %mul3A_18, %add3A_19 : i32
    "tpu.region"() ({
      %run_scoped3A = tpu.sem_alloc : memref<!tpu.dma_semaphore, #tpu.memory_space<semaphore_mem>>
      %dma_start3A = arith.constant 0 : i32
      %dma_start3A_35 = tpu.memref_slice %arg10[%add3A_20, %dma_start3A] : memref<10240x128xf32, #tpu.memory_space<vmem_shared>> -> memref<128x128xf32, #tpu.memory_space<vmem_shared>>
      %dma_start3A_36 = arith.constant 0 : i32
      %dma_start3A_37 = tpu.memref_slice %arg10[%add3A_20, %dma_start3A_36] : memref<10240x128xf32, #tpu.memory_space<vmem_shared>> -> memref<128x128xf32, #tpu.memory_space<vmem_shared>>
      tpu.enqueue_dma source(%arg8 : memref<128x128xf32, #tpu.memory_space<vmem>>) target(%dma_start3A_37 : memref<128x128xf32, #tpu.memory_space<vmem_shared>>) target_semaphore(%run_scoped3A : memref<!tpu.dma_semaphore, #tpu.memory_space<semaphore_mem>>)
      %dma_wait3A = arith.constant 0 : i32
      %dma_wait3A_38 = tpu.memref_slice %arg10[%add3A_20, %dma_wait3A] : memref<10240x128xf32, #tpu.memory_space<vmem_shared>> -> memref<128x128xf32, #tpu.memory_space<vmem_shared>>
      %dma_wait3A_39 = arith.constant 0 : i32
      %dma_wait3A_40 = tpu.memref_slice %arg10[%add3A_20, %dma_wait3A_39] : memref<10240x128xf32, #tpu.memory_space<vmem_shared>> -> memref<128x128xf32, #tpu.memory_space<vmem_shared>>
      tpu.wait_dma2 semaphore(%run_scoped3A : memref<!tpu.dma_semaphore, #tpu.memory_space<semaphore_mem>>) src(%arg8 : memref<128x128xf32, #tpu.memory_space<vmem>>) dst(%dma_wait3A_40 : memref<128x128xf32, #tpu.memory_space<vmem_shared>>)
      tpu.yield
    }) : () -> ()
    %mul3A_21 = arith.constant 640 : i32
    %mul3A_22 = arith.muli %arg1, %mul3A_21 : i32
    %add3A_23 = arith.constant 512 : i32
    %add3A_24 = arith.addi %mul3A_22, %add3A_23 : i32
    "tpu.region"() ({
      %run_scoped3A = tpu.sem_alloc : memref<!tpu.dma_semaphore, #tpu.memory_space<semaphore_mem>>
      %dma_start3A = arith.constant 0 : i32
      %dma_start3A_35 = tpu.memref_slice %arg10[%add3A_24, %dma_start3A] : memref<10240x128xf32, #tpu.memory_space<vmem_shared>> -> memref<128x128xf32, #tpu.memory_space<vmem_shared>>
      %dma_start3A_36 = arith.constant 0 : i32
      %dma_start3A_37 = tpu.memref_slice %arg10[%add3A_24, %dma_start3A_36] : memref<10240x128xf32, #tpu.memory_space<vmem_shared>> -> memref<128x128xf32, #tpu.memory_space<vmem_shared>>
      tpu.enqueue_dma source(%arg8 : memref<128x128xf32, #tpu.memory_space<vmem>>) target(%dma_start3A_37 : memref<128x128xf32, #tpu.memory_space<vmem_shared>>) target_semaphore(%run_scoped3A : memref<!tpu.dma_semaphore, #tpu.memory_space<semaphore_mem>>)
      %dma_wait3A = arith.constant 0 : i32
      %dma_wait3A_38 = tpu.memref_slice %arg10[%add3A_24, %dma_wait3A] : memref<10240x128xf32, #tpu.memory_space<vmem_shared>> -> memref<128x128xf32, #tpu.memory_space<vmem_shared>>
      %dma_wait3A_39 = arith.constant 0 : i32
      %dma_wait3A_40 = tpu.memref_slice %arg10[%add3A_24, %dma_wait3A_39] : memref<10240x128xf32, #tpu.memory_space<vmem_shared>> -> memref<128x128xf32, #tpu.memory_space<vmem_shared>>
      tpu.wait_dma2 semaphore(%run_scoped3A : memref<!tpu.dma_semaphore, #tpu.memory_space<semaphore_mem>>) src(%arg8 : memref<128x128xf32, #tpu.memory_space<vmem>>) dst(%dma_wait3A_40 : memref<128x128xf32, #tpu.memory_space<vmem_shared>>)
      tpu.yield
    }) : () -> ()
    %barrier3A = arith.constant 0 : index
    tpu.barrier barrier_id(%barrier3A)
    %scan3A_25 = arith.constant 0 : i32
    %scan3A_26 = arith.constant 79 : i32
    %scan3A_27 = arith.addi %scan3A_25, %scan3A_26 : i32
    %scan3A_28 = arith.constant 1 : i32
    scf.for %scan3A_35 = %scan3A_25 to %scan3A_27 step %scan3A_28  : i32 {
      %dma_start3A = arith.constant 0 : i32
      %dma_start3A_36 = tpu.memref_slice %arg6[%scan3A_35, %dma_start3A] : memref<79x128xi32, #tpu.memory_space<vmem>> -> memref<1x128xi32, #tpu.memory_space<vmem>>
      %dma_start3A_37 = tpu.memref_squeeze %dma_start3A_36 : memref<1x128xi32, #tpu.memory_space<vmem>> -> memref<128xi32, #tpu.memory_space<vmem>>
      %dma_start3A_38 = arith.constant 0 : i32
      %dma_start3A_39 = arith.constant 0 : i32
      %dma_start3A_40 = tpu.memref_slice %arg2[%dma_start3A_38, %dma_start3A_39] : memref<10240x128xf32, #tpu.memory_space<hbm>> -> memref<10240x128xf32, #tpu.memory_space<hbm>>
      tpu.enqueue_indirect_dma source(%dma_start3A_40 : memref<10240x128xf32, #tpu.memory_space<hbm>>) target(%arg8 : memref<128x128xf32, #tpu.memory_space<vmem>>) offsets(%dma_start3A_37 : memref<128xi32, #tpu.memory_space<vmem>>) semaphore(%arg11 : memref<!tpu.dma_semaphore, #tpu.memory_space<semaphore_mem>>)
      %dma_wait3A = arith.constant 0 : i32
      %dma_wait3A_41 = tpu.memref_slice %arg6[%scan3A_35, %dma_wait3A] : memref<79x128xi32, #tpu.memory_space<vmem>> -> memref<1x128xi32, #tpu.memory_space<vmem>>
      %dma_wait3A_42 = tpu.memref_squeeze %dma_wait3A_41 : memref<1x128xi32, #tpu.memory_space<vmem>> -> memref<128xi32, #tpu.memory_space<vmem>>
      %dma_wait3A_43 = arith.constant 0 : i32
      %dma_wait3A_44 = arith.constant 0 : i32
      %dma_wait3A_45 = tpu.memref_slice %arg2[%dma_wait3A_43, %dma_wait3A_44] : memref<10240x128xf32, #tpu.memory_space<hbm>> -> memref<10240x128xf32, #tpu.memory_space<hbm>>
      tpu.wait_indirect_dma semaphore(%arg11 : memref<!tpu.dma_semaphore, #tpu.memory_space<semaphore_mem>>) src(%dma_wait3A_45 : memref<10240x128xf32, #tpu.memory_space<hbm>>) dst(%arg8 : memref<128x128xf32, #tpu.memory_space<vmem>>)
      "tpu.region"() ({
        %run_scoped3A = tpu.sem_alloc : memref<!tpu.dma_semaphore, #tpu.memory_space<semaphore_mem>>
        %dma_start3A_46 = arith.constant 0 : i32
        %dma_start3A_47 = tpu.memref_slice %arg7[%scan3A_35, %dma_start3A_46] : memref<79x128xi32, #tpu.memory_space<vmem>> -> memref<1x128xi32, #tpu.memory_space<vmem>>
        %dma_start3A_48 = tpu.memref_squeeze %dma_start3A_47 : memref<1x128xi32, #tpu.memory_space<vmem>> -> memref<128xi32, #tpu.memory_space<vmem>>
        %dma_start3A_49 = arith.constant 0 : i32
        %dma_start3A_50 = arith.constant 0 : i32
        %dma_start3A_51 = tpu.memref_slice %arg10[%dma_start3A_49, %dma_start3A_50] : memref<10240x128xf32, #tpu.memory_space<vmem_shared>> -> memref<10240x128xf32, #tpu.memory_space<vmem_shared>>
        tpu.enqueue_indirect_dma source(%arg8 : memref<128x128xf32, #tpu.memory_space<vmem>>) target(%dma_start3A_51 : memref<10240x128xf32, #tpu.memory_space<vmem_shared>>) offsets(%dma_start3A_48 : memref<128xi32, #tpu.memory_space<vmem>>) semaphore(%run_scoped3A : memref<!tpu.dma_semaphore, #tpu.memory_space<semaphore_mem>>) {add = true}
        %dma_wait3A_52 = arith.constant 0 : i32
        %dma_wait3A_53 = tpu.memref_slice %arg7[%scan3A_35, %dma_wait3A_52] : memref<79x128xi32, #tpu.memory_space<vmem>> -> memref<1x128xi32, #tpu.memory_space<vmem>>
        %dma_wait3A_54 = tpu.memref_squeeze %dma_wait3A_53 : memref<1x128xi32, #tpu.memory_space<vmem>> -> memref<128xi32, #tpu.memory_space<vmem>>
        %dma_wait3A_55 = arith.constant 0 : i32
        %dma_wait3A_56 = arith.constant 0 : i32
        %dma_wait3A_57 = tpu.memref_slice %arg10[%dma_wait3A_55, %dma_wait3A_56] : memref<10240x128xf32, #tpu.memory_space<vmem_shared>> -> memref<10240x128xf32, #tpu.memory_space<vmem_shared>>
        tpu.wait_indirect_dma semaphore(%run_scoped3A : memref<!tpu.dma_semaphore, #tpu.memory_space<semaphore_mem>>) src(%arg8 : memref<128x128xf32, #tpu.memory_space<vmem>>) dst(%dma_wait3A_57 : memref<10240x128xf32, #tpu.memory_space<vmem_shared>>)
        tpu.yield
      }) : () -> ()
    }
    %scan3A_29 = arith.constant 79 : i32
    %barrier3A_30 = arith.constant 0 : index
    tpu.barrier barrier_id(%barrier3A_30)
    %mul3A_31 = arith.constant 640 : i32
    %mul3A_32 = arith.muli %arg1, %mul3A_31 : i32
    %mul3A_33 = arith.constant 640 : i32
    %mul3A_34 = arith.muli %arg1, %mul3A_33 : i32
    "tpu.region"() ({
      %run_scoped3A = tpu.sem_alloc : memref<!tpu.dma_semaphore, #tpu.memory_space<semaphore_mem>>
      %dma_start3A = arith.constant 0 : i32
      %dma_start3A_35 = tpu.memref_slice %arg5[%arg0, %mul3A_34, %dma_start3A] : memref<2x10240x128xf32, #tpu.memory_space<hbm>> -> memref<1x640x128xf32, #tpu.memory_space<hbm>>
      %dma_start3A_36 = tpu.memref_squeeze %dma_start3A_35 : memref<1x640x128xf32, #tpu.memory_space<hbm>> -> memref<640x128xf32, #tpu.memory_space<hbm>>
      %dma_start3A_37 = arith.constant 0 : i32
      %dma_start3A_38 = tpu.memref_slice %arg10[%mul3A_32, %dma_start3A_37] : memref<10240x128xf32, #tpu.memory_space<vmem_shared>> -> memref<640x128xf32, #tpu.memory_space<vmem_shared>>
      tpu.enqueue_dma source(%dma_start3A_38 : memref<640x128xf32, #tpu.memory_space<vmem_shared>>) target(%dma_start3A_36 : memref<640x128xf32, #tpu.memory_space<hbm>>) target_semaphore(%run_scoped3A : memref<!tpu.dma_semaphore, #tpu.memory_space<semaphore_mem>>)
      %dma_wait3A = arith.constant 0 : i32
      %dma_wait3A_39 = tpu.memref_slice %arg5[%arg0, %mul3A_34, %dma_wait3A] : memref<2x10240x128xf32, #tpu.memory_space<hbm>> -> memref<1x640x128xf32, #tpu.memory_space<hbm>>
      %dma_wait3A_40 = tpu.memref_squeeze %dma_wait3A_39 : memref<1x640x128xf32, #tpu.memory_space<hbm>> -> memref<640x128xf32, #tpu.memory_space<hbm>>
      %dma_wait3A_41 = arith.constant 0 : i32
      %dma_wait3A_42 = tpu.memref_slice %arg10[%mul3A_32, %dma_wait3A_41] : memref<10240x128xf32, #tpu.memory_space<vmem_shared>> -> memref<640x128xf32, #tpu.memory_space<vmem_shared>>
      tpu.wait_dma2 semaphore(%run_scoped3A : memref<!tpu.dma_semaphore, #tpu.memory_space<semaphore_mem>>) src(%dma_wait3A_42 : memref<640x128xf32, #tpu.memory_space<vmem_shared>>) dst(%dma_wait3A_40 : memref<640x128xf32, #tpu.memory_space<hbm>>)
      tpu.yield
    }) : () -> ()
    return
  }
}

#map = affine_map<(d0, d1) -> (0, 0, 0)>
module attributes {stable_mosaic.version = 14 : i64} {
  func.func @kern(%arg0: i32, %arg1: i32, %arg2: memref<32x79x128xi32, #tpu.memory_space<hbm>>, %arg3: memref<32x79x128xi32, #tpu.memory_space<hbm>>, %arg4: memref<2x2x10240xf32, #tpu.memory_space<hbm>>, %arg5: memref<79x128xi32, #tpu.memory_space<vmem>>, %arg6: memref<79x128xi32, #tpu.memory_space<vmem>>, %arg7: memref<640xf32, #tpu.memory_space<vmem>>, %arg8: memref<128xf32, #tpu.memory_space<vmem>>, %arg9: memref<10240xf32, #tpu.memory_space<vmem_shared>>, %arg10: memref<10240xf32, #tpu.memory_space<vmem_shared>>) attributes {dimension_semantics = [#tpu.dimension_semantics<core_parallel>, #tpu.dimension_semantics<subcore_parallel>], iteration_bounds = array<i64: 2, 16>, scalar_prefetch = 0 : i64, scratch_operands = 6 : i64, tpu.core_type = #tpu.core_type<sc_vector_subcore>, window_params = [{transform_indices = #map}, {transform_indices = #map}, {transform_indices = #map}]} {
    %mul3A = arith.constant 2 : i32
    %mul3A_0 = arith.muli %arg1, %mul3A : i32
    %add3A = arith.addi %mul3A_0, %arg0 : i32
    "tpu.region"() ({
      %run_scoped3A_29 = tpu.sem_alloc : memref<!tpu.dma_semaphore, #tpu.memory_space<semaphore_mem>>
      %dma_start3A = arith.constant 0 : i32
      %dma_start3A_30 = arith.constant 0 : i32
      %dma_start3A_31 = tpu.memref_slice %arg2[%add3A, %dma_start3A, %dma_start3A_30] : memref<32x79x128xi32, #tpu.memory_space<hbm>> -> memref<1x79x128xi32, #tpu.memory_space<hbm>>
      %dma_start3A_32 = tpu.memref_squeeze %dma_start3A_31 : memref<1x79x128xi32, #tpu.memory_space<hbm>> -> memref<79x128xi32, #tpu.memory_space<hbm>>
      %dma_start3A_33 = arith.constant 0 : i32
      %dma_start3A_34 = arith.constant 0 : i32
      %dma_start3A_35 = tpu.memref_slice %arg2[%add3A, %dma_start3A_33, %dma_start3A_34] : memref<32x79x128xi32, #tpu.memory_space<hbm>> -> memref<1x79x128xi32, #tpu.memory_space<hbm>>
      %dma_start3A_36 = tpu.memref_squeeze %dma_start3A_35 : memref<1x79x128xi32, #tpu.memory_space<hbm>> -> memref<79x128xi32, #tpu.memory_space<hbm>>
      tpu.enqueue_dma source(%dma_start3A_36 : memref<79x128xi32, #tpu.memory_space<hbm>>) target(%arg5 : memref<79x128xi32, #tpu.memory_space<vmem>>) target_semaphore(%run_scoped3A_29 : memref<!tpu.dma_semaphore, #tpu.memory_space<semaphore_mem>>)
      %dma_wait3A = arith.constant 0 : i32
      %dma_wait3A_37 = arith.constant 0 : i32
      %dma_wait3A_38 = tpu.memref_slice %arg2[%add3A, %dma_wait3A, %dma_wait3A_37] : memref<32x79x128xi32, #tpu.memory_space<hbm>> -> memref<1x79x128xi32, #tpu.memory_space<hbm>>
      %dma_wait3A_39 = tpu.memref_squeeze %dma_wait3A_38 : memref<1x79x128xi32, #tpu.memory_space<hbm>> -> memref<79x128xi32, #tpu.memory_space<hbm>>
      %dma_wait3A_40 = arith.constant 0 : i32
      %dma_wait3A_41 = arith.constant 0 : i32
      %dma_wait3A_42 = tpu.memref_slice %arg2[%add3A, %dma_wait3A_40, %dma_wait3A_41] : memref<32x79x128xi32, #tpu.memory_space<hbm>> -> memref<1x79x128xi32, #tpu.memory_space<hbm>>
      %dma_wait3A_43 = tpu.memref_squeeze %dma_wait3A_42 : memref<1x79x128xi32, #tpu.memory_space<hbm>> -> memref<79x128xi32, #tpu.memory_space<hbm>>
      tpu.wait_dma2 semaphore(%run_scoped3A_29 : memref<!tpu.dma_semaphore, #tpu.memory_space<semaphore_mem>>) src(%dma_wait3A_43 : memref<79x128xi32, #tpu.memory_space<hbm>>) dst(%arg5 : memref<79x128xi32, #tpu.memory_space<vmem>>)
      tpu.yield
    }) : () -> ()
    "tpu.region"() ({
      %run_scoped3A_29 = tpu.sem_alloc : memref<!tpu.dma_semaphore, #tpu.memory_space<semaphore_mem>>
      %dma_start3A = arith.constant 0 : i32
      %dma_start3A_30 = arith.constant 0 : i32
      %dma_start3A_31 = tpu.memref_slice %arg3[%add3A, %dma_start3A, %dma_start3A_30] : memref<32x79x128xi32, #tpu.memory_space<hbm>> -> memref<1x79x128xi32, #tpu.memory_space<hbm>>
      %dma_start3A_32 = tpu.memref_squeeze %dma_start3A_31 : memref<1x79x128xi32, #tpu.memory_space<hbm>> -> memref<79x128xi32, #tpu.memory_space<hbm>>
      %dma_start3A_33 = arith.constant 0 : i32
      %dma_start3A_34 = arith.constant 0 : i32
      %dma_start3A_35 = tpu.memref_slice %arg3[%add3A, %dma_start3A_33, %dma_start3A_34] : memref<32x79x128xi32, #tpu.memory_space<hbm>> -> memref<1x79x128xi32, #tpu.memory_space<hbm>>
      %dma_start3A_36 = tpu.memref_squeeze %dma_start3A_35 : memref<1x79x128xi32, #tpu.memory_space<hbm>> -> memref<79x128xi32, #tpu.memory_space<hbm>>
      tpu.enqueue_dma source(%dma_start3A_36 : memref<79x128xi32, #tpu.memory_space<hbm>>) target(%arg6 : memref<79x128xi32, #tpu.memory_space<vmem>>) target_semaphore(%run_scoped3A_29 : memref<!tpu.dma_semaphore, #tpu.memory_space<semaphore_mem>>)
      %dma_wait3A = arith.constant 0 : i32
      %dma_wait3A_37 = arith.constant 0 : i32
      %dma_wait3A_38 = tpu.memref_slice %arg3[%add3A, %dma_wait3A, %dma_wait3A_37] : memref<32x79x128xi32, #tpu.memory_space<hbm>> -> memref<1x79x128xi32, #tpu.memory_space<hbm>>
      %dma_wait3A_39 = tpu.memref_squeeze %dma_wait3A_38 : memref<1x79x128xi32, #tpu.memory_space<hbm>> -> memref<79x128xi32, #tpu.memory_space<hbm>>
      %dma_wait3A_40 = arith.constant 0 : i32
      %dma_wait3A_41 = arith.constant 0 : i32
      %dma_wait3A_42 = tpu.memref_slice %arg3[%add3A, %dma_wait3A_40, %dma_wait3A_41] : memref<32x79x128xi32, #tpu.memory_space<hbm>> -> memref<1x79x128xi32, #tpu.memory_space<hbm>>
      %dma_wait3A_43 = tpu.memref_squeeze %dma_wait3A_42 : memref<1x79x128xi32, #tpu.memory_space<hbm>> -> memref<79x128xi32, #tpu.memory_space<hbm>>
      tpu.wait_dma2 semaphore(%run_scoped3A_29 : memref<!tpu.dma_semaphore, #tpu.memory_space<semaphore_mem>>) src(%dma_wait3A_43 : memref<79x128xi32, #tpu.memory_space<hbm>>) dst(%arg6 : memref<79x128xi32, #tpu.memory_space<vmem>>)
      tpu.yield
    }) : () -> ()
    %scan3A = arith.constant 0 : i32
    %scan3A_1 = arith.constant 40 : i32
    %scan3A_2 = arith.addi %scan3A, %scan3A_1 : i32
    %scan3A_3 = arith.constant 1 : i32
    scf.for %scan3A_29 = %scan3A to %scan3A_2 step %scan3A_3  : i32 {
      %broadcast_in_dim3A = arith.constant 0.000000e+00 : f32
      %broadcast_in_dim3A_30 = vector.broadcast %broadcast_in_dim3A : f32 to vector<16xf32>
      %mul3A_31 = arith.constant 16 : i32
      %mul3A_32 = arith.muli %scan3A_29, %mul3A_31 : i32
      %swap3A = arith.index_cast %mul3A_32 : i32 to index
      %swap3A_33 = tpu.vector_load %arg7[%swap3A] {strides = array<i32>} : memref<640xf32, #tpu.memory_space<vmem>>, vector<16xf32>,
      %swap3A_34 = vector.shape_cast %swap3A_33 : vector<16xf32> to vector<16xf32>
      %swap3A_35 = vector.shape_cast %broadcast_in_dim3A_30 : vector<16xf32> to vector<16xf32>
      tpu.vector_store %arg7[%swap3A], %swap3A_35 {strides = array<i32>} : memref<640xf32, #tpu.memory_space<vmem>>, vector<16xf32>,
    }
    %scan3A_4 = arith.constant 40 : i32
    %scan3A_5 = arith.constant 0 : i32
    %scan3A_6 = arith.constant 8 : i32
    %scan3A_7 = arith.addi %scan3A_5, %scan3A_6 : i32
    %scan3A_8 = arith.constant 1 : i32
    scf.for %scan3A_29 = %scan3A_5 to %scan3A_7 step %scan3A_8  : i32 {
      %broadcast_in_dim3A = arith.constant 1.000000e+00 : f32
      %broadcast_in_dim3A_30 = vector.broadcast %broadcast_in_dim3A : f32 to vector<16xf32>
      %mul3A_31 = arith.constant 16 : i32
      %mul3A_32 = arith.muli %scan3A_29, %mul3A_31 : i32
      %swap3A = arith.index_cast %mul3A_32 : i32 to index
      %swap3A_33 = tpu.vector_load %arg8[%swap3A] {strides = array<i32>} : memref<128xf32, #tpu.memory_space<vmem>>, vector<16xf32>,
      %swap3A_34 = vector.shape_cast %swap3A_33 : vector<16xf32> to vector<16xf32>
      %swap3A_35 = vector.shape_cast %broadcast_in_dim3A_30 : vector<16xf32> to vector<16xf32>
      tpu.vector_store %arg8[%swap3A], %swap3A_35 {strides = array<i32>} : memref<128xf32, #tpu.memory_space<vmem>>, vector<16xf32>,
    }
    %scan3A_9 = arith.constant 8 : i32
    %mul3A_10 = arith.constant 640 : i32
    %mul3A_11 = arith.muli %arg1, %mul3A_10 : i32
    "tpu.region"() ({
      %run_scoped3A_29 = tpu.sem_alloc : memref<!tpu.dma_semaphore, #tpu.memory_space<semaphore_mem>>
      %dma_start3A = tpu.memref_slice %arg9[%mul3A_11] : memref<10240xf32, #tpu.memory_space<vmem_shared>> -> memref<640xf32, #tpu.memory_space<vmem_shared>>
      %dma_start3A_30 = tpu.memref_slice %arg9[%mul3A_11] : memref<10240xf32, #tpu.memory_space<vmem_shared>> -> memref<640xf32, #tpu.memory_space<vmem_shared>>
      tpu.enqueue_dma source(%arg7 : memref<640xf32, #tpu.memory_space<vmem>>) target(%dma_start3A_30 : memref<640xf32, #tpu.memory_space<vmem_shared>>) target_semaphore(%run_scoped3A_29 : memref<!tpu.dma_semaphore, #tpu.memory_space<semaphore_mem>>)
      %dma_wait3A = tpu.memref_slice %arg9[%mul3A_11] : memref<10240xf32, #tpu.memory_space<vmem_shared>> -> memref<640xf32, #tpu.memory_space<vmem_shared>>
      %dma_wait3A_31 = tpu.memref_slice %arg9[%mul3A_11] : memref<10240xf32, #tpu.memory_space<vmem_shared>> -> memref<640xf32, #tpu.memory_space<vmem_shared>>
      tpu.wait_dma2 semaphore(%run_scoped3A_29 : memref<!tpu.dma_semaphore, #tpu.memory_space<semaphore_mem>>) src(%arg7 : memref<640xf32, #tpu.memory_space<vmem>>) dst(%dma_wait3A_31 : memref<640xf32, #tpu.memory_space<vmem_shared>>)
      tpu.yield
    }) : () -> ()
    %mul3A_12 = arith.constant 640 : i32
    %mul3A_13 = arith.muli %arg1, %mul3A_12 : i32
    "tpu.region"() ({
      %run_scoped3A_29 = tpu.sem_alloc : memref<!tpu.dma_semaphore, #tpu.memory_space<semaphore_mem>>
      %dma_start3A = tpu.memref_slice %arg10[%mul3A_13] : memref<10240xf32, #tpu.memory_space<vmem_shared>> -> memref<640xf32, #tpu.memory_space<vmem_shared>>
      %dma_start3A_30 = tpu.memref_slice %arg10[%mul3A_13] : memref<10240xf32, #tpu.memory_space<vmem_shared>> -> memref<640xf32, #tpu.memory_space<vmem_shared>>
      tpu.enqueue_dma source(%arg7 : memref<640xf32, #tpu.memory_space<vmem>>) target(%dma_start3A_30 : memref<640xf32, #tpu.memory_space<vmem_shared>>) target_semaphore(%run_scoped3A_29 : memref<!tpu.dma_semaphore, #tpu.memory_space<semaphore_mem>>)
      %dma_wait3A = tpu.memref_slice %arg10[%mul3A_13] : memref<10240xf32, #tpu.memory_space<vmem_shared>> -> memref<640xf32, #tpu.memory_space<vmem_shared>>
      %dma_wait3A_31 = tpu.memref_slice %arg10[%mul3A_13] : memref<10240xf32, #tpu.memory_space<vmem_shared>> -> memref<640xf32, #tpu.memory_space<vmem_shared>>
      tpu.wait_dma2 semaphore(%run_scoped3A_29 : memref<!tpu.dma_semaphore, #tpu.memory_space<semaphore_mem>>) src(%arg7 : memref<640xf32, #tpu.memory_space<vmem>>) dst(%dma_wait3A_31 : memref<640xf32, #tpu.memory_space<vmem_shared>>)
      tpu.yield
    }) : () -> ()
    %barrier3A = arith.constant 0 : index
    tpu.barrier barrier_id(%barrier3A)
    %scan3A_14 = arith.constant 0 : i32
    %scan3A_15 = arith.constant 79 : i32
    %scan3A_16 = arith.addi %scan3A_14, %scan3A_15 : i32
    %scan3A_17 = arith.constant 1 : i32
    scf.for %scan3A_29 = %scan3A_14 to %scan3A_16 step %scan3A_17  : i32 {
      "tpu.region"() ({
        %run_scoped3A_30 = tpu.sem_alloc : memref<!tpu.dma_semaphore, #tpu.memory_space<semaphore_mem>>
        %dma_start3A = arith.constant 0 : i32
        %dma_start3A_31 = tpu.memref_slice %arg5[%scan3A_29, %dma_start3A] : memref<79x128xi32, #tpu.memory_space<vmem>> -> memref<1x128xi32, #tpu.memory_space<vmem>>
        %dma_start3A_32 = tpu.memref_squeeze %dma_start3A_31 : memref<1x128xi32, #tpu.memory_space<vmem>> -> memref<128xi32, #tpu.memory_space<vmem>>
        %dma_start3A_33 = arith.constant 0 : i32
        %dma_start3A_34 = tpu.memref_slice %arg9[%dma_start3A_33] : memref<10240xf32, #tpu.memory_space<vmem_shared>> -> memref<10240xf32, #tpu.memory_space<vmem_shared>>
        tpu.enqueue_indirect_dma source(%arg8 : memref<128xf32, #tpu.memory_space<vmem>>) target(%dma_start3A_34 : memref<10240xf32, #tpu.memory_space<vmem_shared>>) offsets(%dma_start3A_32 : memref<128xi32, #tpu.memory_space<vmem>>) semaphore(%run_scoped3A_30 : memref<!tpu.dma_semaphore, #tpu.memory_space<semaphore_mem>>) {add = true}
        %dma_wait3A = arith.constant 0 : i32
        %dma_wait3A_35 = tpu.memref_slice %arg5[%scan3A_29, %dma_wait3A] : memref<79x128xi32, #tpu.memory_space<vmem>> -> memref<1x128xi32, #tpu.memory_space<vmem>>
        %dma_wait3A_36 = tpu.memref_squeeze %dma_wait3A_35 : memref<1x128xi32, #tpu.memory_space<vmem>> -> memref<128xi32, #tpu.memory_space<vmem>>
        %dma_wait3A_37 = arith.constant 0 : i32
        %dma_wait3A_38 = tpu.memref_slice %arg9[%dma_wait3A_37] : memref<10240xf32, #tpu.memory_space<vmem_shared>> -> memref<10240xf32, #tpu.memory_space<vmem_shared>>
        tpu.wait_indirect_dma semaphore(%run_scoped3A_30 : memref<!tpu.dma_semaphore, #tpu.memory_space<semaphore_mem>>) src(%arg8 : memref<128xf32, #tpu.memory_space<vmem>>) dst(%dma_wait3A_38 : memref<10240xf32, #tpu.memory_space<vmem_shared>>)
        tpu.yield
      }) : () -> ()
      "tpu.region"() ({
        %run_scoped3A_30 = tpu.sem_alloc : memref<!tpu.dma_semaphore, #tpu.memory_space<semaphore_mem>>
        %dma_start3A = arith.constant 0 : i32
        %dma_start3A_31 = tpu.memref_slice %arg6[%scan3A_29, %dma_start3A] : memref<79x128xi32, #tpu.memory_space<vmem>> -> memref<1x128xi32, #tpu.memory_space<vmem>>
        %dma_start3A_32 = tpu.memref_squeeze %dma_start3A_31 : memref<1x128xi32, #tpu.memory_space<vmem>> -> memref<128xi32, #tpu.memory_space<vmem>>
        %dma_start3A_33 = arith.constant 0 : i32
        %dma_start3A_34 = tpu.memref_slice %arg10[%dma_start3A_33] : memref<10240xf32, #tpu.memory_space<vmem_shared>> -> memref<10240xf32, #tpu.memory_space<vmem_shared>>
        tpu.enqueue_indirect_dma source(%arg8 : memref<128xf32, #tpu.memory_space<vmem>>) target(%dma_start3A_34 : memref<10240xf32, #tpu.memory_space<vmem_shared>>) offsets(%dma_start3A_32 : memref<128xi32, #tpu.memory_space<vmem>>) semaphore(%run_scoped3A_30 : memref<!tpu.dma_semaphore, #tpu.memory_space<semaphore_mem>>) {add = true}
        %dma_wait3A = arith.constant 0 : i32
        %dma_wait3A_35 = tpu.memref_slice %arg6[%scan3A_29, %dma_wait3A] : memref<79x128xi32, #tpu.memory_space<vmem>> -> memref<1x128xi32, #tpu.memory_space<vmem>>
        %dma_wait3A_36 = tpu.memref_squeeze %dma_wait3A_35 : memref<1x128xi32, #tpu.memory_space<vmem>> -> memref<128xi32, #tpu.memory_space<vmem>>
        %dma_wait3A_37 = arith.constant 0 : i32
        %dma_wait3A_38 = tpu.memref_slice %arg10[%dma_wait3A_37] : memref<10240xf32, #tpu.memory_space<vmem_shared>> -> memref<10240xf32, #tpu.memory_space<vmem_shared>>
        tpu.wait_indirect_dma semaphore(%run_scoped3A_30 : memref<!tpu.dma_semaphore, #tpu.memory_space<semaphore_mem>>) src(%arg8 : memref<128xf32, #tpu.memory_space<vmem>>) dst(%dma_wait3A_38 : memref<10240xf32, #tpu.memory_space<vmem_shared>>)
        tpu.yield
      }) : () -> ()
    }
    %scan3A_18 = arith.constant 79 : i32
    %barrier3A_19 = arith.constant 0 : index
    tpu.barrier barrier_id(%barrier3A_19)
    %mul3A_20 = arith.constant 640 : i32
    %mul3A_21 = arith.muli %arg1, %mul3A_20 : i32
    %mul3A_22 = arith.constant 640 : i32
    %mul3A_23 = arith.muli %arg1, %mul3A_22 : i32
    %run_scoped3A = arith.constant 0 : i32
    "tpu.region"() ({
      %run_scoped3A_29 = tpu.sem_alloc : memref<!tpu.dma_semaphore, #tpu.memory_space<semaphore_mem>>
      %dma_start3A = tpu.memref_slice %arg4[%arg0, %run_scoped3A, %mul3A_23] : memref<2x2x10240xf32, #tpu.memory_space<hbm>> -> memref<1x1x640xf32, #tpu.memory_space<hbm>>
      %dma_start3A_30 = tpu.memref_squeeze %dma_start3A : memref<1x1x640xf32, #tpu.memory_space<hbm>> -> memref<640xf32, #tpu.memory_space<hbm>>
      %dma_start3A_31 = tpu.memref_slice %arg9[%mul3A_21] : memref<10240xf32, #tpu.memory_space<vmem_shared>> -> memref<640xf32, #tpu.memory_space<vmem_shared>>
      tpu.enqueue_dma source(%dma_start3A_31 : memref<640xf32, #tpu.memory_space<vmem_shared>>) target(%dma_start3A_30 : memref<640xf32, #tpu.memory_space<hbm>>) target_semaphore(%run_scoped3A_29 : memref<!tpu.dma_semaphore, #tpu.memory_space<semaphore_mem>>)
      %dma_wait3A = tpu.memref_slice %arg4[%arg0, %run_scoped3A, %mul3A_23] : memref<2x2x10240xf32, #tpu.memory_space<hbm>> -> memref<1x1x640xf32, #tpu.memory_space<hbm>>
      %dma_wait3A_32 = tpu.memref_squeeze %dma_wait3A : memref<1x1x640xf32, #tpu.memory_space<hbm>> -> memref<640xf32, #tpu.memory_space<hbm>>
      %dma_wait3A_33 = tpu.memref_slice %arg9[%mul3A_21] : memref<10240xf32, #tpu.memory_space<vmem_shared>> -> memref<640xf32, #tpu.memory_space<vmem_shared>>
      tpu.wait_dma2 semaphore(%run_scoped3A_29 : memref<!tpu.dma_semaphore, #tpu.memory_space<semaphore_mem>>) src(%dma_wait3A_33 : memref<640xf32, #tpu.memory_space<vmem_shared>>) dst(%dma_wait3A_32 : memref<640xf32, #tpu.memory_space<hbm>>)
      tpu.yield
    }) : () -> ()
    %mul3A_24 = arith.constant 640 : i32
    %mul3A_25 = arith.muli %arg1, %mul3A_24 : i32
    %mul3A_26 = arith.constant 640 : i32
    %mul3A_27 = arith.muli %arg1, %mul3A_26 : i32
    %run_scoped3A_28 = arith.constant 1 : i32
    "tpu.region"() ({
      %run_scoped3A_29 = tpu.sem_alloc : memref<!tpu.dma_semaphore, #tpu.memory_space<semaphore_mem>>
      %dma_start3A = tpu.memref_slice %arg4[%arg0, %run_scoped3A_28, %mul3A_27] : memref<2x2x10240xf32, #tpu.memory_space<hbm>> -> memref<1x1x640xf32, #tpu.memory_space<hbm>>
      %dma_start3A_30 = tpu.memref_squeeze %dma_start3A : memref<1x1x640xf32, #tpu.memory_space<hbm>> -> memref<640xf32, #tpu.memory_space<hbm>>
      %dma_start3A_31 = tpu.memref_slice %arg10[%mul3A_25] : memref<10240xf32, #tpu.memory_space<vmem_shared>> -> memref<640xf32, #tpu.memory_space<vmem_shared>>
      tpu.enqueue_dma source(%dma_start3A_31 : memref<640xf32, #tpu.memory_space<vmem_shared>>) target(%dma_start3A_30 : memref<640xf32, #tpu.memory_space<hbm>>) target_semaphore(%run_scoped3A_29 : memref<!tpu.dma_semaphore, #tpu.memory_space<semaphore_mem>>)
      %dma_wait3A = tpu.memref_slice %arg4[%arg0, %run_scoped3A_28, %mul3A_27] : memref<2x2x10240xf32, #tpu.memory_space<hbm>> -> memref<1x1x640xf32, #tpu.memory_space<hbm>>
      %dma_wait3A_32 = tpu.memref_squeeze %dma_wait3A : memref<1x1x640xf32, #tpu.memory_space<hbm>> -> memref<640xf32, #tpu.memory_space<hbm>>
      %dma_wait3A_33 = tpu.memref_slice %arg10[%mul3A_25] : memref<10240xf32, #tpu.memory_space<vmem_shared>> -> memref<640xf32, #tpu.memory_space<vmem_shared>>
      tpu.wait_dma2 semaphore(%run_scoped3A_29 : memref<!tpu.dma_semaphore, #tpu.memory_space<semaphore_mem>>) src(%dma_wait3A_33 : memref<640xf32, #tpu.memory_space<vmem_shared>>) dst(%dma_wait3A_32 : memref<640xf32, #tpu.memory_space<hbm>>)
      tpu.yield
    }) : () -> ()
    return
  }
}

#map = affine_map<(d0, d1) -> (0, 0)>
#map1 = affine_map<(d0, d1) -> (0, 0, 0)>
module attributes {stable_mosaic.version = 14 : i64} {
  func.func @kern(%arg0: i32, %arg1: i32, %arg2: memref<10240x128xf32, #tpu.memory_space<hbm>>, %arg3: memref<32x79x128xi32, #tpu.memory_space<hbm>>, %arg4: memref<32x79x128xi32, #tpu.memory_space<hbm>>, %arg5: memref<2x10240x128xf32, #tpu.memory_space<hbm>>, %arg6: memref<79x128xi32, #tpu.memory_space<vmem>>, %arg7: memref<79x128xi32, #tpu.memory_space<vmem>>, %arg8: memref<128x128xf32, #tpu.memory_space<vmem>>, %arg9: memref<128x128xf32, #tpu.memory_space<vmem>>, %arg10: memref<10240x128xf32, #tpu.memory_space<vmem_shared>>, %arg11: memref<!tpu.dma_semaphore, #tpu.memory_space<semaphore_mem>>, %arg12: memref<!tpu.dma_semaphore, #tpu.memory_space<semaphore_mem>>) attributes {dimension_semantics = [#tpu.dimension_semantics<core_parallel>, #tpu.dimension_semantics<subcore_parallel>], iteration_bounds = array<i64: 2, 16>, scalar_prefetch = 0 : i64, scratch_operands = 7 : i64, tpu.core_type = #tpu.core_type<sc_vector_subcore>, window_params = [{transform_indices = #map}, {transform_indices = #map1}, {transform_indices = #map1}, {transform_indices = #map1}]} {
    %mul3A = arith.constant 2 : i32
    %mul3A_0 = arith.muli %arg1, %mul3A : i32
    %add3A = arith.addi %mul3A_0, %arg0 : i32
    "tpu.region"() ({
      %run_scoped3A = tpu.sem_alloc : memref<!tpu.dma_semaphore, #tpu.memory_space<semaphore_mem>>
      %dma_start3A = arith.constant 0 : i32
      %dma_start3A_35 = arith.constant 0 : i32
      %dma_start3A_36 = tpu.memref_slice %arg3[%add3A, %dma_start3A, %dma_start3A_35] : memref<32x79x128xi32, #tpu.memory_space<hbm>> -> memref<1x79x128xi32, #tpu.memory_space<hbm>>
      %dma_start3A_37 = tpu.memref_squeeze %dma_start3A_36 : memref<1x79x128xi32, #tpu.memory_space<hbm>> -> memref<79x128xi32, #tpu.memory_space<hbm>>
      %dma_start3A_38 = arith.constant 0 : i32
      %dma_start3A_39 = arith.constant 0 : i32
      %dma_start3A_40 = tpu.memref_slice %arg3[%add3A, %dma_start3A_38, %dma_start3A_39] : memref<32x79x128xi32, #tpu.memory_space<hbm>> -> memref<1x79x128xi32, #tpu.memory_space<hbm>>
      %dma_start3A_41 = tpu.memref_squeeze %dma_start3A_40 : memref<1x79x128xi32, #tpu.memory_space<hbm>> -> memref<79x128xi32, #tpu.memory_space<hbm>>
      tpu.enqueue_dma source(%dma_start3A_41 : memref<79x128xi32, #tpu.memory_space<hbm>>) target(%arg6 : memref<79x128xi32, #tpu.memory_space<vmem>>) target_semaphore(%run_scoped3A : memref<!tpu.dma_semaphore, #tpu.memory_space<semaphore_mem>>)
      %dma_wait3A = arith.constant 0 : i32
      %dma_wait3A_42 = arith.constant 0 : i32
      %dma_wait3A_43 = tpu.memref_slice %arg3[%add3A, %dma_wait3A, %dma_wait3A_42] : memref<32x79x128xi32, #tpu.memory_space<hbm>> -> memref<1x79x128xi32, #tpu.memory_space<hbm>>
      %dma_wait3A_44 = tpu.memref_squeeze %dma_wait3A_43 : memref<1x79x128xi32, #tpu.memory_space<hbm>> -> memref<79x128xi32, #tpu.memory_space<hbm>>
      %dma_wait3A_45 = arith.constant 0 : i32
      %dma_wait3A_46 = arith.constant 0 : i32
      %dma_wait3A_47 = tpu.memref_slice %arg3[%add3A, %dma_wait3A_45, %dma_wait3A_46] : memref<32x79x128xi32, #tpu.memory_space<hbm>> -> memref<1x79x128xi32, #tpu.memory_space<hbm>>
      %dma_wait3A_48 = tpu.memref_squeeze %dma_wait3A_47 : memref<1x79x128xi32, #tpu.memory_space<hbm>> -> memref<79x128xi32, #tpu.memory_space<hbm>>
      tpu.wait_dma2 semaphore(%run_scoped3A : memref<!tpu.dma_semaphore, #tpu.memory_space<semaphore_mem>>) src(%dma_wait3A_48 : memref<79x128xi32, #tpu.memory_space<hbm>>) dst(%arg6 : memref<79x128xi32, #tpu.memory_space<vmem>>)
      tpu.yield
    }) : () -> ()
    "tpu.region"() ({
      %run_scoped3A = tpu.sem_alloc : memref<!tpu.dma_semaphore, #tpu.memory_space<semaphore_mem>>
      %dma_start3A = arith.constant 0 : i32
      %dma_start3A_35 = arith.constant 0 : i32
      %dma_start3A_36 = tpu.memref_slice %arg4[%add3A, %dma_start3A, %dma_start3A_35] : memref<32x79x128xi32, #tpu.memory_space<hbm>> -> memref<1x79x128xi32, #tpu.memory_space<hbm>>
      %dma_start3A_37 = tpu.memref_squeeze %dma_start3A_36 : memref<1x79x128xi32, #tpu.memory_space<hbm>> -> memref<79x128xi32, #tpu.memory_space<hbm>>
      %dma_start3A_38 = arith.constant 0 : i32
      %dma_start3A_39 = arith.constant 0 : i32
      %dma_start3A_40 = tpu.memref_slice %arg4[%add3A, %dma_start3A_38, %dma_start3A_39] : memref<32x79x128xi32, #tpu.memory_space<hbm>> -> memref<1x79x128xi32, #tpu.memory_space<hbm>>
      %dma_start3A_41 = tpu.memref_squeeze %dma_start3A_40 : memref<1x79x128xi32, #tpu.memory_space<hbm>> -> memref<79x128xi32, #tpu.memory_space<hbm>>
      tpu.enqueue_dma source(%dma_start3A_41 : memref<79x128xi32, #tpu.memory_space<hbm>>) target(%arg7 : memref<79x128xi32, #tpu.memory_space<vmem>>) target_semaphore(%run_scoped3A : memref<!tpu.dma_semaphore, #tpu.memory_space<semaphore_mem>>)
      %dma_wait3A = arith.constant 0 : i32
      %dma_wait3A_42 = arith.constant 0 : i32
      %dma_wait3A_43 = tpu.memref_slice %arg4[%add3A, %dma_wait3A, %dma_wait3A_42] : memref<32x79x128xi32, #tpu.memory_space<hbm>> -> memref<1x79x128xi32, #tpu.memory_space<hbm>>
      %dma_wait3A_44 = tpu.memref_squeeze %dma_wait3A_43 : memref<1x79x128xi32, #tpu.memory_space<hbm>> -> memref<79x128xi32, #tpu.memory_space<hbm>>
      %dma_wait3A_45 = arith.constant 0 : i32
      %dma_wait3A_46 = arith.constant 0 : i32
      %dma_wait3A_47 = tpu.memref_slice %arg4[%add3A, %dma_wait3A_45, %dma_wait3A_46] : memref<32x79x128xi32, #tpu.memory_space<hbm>> -> memref<1x79x128xi32, #tpu.memory_space<hbm>>
      %dma_wait3A_48 = tpu.memref_squeeze %dma_wait3A_47 : memref<1x79x128xi32, #tpu.memory_space<hbm>> -> memref<79x128xi32, #tpu.memory_space<hbm>>
      tpu.wait_dma2 semaphore(%run_scoped3A : memref<!tpu.dma_semaphore, #tpu.memory_space<semaphore_mem>>) src(%dma_wait3A_48 : memref<79x128xi32, #tpu.memory_space<hbm>>) dst(%arg7 : memref<79x128xi32, #tpu.memory_space<vmem>>)
      tpu.yield
    }) : () -> ()
    %scan3A = arith.constant 0 : i32
    %scan3A_1 = arith.constant 128 : i32
    %scan3A_2 = arith.addi %scan3A, %scan3A_1 : i32
    %scan3A_3 = arith.constant 1 : i32
    scf.for %scan3A_35 = %scan3A to %scan3A_2 step %scan3A_3  : i32 {
      %broadcast_in_dim3A = arith.constant 0.000000e+00 : f32
      %broadcast_in_dim3A_36 = vector.broadcast %broadcast_in_dim3A : f32 to vector<16xf32>
      %swap3A = arith.index_cast %scan3A_35 : i32 to index
      %swap3A_37 = arith.constant 0 : index
      %swap3A_38 = tpu.vector_load %arg8[%swap3A, %swap3A_37] {strides = array<i32>} : memref<128x128xf32, #tpu.memory_space<vmem>>, vector<1x16xf32>,
      %swap3A_39 = vector.shape_cast %swap3A_38 : vector<1x16xf32> to vector<16xf32>
      %swap3A_40 = vector.shape_cast %broadcast_in_dim3A_36 : vector<16xf32> to vector<1x16xf32>
      tpu.vector_store %arg8[%swap3A, %swap3A_37], %swap3A_40 {strides = array<i32>} : memref<128x128xf32, #tpu.memory_space<vmem>>, vector<1x16xf32>,
      %broadcast_in_dim3A_41 = arith.constant 0.000000e+00 : f32
      %broadcast_in_dim3A_42 = vector.broadcast %broadcast_in_dim3A_41 : f32 to vector<16xf32>
      %swap3A_43 = arith.index_cast %scan3A_35 : i32 to index
      %swap3A_44 = arith.constant 16 : index
      %swap3A_45 = tpu.vector_load %arg8[%swap3A_43, %swap3A_44] {strides = array<i32>} : memref<128x128xf32, #tpu.memory_space<vmem>>, vector<1x16xf32>,
      %swap3A_46 = vector.shape_cast %swap3A_45 : vector<1x16xf32> to vector<16xf32>
      %swap3A_47 = vector.shape_cast %broadcast_in_dim3A_42 : vector<16xf32> to vector<1x16xf32>
      tpu.vector_store %arg8[%swap3A_43, %swap3A_44], %swap3A_47 {strides = array<i32>} : memref<128x128xf32, #tpu.memory_space<vmem>>, vector<1x16xf32>,
      %broadcast_in_dim3A_48 = arith.constant 0.000000e+00 : f32
      %broadcast_in_dim3A_49 = vector.broadcast %broadcast_in_dim3A_48 : f32 to vector<16xf32>
      %swap3A_50 = arith.index_cast %scan3A_35 : i32 to index
      %swap3A_51 = arith.constant 32 : index
      %swap3A_52 = tpu.vector_load %arg8[%swap3A_50, %swap3A_51] {strides = array<i32>} : memref<128x128xf32, #tpu.memory_space<vmem>>, vector<1x16xf32>,
      %swap3A_53 = vector.shape_cast %swap3A_52 : vector<1x16xf32> to vector<16xf32>
      %swap3A_54 = vector.shape_cast %broadcast_in_dim3A_49 : vector<16xf32> to vector<1x16xf32>
      tpu.vector_store %arg8[%swap3A_50, %swap3A_51], %swap3A_54 {strides = array<i32>} : memref<128x128xf32, #tpu.memory_space<vmem>>, vector<1x16xf32>,
      %broadcast_in_dim3A_55 = arith.constant 0.000000e+00 : f32
      %broadcast_in_dim3A_56 = vector.broadcast %broadcast_in_dim3A_55 : f32 to vector<16xf32>
      %swap3A_57 = arith.index_cast %scan3A_35 : i32 to index
      %swap3A_58 = arith.constant 48 : index
      %swap3A_59 = tpu.vector_load %arg8[%swap3A_57, %swap3A_58] {strides = array<i32>} : memref<128x128xf32, #tpu.memory_space<vmem>>, vector<1x16xf32>,
      %swap3A_60 = vector.shape_cast %swap3A_59 : vector<1x16xf32> to vector<16xf32>
      %swap3A_61 = vector.shape_cast %broadcast_in_dim3A_56 : vector<16xf32> to vector<1x16xf32>
      tpu.vector_store %arg8[%swap3A_57, %swap3A_58], %swap3A_61 {strides = array<i32>} : memref<128x128xf32, #tpu.memory_space<vmem>>, vector<1x16xf32>,
      %broadcast_in_dim3A_62 = arith.constant 0.000000e+00 : f32
      %broadcast_in_dim3A_63 = vector.broadcast %broadcast_in_dim3A_62 : f32 to vector<16xf32>
      %swap3A_64 = arith.index_cast %scan3A_35 : i32 to index
      %swap3A_65 = arith.constant 64 : index
      %swap3A_66 = tpu.vector_load %arg8[%swap3A_64, %swap3A_65] {strides = array<i32>} : memref<128x128xf32, #tpu.memory_space<vmem>>, vector<1x16xf32>,
      %swap3A_67 = vector.shape_cast %swap3A_66 : vector<1x16xf32> to vector<16xf32>
      %swap3A_68 = vector.shape_cast %broadcast_in_dim3A_63 : vector<16xf32> to vector<1x16xf32>
      tpu.vector_store %arg8[%swap3A_64, %swap3A_65], %swap3A_68 {strides = array<i32>} : memref<128x128xf32, #tpu.memory_space<vmem>>, vector<1x16xf32>,
      %broadcast_in_dim3A_69 = arith.constant 0.000000e+00 : f32
      %broadcast_in_dim3A_70 = vector.broadcast %broadcast_in_dim3A_69 : f32 to vector<16xf32>
      %swap3A_71 = arith.index_cast %scan3A_35 : i32 to index
      %swap3A_72 = arith.constant 80 : index
      %swap3A_73 = tpu.vector_load %arg8[%swap3A_71, %swap3A_72] {strides = array<i32>} : memref<128x128xf32, #tpu.memory_space<vmem>>, vector<1x16xf32>,
      %swap3A_74 = vector.shape_cast %swap3A_73 : vector<1x16xf32> to vector<16xf32>
      %swap3A_75 = vector.shape_cast %broadcast_in_dim3A_70 : vector<16xf32> to vector<1x16xf32>
      tpu.vector_store %arg8[%swap3A_71, %swap3A_72], %swap3A_75 {strides = array<i32>} : memref<128x128xf32, #tpu.memory_space<vmem>>, vector<1x16xf32>,
      %broadcast_in_dim3A_76 = arith.constant 0.000000e+00 : f32
      %broadcast_in_dim3A_77 = vector.broadcast %broadcast_in_dim3A_76 : f32 to vector<16xf32>
      %swap3A_78 = arith.index_cast %scan3A_35 : i32 to index
      %swap3A_79 = arith.constant 96 : index
      %swap3A_80 = tpu.vector_load %arg8[%swap3A_78, %swap3A_79] {strides = array<i32>} : memref<128x128xf32, #tpu.memory_space<vmem>>, vector<1x16xf32>,
      %swap3A_81 = vector.shape_cast %swap3A_80 : vector<1x16xf32> to vector<16xf32>
      %swap3A_82 = vector.shape_cast %broadcast_in_dim3A_77 : vector<16xf32> to vector<1x16xf32>
      tpu.vector_store %arg8[%swap3A_78, %swap3A_79], %swap3A_82 {strides = array<i32>} : memref<128x128xf32, #tpu.memory_space<vmem>>, vector<1x16xf32>,
      %broadcast_in_dim3A_83 = arith.constant 0.000000e+00 : f32
      %broadcast_in_dim3A_84 = vector.broadcast %broadcast_in_dim3A_83 : f32 to vector<16xf32>
      %swap3A_85 = arith.index_cast %scan3A_35 : i32 to index
      %swap3A_86 = arith.constant 112 : index
      %swap3A_87 = tpu.vector_load %arg8[%swap3A_85, %swap3A_86] {strides = array<i32>} : memref<128x128xf32, #tpu.memory_space<vmem>>, vector<1x16xf32>,
      %swap3A_88 = vector.shape_cast %swap3A_87 : vector<1x16xf32> to vector<16xf32>
      %swap3A_89 = vector.shape_cast %broadcast_in_dim3A_84 : vector<16xf32> to vector<1x16xf32>
      tpu.vector_store %arg8[%swap3A_85, %swap3A_86], %swap3A_89 {strides = array<i32>} : memref<128x128xf32, #tpu.memory_space<vmem>>, vector<1x16xf32>,
    }
    %scan3A_4 = arith.constant 128 : i32
    %mul3A_5 = arith.constant 640 : i32
    %mul3A_6 = arith.muli %arg1, %mul3A_5 : i32
    %add3A_7 = arith.constant 0 : i32
    %add3A_8 = arith.addi %mul3A_6, %add3A_7 : i32
    "tpu.region"() ({
      %run_scoped3A = tpu.sem_alloc : memref<!tpu.dma_semaphore, #tpu.memory_space<semaphore_mem>>
      %dma_start3A = arith.constant 0 : i32
      %dma_start3A_35 = tpu.memref_slice %arg10[%add3A_8, %dma_start3A] : memref<10240x128xf32, #tpu.memory_space<vmem_shared>> -> memref<128x128xf32, #tpu.memory_space<vmem_shared>>
      %dma_start3A_36 = arith.constant 0 : i32
      %dma_start3A_37 = tpu.memref_slice %arg10[%add3A_8, %dma_start3A_36] : memref<10240x128xf32, #tpu.memory_space<vmem_shared>> -> memref<128x128xf32, #tpu.memory_space<vmem_shared>>
      tpu.enqueue_dma source(%arg8 : memref<128x128xf32, #tpu.memory_space<vmem>>) target(%dma_start3A_37 : memref<128x128xf32, #tpu.memory_space<vmem_shared>>) target_semaphore(%run_scoped3A : memref<!tpu.dma_semaphore, #tpu.memory_space<semaphore_mem>>)
      %dma_wait3A = arith.constant 0 : i32
      %dma_wait3A_38 = tpu.memref_slice %arg10[%add3A_8, %dma_wait3A] : memref<10240x128xf32, #tpu.memory_space<vmem_shared>> -> memref<128x128xf32, #tpu.memory_space<vmem_shared>>
      %dma_wait3A_39 = arith.constant 0 : i32
      %dma_wait3A_40 = tpu.memref_slice %arg10[%add3A_8, %dma_wait3A_39] : memref<10240x128xf32, #tpu.memory_space<vmem_shared>> -> memref<128x128xf32, #tpu.memory_space<vmem_shared>>
      tpu.wait_dma2 semaphore(%run_scoped3A : memref<!tpu.dma_semaphore, #tpu.memory_space<semaphore_mem>>) src(%arg8 : memref<128x128xf32, #tpu.memory_space<vmem>>) dst(%dma_wait3A_40 : memref<128x128xf32, #tpu.memory_space<vmem_shared>>)
      tpu.yield
    }) : () -> ()
    %mul3A_9 = arith.constant 640 : i32
    %mul3A_10 = arith.muli %arg1, %mul3A_9 : i32
    %add3A_11 = arith.constant 128 : i32
    %add3A_12 = arith.addi %mul3A_10, %add3A_11 : i32
    "tpu.region"() ({
      %run_scoped3A = tpu.sem_alloc : memref<!tpu.dma_semaphore, #tpu.memory_space<semaphore_mem>>
      %dma_start3A = arith.constant 0 : i32
      %dma_start3A_35 = tpu.memref_slice %arg10[%add3A_12, %dma_start3A] : memref<10240x128xf32, #tpu.memory_space<vmem_shared>> -> memref<128x128xf32, #tpu.memory_space<vmem_shared>>
      %dma_start3A_36 = arith.constant 0 : i32
      %dma_start3A_37 = tpu.memref_slice %arg10[%add3A_12, %dma_start3A_36] : memref<10240x128xf32, #tpu.memory_space<vmem_shared>> -> memref<128x128xf32, #tpu.memory_space<vmem_shared>>
      tpu.enqueue_dma source(%arg8 : memref<128x128xf32, #tpu.memory_space<vmem>>) target(%dma_start3A_37 : memref<128x128xf32, #tpu.memory_space<vmem_shared>>) target_semaphore(%run_scoped3A : memref<!tpu.dma_semaphore, #tpu.memory_space<semaphore_mem>>)
      %dma_wait3A = arith.constant 0 : i32
      %dma_wait3A_38 = tpu.memref_slice %arg10[%add3A_12, %dma_wait3A] : memref<10240x128xf32, #tpu.memory_space<vmem_shared>> -> memref<128x128xf32, #tpu.memory_space<vmem_shared>>
      %dma_wait3A_39 = arith.constant 0 : i32
      %dma_wait3A_40 = tpu.memref_slice %arg10[%add3A_12, %dma_wait3A_39] : memref<10240x128xf32, #tpu.memory_space<vmem_shared>> -> memref<128x128xf32, #tpu.memory_space<vmem_shared>>
      tpu.wait_dma2 semaphore(%run_scoped3A : memref<!tpu.dma_semaphore, #tpu.memory_space<semaphore_mem>>) src(%arg8 : memref<128x128xf32, #tpu.memory_space<vmem>>) dst(%dma_wait3A_40 : memref<128x128xf32, #tpu.memory_space<vmem_shared>>)
      tpu.yield
    }) : () -> ()
    %mul3A_13 = arith.constant 640 : i32
    %mul3A_14 = arith.muli %arg1, %mul3A_13 : i32
    %add3A_15 = arith.constant 256 : i32
    %add3A_16 = arith.addi %mul3A_14, %add3A_15 : i32
    "tpu.region"() ({
      %run_scoped3A = tpu.sem_alloc : memref<!tpu.dma_semaphore, #tpu.memory_space<semaphore_mem>>
      %dma_start3A = arith.constant 0 : i32
      %dma_start3A_35 = tpu.memref_slice %arg10[%add3A_16, %dma_start3A] : memref<10240x128xf32, #tpu.memory_space<vmem_shared>> -> memref<128x128xf32, #tpu.memory_space<vmem_shared>>
      %dma_start3A_36 = arith.constant 0 : i32
      %dma_start3A_37 = tpu.memref_slice %arg10[%add3A_16, %dma_start3A_36] : memref<10240x128xf32, #tpu.memory_space<vmem_shared>> -> memref<128x128xf32, #tpu.memory_space<vmem_shared>>
      tpu.enqueue_dma source(%arg8 : memref<128x128xf32, #tpu.memory_space<vmem>>) target(%dma_start3A_37 : memref<128x128xf32, #tpu.memory_space<vmem_shared>>) target_semaphore(%run_scoped3A : memref<!tpu.dma_semaphore, #tpu.memory_space<semaphore_mem>>)
      %dma_wait3A = arith.constant 0 : i32
      %dma_wait3A_38 = tpu.memref_slice %arg10[%add3A_16, %dma_wait3A] : memref<10240x128xf32, #tpu.memory_space<vmem_shared>> -> memref<128x128xf32, #tpu.memory_space<vmem_shared>>
      %dma_wait3A_39 = arith.constant 0 : i32
      %dma_wait3A_40 = tpu.memref_slice %arg10[%add3A_16, %dma_wait3A_39] : memref<10240x128xf32, #tpu.memory_space<vmem_shared>> -> memref<128x128xf32, #tpu.memory_space<vmem_shared>>
      tpu.wait_dma2 semaphore(%run_scoped3A : memref<!tpu.dma_semaphore, #tpu.memory_space<semaphore_mem>>) src(%arg8 : memref<128x128xf32, #tpu.memory_space<vmem>>) dst(%dma_wait3A_40 : memref<128x128xf32, #tpu.memory_space<vmem_shared>>)
      tpu.yield
    }) : () -> ()
    %mul3A_17 = arith.constant 640 : i32
    %mul3A_18 = arith.muli %arg1, %mul3A_17 : i32
    %add3A_19 = arith.constant 384 : i32
    %add3A_20 = arith.addi %mul3A_18, %add3A_19 : i32
    "tpu.region"() ({
      %run_scoped3A = tpu.sem_alloc : memref<!tpu.dma_semaphore, #tpu.memory_space<semaphore_mem>>
      %dma_start3A = arith.constant 0 : i32
      %dma_start3A_35 = tpu.memref_slice %arg10[%add3A_20, %dma_start3A] : memref<10240x128xf32, #tpu.memory_space<vmem_shared>> -> memref<128x128xf32, #tpu.memory_space<vmem_shared>>
      %dma_start3A_36 = arith.constant 0 : i32
      %dma_start3A_37 = tpu.memref_slice %arg10[%add3A_20, %dma_start3A_36] : memref<10240x128xf32, #tpu.memory_space<vmem_shared>> -> memref<128x128xf32, #tpu.memory_space<vmem_shared>>
      tpu.enqueue_dma source(%arg8 : memref<128x128xf32, #tpu.memory_space<vmem>>) target(%dma_start3A_37 : memref<128x128xf32, #tpu.memory_space<vmem_shared>>) target_semaphore(%run_scoped3A : memref<!tpu.dma_semaphore, #tpu.memory_space<semaphore_mem>>)
      %dma_wait3A = arith.constant 0 : i32
      %dma_wait3A_38 = tpu.memref_slice %arg10[%add3A_20, %dma_wait3A] : memref<10240x128xf32, #tpu.memory_space<vmem_shared>> -> memref<128x128xf32, #tpu.memory_space<vmem_shared>>
      %dma_wait3A_39 = arith.constant 0 : i32
      %dma_wait3A_40 = tpu.memref_slice %arg10[%add3A_20, %dma_wait3A_39] : memref<10240x128xf32, #tpu.memory_space<vmem_shared>> -> memref<128x128xf32, #tpu.memory_space<vmem_shared>>
      tpu.wait_dma2 semaphore(%run_scoped3A : memref<!tpu.dma_semaphore, #tpu.memory_space<semaphore_mem>>) src(%arg8 : memref<128x128xf32, #tpu.memory_space<vmem>>) dst(%dma_wait3A_40 : memref<128x128xf32, #tpu.memory_space<vmem_shared>>)
      tpu.yield
    }) : () -> ()
    %mul3A_21 = arith.constant 640 : i32
    %mul3A_22 = arith.muli %arg1, %mul3A_21 : i32
    %add3A_23 = arith.constant 512 : i32
    %add3A_24 = arith.addi %mul3A_22, %add3A_23 : i32
    "tpu.region"() ({
      %run_scoped3A = tpu.sem_alloc : memref<!tpu.dma_semaphore, #tpu.memory_space<semaphore_mem>>
      %dma_start3A = arith.constant 0 : i32
      %dma_start3A_35 = tpu.memref_slice %arg10[%add3A_24, %dma_start3A] : memref<10240x128xf32, #tpu.memory_space<vmem_shared>> -> memref<128x128xf32, #tpu.memory_space<vmem_shared>>
      %dma_start3A_36 = arith.constant 0 : i32
      %dma_start3A_37 = tpu.memref_slice %arg10[%add3A_24, %dma_start3A_36] : memref<10240x128xf32, #tpu.memory_space<vmem_shared>> -> memref<128x128xf32, #tpu.memory_space<vmem_shared>>
      tpu.enqueue_dma source(%arg8 : memref<128x128xf32, #tpu.memory_space<vmem>>) target(%dma_start3A_37 : memref<128x128xf32, #tpu.memory_space<vmem_shared>>) target_semaphore(%run_scoped3A : memref<!tpu.dma_semaphore, #tpu.memory_space<semaphore_mem>>)
      %dma_wait3A = arith.constant 0 : i32
      %dma_wait3A_38 = tpu.memref_slice %arg10[%add3A_24, %dma_wait3A] : memref<10240x128xf32, #tpu.memory_space<vmem_shared>> -> memref<128x128xf32, #tpu.memory_space<vmem_shared>>
      %dma_wait3A_39 = arith.constant 0 : i32
      %dma_wait3A_40 = tpu.memref_slice %arg10[%add3A_24, %dma_wait3A_39] : memref<10240x128xf32, #tpu.memory_space<vmem_shared>> -> memref<128x128xf32, #tpu.memory_space<vmem_shared>>
      tpu.wait_dma2 semaphore(%run_scoped3A : memref<!tpu.dma_semaphore, #tpu.memory_space<semaphore_mem>>) src(%arg8 : memref<128x128xf32, #tpu.memory_space<vmem>>) dst(%dma_wait3A_40 : memref<128x128xf32, #tpu.memory_space<vmem_shared>>)
      tpu.yield
    }) : () -> ()
    %barrier3A = arith.constant 0 : index
    tpu.barrier barrier_id(%barrier3A)
    %scan3A_25 = arith.constant 0 : i32
    %scan3A_26 = arith.constant 79 : i32
    %scan3A_27 = arith.addi %scan3A_25, %scan3A_26 : i32
    %scan3A_28 = arith.constant 1 : i32
    scf.for %scan3A_35 = %scan3A_25 to %scan3A_27 step %scan3A_28  : i32 {
      %dma_start3A = arith.constant 0 : i32
      %dma_start3A_36 = tpu.memref_slice %arg6[%scan3A_35, %dma_start3A] : memref<79x128xi32, #tpu.memory_space<vmem>> -> memref<1x128xi32, #tpu.memory_space<vmem>>
      %dma_start3A_37 = tpu.memref_squeeze %dma_start3A_36 : memref<1x128xi32, #tpu.memory_space<vmem>> -> memref<128xi32, #tpu.memory_space<vmem>>
      %dma_start3A_38 = arith.constant 0 : i32
      %dma_start3A_39 = arith.constant 0 : i32
      %dma_start3A_40 = tpu.memref_slice %arg2[%dma_start3A_38, %dma_start3A_39] : memref<10240x128xf32, #tpu.memory_space<hbm>> -> memref<10240x128xf32, #tpu.memory_space<hbm>>
      tpu.enqueue_indirect_dma source(%dma_start3A_40 : memref<10240x128xf32, #tpu.memory_space<hbm>>) target(%arg8 : memref<128x128xf32, #tpu.memory_space<vmem>>) offsets(%dma_start3A_37 : memref<128xi32, #tpu.memory_space<vmem>>) semaphore(%arg11 : memref<!tpu.dma_semaphore, #tpu.memory_space<semaphore_mem>>)
      %dma_wait3A = arith.constant 0 : i32
      %dma_wait3A_41 = tpu.memref_slice %arg6[%scan3A_35, %dma_wait3A] : memref<79x128xi32, #tpu.memory_space<vmem>> -> memref<1x128xi32, #tpu.memory_space<vmem>>
      %dma_wait3A_42 = tpu.memref_squeeze %dma_wait3A_41 : memref<1x128xi32, #tpu.memory_space<vmem>> -> memref<128xi32, #tpu.memory_space<vmem>>
      %dma_wait3A_43 = arith.constant 0 : i32
      %dma_wait3A_44 = arith.constant 0 : i32
      %dma_wait3A_45 = tpu.memref_slice %arg2[%dma_wait3A_43, %dma_wait3A_44] : memref<10240x128xf32, #tpu.memory_space<hbm>> -> memref<10240x128xf32, #tpu.memory_space<hbm>>
      tpu.wait_indirect_dma semaphore(%arg11 : memref<!tpu.dma_semaphore, #tpu.memory_space<semaphore_mem>>) src(%dma_wait3A_45 : memref<10240x128xf32, #tpu.memory_space<hbm>>) dst(%arg8 : memref<128x128xf32, #tpu.memory_space<vmem>>)
      "tpu.region"() ({
        %run_scoped3A = tpu.sem_alloc : memref<!tpu.dma_semaphore, #tpu.memory_space<semaphore_mem>>
        %dma_start3A_46 = arith.constant 0 : i32
        %dma_start3A_47 = tpu.memref_slice %arg7[%scan3A_35, %dma_start3A_46] : memref<79x128xi32, #tpu.memory_space<vmem>> -> memref<1x128xi32, #tpu.memory_space<vmem>>
        %dma_start3A_48 = tpu.memref_squeeze %dma_start3A_47 : memref<1x128xi32, #tpu.memory_space<vmem>> -> memref<128xi32, #tpu.memory_space<vmem>>
        %dma_start3A_49 = arith.constant 0 : i32
        %dma_start3A_50 = arith.constant 0 : i32
        %dma_start3A_51 = tpu.memref_slice %arg10[%dma_start3A_49, %dma_start3A_50] : memref<10240x128xf32, #tpu.memory_space<vmem_shared>> -> memref<10240x128xf32, #tpu.memory_space<vmem_shared>>
        tpu.enqueue_indirect_dma source(%arg8 : memref<128x128xf32, #tpu.memory_space<vmem>>) target(%dma_start3A_51 : memref<10240x128xf32, #tpu.memory_space<vmem_shared>>) offsets(%dma_start3A_48 : memref<128xi32, #tpu.memory_space<vmem>>) semaphore(%run_scoped3A : memref<!tpu.dma_semaphore, #tpu.memory_space<semaphore_mem>>) {add = true}
        %dma_wait3A_52 = arith.constant 0 : i32
        %dma_wait3A_53 = tpu.memref_slice %arg7[%scan3A_35, %dma_wait3A_52] : memref<79x128xi32, #tpu.memory_space<vmem>> -> memref<1x128xi32, #tpu.memory_space<vmem>>
        %dma_wait3A_54 = tpu.memref_squeeze %dma_wait3A_53 : memref<1x128xi32, #tpu.memory_space<vmem>> -> memref<128xi32, #tpu.memory_space<vmem>>
        %dma_wait3A_55 = arith.constant 0 : i32
        %dma_wait3A_56 = arith.constant 0 : i32
        %dma_wait3A_57 = tpu.memref_slice %arg10[%dma_wait3A_55, %dma_wait3A_56] : memref<10240x128xf32, #tpu.memory_space<vmem_shared>> -> memref<10240x128xf32, #tpu.memory_space<vmem_shared>>
        tpu.wait_indirect_dma semaphore(%run_scoped3A : memref<!tpu.dma_semaphore, #tpu.memory_space<semaphore_mem>>) src(%arg8 : memref<128x128xf32, #tpu.memory_space<vmem>>) dst(%dma_wait3A_57 : memref<10240x128xf32, #tpu.memory_space<vmem_shared>>)
        tpu.yield
      }) : () -> ()
    }
    %scan3A_29 = arith.constant 79 : i32
    %barrier3A_30 = arith.constant 0 : index
    tpu.barrier barrier_id(%barrier3A_30)
    %mul3A_31 = arith.constant 640 : i32
    %mul3A_32 = arith.muli %arg1, %mul3A_31 : i32
    %mul3A_33 = arith.constant 640 : i32
    %mul3A_34 = arith.muli %arg1, %mul3A_33 : i32
    "tpu.region"() ({
      %run_scoped3A = tpu.sem_alloc : memref<!tpu.dma_semaphore, #tpu.memory_space<semaphore_mem>>
      %dma_start3A = arith.constant 0 : i32
      %dma_start3A_35 = tpu.memref_slice %arg5[%arg0, %mul3A_34, %dma_start3A] : memref<2x10240x128xf32, #tpu.memory_space<hbm>> -> memref<1x640x128xf32, #tpu.memory_space<hbm>>
      %dma_start3A_36 = tpu.memref_squeeze %dma_start3A_35 : memref<1x640x128xf32, #tpu.memory_space<hbm>> -> memref<640x128xf32, #tpu.memory_space<hbm>>
      %dma_start3A_37 = arith.constant 0 : i32
      %dma_start3A_38 = tpu.memref_slice %arg10[%mul3A_32, %dma_start3A_37] : memref<10240x128xf32, #tpu.memory_space<vmem_shared>> -> memref<640x128xf32, #tpu.memory_space<vmem_shared>>
      tpu.enqueue_dma source(%dma_start3A_38 : memref<640x128xf32, #tpu.memory_space<vmem_shared>>) target(%dma_start3A_36 : memref<640x128xf32, #tpu.memory_space<hbm>>) target_semaphore(%run_scoped3A : memref<!tpu.dma_semaphore, #tpu.memory_space<semaphore_mem>>)
      %dma_wait3A = arith.constant 0 : i32
      %dma_wait3A_39 = tpu.memref_slice %arg5[%arg0, %mul3A_34, %dma_wait3A] : memref<2x10240x128xf32, #tpu.memory_space<hbm>> -> memref<1x640x128xf32, #tpu.memory_space<hbm>>
      %dma_wait3A_40 = tpu.memref_squeeze %dma_wait3A_39 : memref<1x640x128xf32, #tpu.memory_space<hbm>> -> memref<640x128xf32, #tpu.memory_space<hbm>>
      %dma_wait3A_41 = arith.constant 0 : i32
      %dma_wait3A_42 = tpu.memref_slice %arg10[%mul3A_32, %dma_wait3A_41] : memref<10240x128xf32, #tpu.memory_space<vmem_shared>> -> memref<640x128xf32, #tpu.memory_space<vmem_shared>>
      tpu.wait_dma2 semaphore(%run_scoped3A : memref<!tpu.dma_semaphore, #tpu.memory_space<semaphore_mem>>) src(%dma_wait3A_42 : memref<640x128xf32, #tpu.memory_space<vmem_shared>>) dst(%dma_wait3A_40 : memref<640x128xf32, #tpu.memory_space<hbm>>)
      tpu.yield
    }) : () -> ()
    return
  }
}

module attributes {stable_mosaic.version = 14 : i64} {
  func.func @_dense1_kern(%arg0: i32, %arg1: memref<2x128x128xf32, #tpu.memory_space<vmem>>, %arg2: memref<128x1xf32, #tpu.memory_space<vmem>>, %arg3: memref<128x128xf32, #tpu.memory_space<vmem>>, %arg4: memref<1x128xf32, #tpu.memory_space<vmem>>, %arg5: memref<128x1xf32, #tpu.memory_space<vmem>>, %arg6: memref<128x128xf32, #tpu.memory_space<vmem>>) attributes {dimension_semantics = [#tpu.dimension_semantics<arbitrary>], iteration_bounds = array<i64: 80>, scalar_prefetch = 0 : i64, scratch_operands = 0 : i64, tpu.core_type = #tpu.core_type<tc>, window_params = [{transform_indices = @transform_0, window_bounds = array<i64: 2, 128, 128>}, {transform_indices = @transform_1, window_bounds = array<i64: 128, 1>}, {pipeline_mode = #tpu.pipeline_mode<synchronous>, transform_indices = @transform_2, window_bounds = array<i64: 128, 128>}, {pipeline_mode = #tpu.pipeline_mode<synchronous>, transform_indices = @transform_3, window_bounds = array<i64: 1, 128>}, {transform_indices = @transform_4, window_bounds = array<i64: 128, 1>}, {transform_indices = @transform_5, window_bounds = array<i64: 128, 128>}]} {
    %get3A = arith.constant 0 : index
    %get3A_0 = arith.constant 0 : index
    %get3A_1 = arith.constant 0 : index
    %get3A_2 = vector.load %arg1[%get3A, %get3A_0, %get3A_1] : memref<2x128x128xf32, #tpu.memory_space<vmem>>, vector<1x128x128xf32>
    %get3A_3 = vector.shape_cast %get3A_2 : vector<1x128x128xf32> to vector<128x128xf32>
    %get3A_4 = arith.constant 1 : index
    %get3A_5 = arith.constant 0 : index
    %get3A_6 = arith.constant 0 : index
    %get3A_7 = vector.load %arg1[%get3A_4, %get3A_5, %get3A_6] : memref<2x128x128xf32, #tpu.memory_space<vmem>>, vector<1x128x128xf32>
    %get3A_8 = vector.shape_cast %get3A_7 : vector<1x128x128xf32> to vector<128x128xf32>
    %add3A = arith.addf %get3A_3, %get3A_8 : vector<128x128xf32>
    %get3A_9 = arith.constant 0 : index
    %get3A_10 = arith.constant 0 : index
    %get3A_11 = vector.load %arg2[%get3A_9, %get3A_10] : memref<128x1xf32, #tpu.memory_space<vmem>>, vector<128x1xf32>
    %mul3A = vector.broadcast %get3A_11 : vector<128x1xf32> to vector<128x128xf32>
    %mul3A_12 = arith.mulf %add3A, %mul3A : vector<128x128xf32>
    %get3A_13 = arith.constant 0 : index
    %get3A_14 = arith.constant 0 : index
    %get3A_15 = vector.load %arg3[%get3A_13, %get3A_14] : memref<128x128xf32, #tpu.memory_space<vmem>>, vector<128x128xf32>
    %dot_general3A = arith.constant dense<0.000000e+00> : vector<128x128xf32>
    %dot_general3A_16 = tpu.matmul %mul3A_12, %get3A_15, %dot_general3A {dimension_numbers = #tpu.dot_dimension_numbers<[1], [0], [0], [1], [0, 0, 1, 1], [], []>, transpose_lhs_hint = false} : vector<128x128xf32>, vector<128x128xf32>, vector<128x128xf32> -> vector<128x128xf32>
    %get3A_17 = arith.constant 0 : index
    %get3A_18 = arith.constant 0 : index
    %get3A_19 = vector.load %arg4[%get3A_17, %get3A_18] : memref<1x128xf32, #tpu.memory_space<vmem>>, vector<1x128xf32>
    %add3A_20 = vector.broadcast %get3A_19 : vector<1x128xf32> to vector<128x128xf32>
    %add3A_21 = arith.addf %dot_general3A_16, %add3A_20 : vector<128x128xf32>
    %max3A = arith.constant 0.000000e+00 : f32
    %max3A_22 = vector.broadcast %max3A : f32 to vector<128x128xf32>
    %max3A_23 = arith.maximumf %add3A_21, %max3A_22 : vector<128x128xf32>
    %get3A_24 = arith.constant 0 : index
    %get3A_25 = arith.constant 0 : index
    %get3A_26 = vector.load %arg5[%get3A_24, %get3A_25] : memref<128x1xf32, #tpu.memory_space<vmem>>, vector<128x1xf32>
    %mul3A_27 = vector.broadcast %get3A_26 : vector<128x1xf32> to vector<128x128xf32>
    %mul3A_28 = arith.mulf %max3A_23, %mul3A_27 : vector<128x128xf32>
    %swap3A = arith.constant 0 : index
    %swap3A_29 = arith.constant 0 : index
    %swap3A_30 = vector.load %arg6[%swap3A, %swap3A_29] : memref<128x128xf32, #tpu.memory_space<vmem>>, vector<128x128xf32>
    tpu.vector_store %arg6[%swap3A, %swap3A_29], %mul3A_28 {strides = array<i32>} : memref<128x128xf32, #tpu.memory_space<vmem>>, vector<128x128xf32>,
    return
  }
  func.func @transform_0(%arg0: i32) -> (i32, i32, i32) {
    %c0_i32 = arith.constant 0 : i32
    %c0_i32_0 = arith.constant 0 : i32
    %c0_i32_1 = arith.constant 0 : i32
    return %c0_i32, %arg0, %c0_i32_0 : i32, i32, i32
  }
  func.func @transform_1(%arg0: i32) -> (i32, i32) {
    %c0_i32 = arith.constant 0 : i32
    %c0_i32_0 = arith.constant 0 : i32
    return %arg0, %c0_i32 : i32, i32
  }
  func.func @transform_2(%arg0: i32) -> (i32, i32) {
    %c0_i32 = arith.constant 0 : i32
    %c0_i32_0 = arith.constant 0 : i32
    %c0_i32_1 = arith.constant 0 : i32
    return %c0_i32, %c0_i32_0 : i32, i32
  }
  func.func @transform_3(%arg0: i32) -> (i32, i32) {
    %c0_i32 = arith.constant 0 : i32
    %c0_i32_0 = arith.constant 0 : i32
    %c0_i32_1 = arith.constant 0 : i32
    return %c0_i32, %c0_i32_0 : i32, i32
  }
  func.func @transform_4(%arg0: i32) -> (i32, i32) {
    %c0_i32 = arith.constant 0 : i32
    %c0_i32_0 = arith.constant 0 : i32
    return %arg0, %c0_i32 : i32, i32
  }
  func.func @transform_5(%arg0: i32) -> (i32, i32) {
    %c0_i32 = arith.constant 0 : i32
    %c0_i32_0 = arith.constant 0 : i32
    return %arg0, %c0_i32 : i32, i32
  }
}

module attributes {stable_mosaic.version = 14 : i64} {
  func.func @_prep_kern(%arg0: i32, %arg1: memref<2x2x128x1xf32, #tpu.memory_space<vmem>>, %arg2: memref<128x128xf32, #tpu.memory_space<vmem>>, %arg3: memref<128x128xf32, #tpu.memory_space<vmem>>, %arg4: memref<128x1xf32, #tpu.memory_space<vmem>>, %arg5: memref<128x1xf32, #tpu.memory_space<vmem>>) attributes {dimension_semantics = [#tpu.dimension_semantics<arbitrary>], iteration_bounds = array<i64: 80>, scalar_prefetch = 0 : i64, scratch_operands = 0 : i64, tpu.core_type = #tpu.core_type<tc>, window_params = [{transform_indices = @transform_0, window_bounds = array<i64: 2, 2, 128, 1>}, {transform_indices = @transform_1, window_bounds = array<i64: 128, 128>}, {transform_indices = @transform_2, window_bounds = array<i64: 128, 128>}, {transform_indices = @transform_3, window_bounds = array<i64: 128, 1>}, {transform_indices = @transform_4, window_bounds = array<i64: 128, 1>}]} {
    %get3A = arith.constant 0 : index
    %get3A_0 = arith.constant 0 : index
    %get3A_1 = arith.constant 0 : index
    %get3A_2 = arith.constant 0 : index
    %get3A_3 = vector.load %arg1[%get3A, %get3A_0, %get3A_1, %get3A_2] : memref<2x2x128x1xf32, #tpu.memory_space<vmem>>, vector<1x1x128x1xf32>
    %get3A_4 = vector.shape_cast %get3A_3 : vector<1x1x128x1xf32> to vector<128x1xf32>
    %get3A_5 = arith.constant 1 : index
    %get3A_6 = arith.constant 0 : index
    %get3A_7 = arith.constant 0 : index
    %get3A_8 = arith.constant 0 : index
    %get3A_9 = vector.load %arg1[%get3A_5, %get3A_6, %get3A_7, %get3A_8] : memref<2x2x128x1xf32, #tpu.memory_space<vmem>>, vector<1x1x128x1xf32>
    %get3A_10 = vector.shape_cast %get3A_9 : vector<1x1x128x1xf32> to vector<128x1xf32>
    %add3A = arith.addf %get3A_4, %get3A_10 : vector<128x1xf32>
    %get3A_11 = arith.constant 0 : index
    %get3A_12 = arith.constant 1 : index
    %get3A_13 = arith.constant 0 : index
    %get3A_14 = arith.constant 0 : index
    %get3A_15 = vector.load %arg1[%get3A_11, %get3A_12, %get3A_13, %get3A_14] : memref<2x2x128x1xf32, #tpu.memory_space<vmem>>, vector<1x1x128x1xf32>
    %get3A_16 = vector.shape_cast %get3A_15 : vector<1x1x128x1xf32> to vector<128x1xf32>
    %get3A_17 = arith.constant 1 : index
    %get3A_18 = arith.constant 1 : index
    %get3A_19 = arith.constant 0 : index
    %get3A_20 = arith.constant 0 : index
    %get3A_21 = vector.load %arg1[%get3A_17, %get3A_18, %get3A_19, %get3A_20] : memref<2x2x128x1xf32, #tpu.memory_space<vmem>>, vector<1x1x128x1xf32>
    %get3A_22 = vector.shape_cast %get3A_21 : vector<1x1x128x1xf32> to vector<128x1xf32>
    %add3A_23 = arith.addf %get3A_16, %get3A_22 : vector<128x1xf32>
    %gt3A = arith.constant 0.000000e+00 : f32
    %gt3A_24 = vector.broadcast %gt3A : f32 to vector<128x1xf32>
    %gt3A_25 = arith.cmpf ogt, %add3A, %gt3A_24 : vector<128x1xf32>
    %rsqrt3A = math.rsqrt %add3A : vector<128x1xf32>
    %jit3A = arith.constant 0.000000e+00 : f32
    %broadcast_in_dim3A = vector.broadcast %jit3A : f32 to vector<128x1xf32>
    %select_n3A = arith.select %gt3A_25, %rsqrt3A, %broadcast_in_dim3A : vector<128x1xi1>, vector<128x1xf32>
    %gt3A_26 = arith.constant 0.000000e+00 : f32
    %gt3A_27 = vector.broadcast %gt3A_26 : f32 to vector<128x1xf32>
    %gt3A_28 = arith.cmpf ogt, %add3A_23, %gt3A_27 : vector<128x1xf32>
    %rsqrt3A_29 = math.rsqrt %add3A_23 : vector<128x1xf32>
    %jit3A_30 = arith.constant 0.000000e+00 : f32
    %broadcast_in_dim3A_31 = vector.broadcast %jit3A_30 : f32 to vector<128x1xf32>
    %select_n3A_32 = arith.select %gt3A_28, %rsqrt3A_29, %broadcast_in_dim3A_31 : vector<128x1xi1>, vector<128x1xf32>
    %get3A_33 = arith.constant 0 : index
    %get3A_34 = arith.constant 0 : index
    %get3A_35 = vector.load %arg2[%get3A_33, %get3A_34] : memref<128x128xf32, #tpu.memory_space<vmem>>, vector<128x128xf32>
    %mul3A = vector.broadcast %select_n3A : vector<128x1xf32> to vector<128x128xf32>
    %mul3A_36 = arith.mulf %get3A_35, %mul3A : vector<128x128xf32>
    %swap3A = arith.constant 0 : index
    %swap3A_37 = arith.constant 0 : index
    %swap3A_38 = vector.load %arg3[%swap3A, %swap3A_37] : memref<128x128xf32, #tpu.memory_space<vmem>>, vector<128x128xf32>
    tpu.vector_store %arg3[%swap3A, %swap3A_37], %mul3A_36 {strides = array<i32>} : memref<128x128xf32, #tpu.memory_space<vmem>>, vector<128x128xf32>,
    %swap3A_39 = arith.constant 0 : index
    %swap3A_40 = arith.constant 0 : index
    %swap3A_41 = vector.load %arg4[%swap3A_39, %swap3A_40] : memref<128x1xf32, #tpu.memory_space<vmem>>, vector<128x1xf32>
    tpu.vector_store %arg4[%swap3A_39, %swap3A_40], %select_n3A {strides = array<i32>} : memref<128x1xf32, #tpu.memory_space<vmem>>, vector<128x1xf32>,
    %swap3A_42 = arith.constant 0 : index
    %swap3A_43 = arith.constant 0 : index
    %swap3A_44 = vector.load %arg5[%swap3A_42, %swap3A_43] : memref<128x1xf32, #tpu.memory_space<vmem>>, vector<128x1xf32>
    tpu.vector_store %arg5[%swap3A_42, %swap3A_43], %select_n3A_32 {strides = array<i32>} : memref<128x1xf32, #tpu.memory_space<vmem>>, vector<128x1xf32>,
    return
  }
  func.func @transform_0(%arg0: i32) -> (i32, i32, i32, i32) {
    %c0_i32 = arith.constant 0 : i32
    %c0_i32_0 = arith.constant 0 : i32
    %c0_i32_1 = arith.constant 0 : i32
    %c0_i32_2 = arith.constant 0 : i32
    return %c0_i32, %c0_i32_0, %arg0, %c0_i32_1 : i32, i32, i32, i32
  }
  func.func @transform_1(%arg0: i32) -> (i32, i32) {
    %c0_i32 = arith.constant 0 : i32
    %c0_i32_0 = arith.constant 0 : i32
    return %arg0, %c0_i32 : i32, i32
  }
  func.func @transform_2(%arg0: i32) -> (i32, i32) {
    %c0_i32 = arith.constant 0 : i32
    %c0_i32_0 = arith.constant 0 : i32
    return %arg0, %c0_i32 : i32, i32
  }
  func.func @transform_3(%arg0: i32) -> (i32, i32) {
    %c0_i32 = arith.constant 0 : i32
    %c0_i32_0 = arith.constant 0 : i32
    return %arg0, %c0_i32 : i32, i32
  }
  func.func @transform_4(%arg0: i32) -> (i32, i32) {
    %c0_i32 = arith.constant 0 : i32
    %c0_i32_0 = arith.constant 0 : i32
    return %arg0, %c0_i32 : i32, i32
  }
}

module attributes {stable_mosaic.version = 14 : i64} {
  func.func @_dense2_kern(%arg0: i32, %arg1: memref<2x128x128xf32, #tpu.memory_space<vmem>>, %arg2: memref<128x1xf32, #tpu.memory_space<vmem>>, %arg3: memref<128x128xf32, #tpu.memory_space<vmem>>, %arg4: memref<1x128xf32, #tpu.memory_space<vmem>>, %arg5: memref<128x128xf32, #tpu.memory_space<vmem>>, %arg6: memref<128x1xf32, #tpu.memory_space<vmem>>) attributes {dimension_semantics = [#tpu.dimension_semantics<arbitrary>], iteration_bounds = array<i64: 80>, scalar_prefetch = 0 : i64, scratch_operands = 0 : i64, tpu.core_type = #tpu.core_type<tc>, window_params = [{transform_indices = @transform_0, window_bounds = array<i64: 2, 128, 128>}, {transform_indices = @transform_1, window_bounds = array<i64: 128, 1>}, {pipeline_mode = #tpu.pipeline_mode<synchronous>, transform_indices = @transform_2, window_bounds = array<i64: 128, 128>}, {pipeline_mode = #tpu.pipeline_mode<synchronous>, transform_indices = @transform_3, window_bounds = array<i64: 1, 128>}, {transform_indices = @transform_4, window_bounds = array<i64: 128, 128>}, {transform_indices = @transform_5, window_bounds = array<i64: 128, 1>}]} {
    %get3A = arith.constant 0 : index
    %get3A_0 = arith.constant 0 : index
    %get3A_1 = arith.constant 0 : index
    %get3A_2 = vector.load %arg1[%get3A, %get3A_0, %get3A_1] : memref<2x128x128xf32, #tpu.memory_space<vmem>>, vector<1x128x128xf32>
    %get3A_3 = vector.shape_cast %get3A_2 : vector<1x128x128xf32> to vector<128x128xf32>
    %get3A_4 = arith.constant 1 : index
    %get3A_5 = arith.constant 0 : index
    %get3A_6 = arith.constant 0 : index
    %get3A_7 = vector.load %arg1[%get3A_4, %get3A_5, %get3A_6] : memref<2x128x128xf32, #tpu.memory_space<vmem>>, vector<1x128x128xf32>
    %get3A_8 = vector.shape_cast %get3A_7 : vector<1x128x128xf32> to vector<128x128xf32>
    %add3A = arith.addf %get3A_3, %get3A_8 : vector<128x128xf32>
    %get3A_9 = arith.constant 0 : index
    %get3A_10 = arith.constant 0 : index
    %get3A_11 = vector.load %arg2[%get3A_9, %get3A_10] : memref<128x1xf32, #tpu.memory_space<vmem>>, vector<128x1xf32>
    %mul3A = vector.broadcast %get3A_11 : vector<128x1xf32> to vector<128x128xf32>
    %mul3A_12 = arith.mulf %add3A, %mul3A : vector<128x128xf32>
    %get3A_13 = arith.constant 0 : index
    %get3A_14 = arith.constant 0 : index
    %get3A_15 = vector.load %arg3[%get3A_13, %get3A_14] : memref<128x128xf32, #tpu.memory_space<vmem>>, vector<128x128xf32>
    %dot_general3A = arith.constant dense<0.000000e+00> : vector<128x128xf32>
    %dot_general3A_16 = tpu.matmul %mul3A_12, %get3A_15, %dot_general3A {dimension_numbers = #tpu.dot_dimension_numbers<[1], [0], [0], [1], [0, 0, 1, 1], [], []>, transpose_lhs_hint = false} : vector<128x128xf32>, vector<128x128xf32>, vector<128x128xf32> -> vector<128x128xf32>
    %get3A_17 = arith.constant 0 : index
    %get3A_18 = arith.constant 0 : index
    %get3A_19 = vector.load %arg4[%get3A_17, %get3A_18] : memref<1x128xf32, #tpu.memory_space<vmem>>, vector<1x128xf32>
    %add3A_20 = vector.broadcast %get3A_19 : vector<1x128xf32> to vector<128x128xf32>
    %add3A_21 = arith.addf %dot_general3A_16, %add3A_20 : vector<128x128xf32>
    %max3A = arith.constant 0.000000e+00 : f32
    %max3A_22 = vector.broadcast %max3A : f32 to vector<128x128xf32>
    %max3A_23 = arith.maximumf %add3A_21, %max3A_22 : vector<128x128xf32>
    %swap3A = arith.constant 0 : index
    %swap3A_24 = arith.constant 0 : index
    %swap3A_25 = vector.load %arg5[%swap3A, %swap3A_24] : memref<128x128xf32, #tpu.memory_space<vmem>>, vector<128x128xf32>
    tpu.vector_store %arg5[%swap3A, %swap3A_24], %max3A_23 {strides = array<i32>} : memref<128x128xf32, #tpu.memory_space<vmem>>, vector<128x128xf32>,
    %reduce_max3A = arith.constant dense<0xFF800000> : vector<128xf32>
    %reduce_max3A_26 = vector.multi_reduction <maximumf>, %max3A_23, %reduce_max3A [1] : vector<128x128xf32> to vector<128xf32>
    %broadcast_in_dim3A = vector.shape_cast %reduce_max3A_26 : vector<128xf32> to vector<128x1xf32>
    %mul3A_27 = arith.constant 128 : i32
    %mul3A_28 = arith.muli %arg0, %mul3A_27 : i32
    %iota3A = tpu.iota {dimensions = array<i32: 0>} : vector<128x1xi32>
    %add3A_29 = vector.broadcast %mul3A_28 : i32 to vector<128x1xi32>
    %add3A_30 = arith.addi %add3A_29, %iota3A : vector<128x1xi32>
    %lt3A = arith.constant 10000 : i32
    %lt3A_31 = vector.broadcast %lt3A : i32 to vector<128x1xi32>
    %lt3A_32 = arith.cmpi slt, %add3A_30, %lt3A_31 : vector<128x1xi32>
    %jit3A = arith.constant -1.000000e+00 : f32
    %broadcast_in_dim3A_33 = vector.broadcast %jit3A : f32 to vector<128x1xf32>
    %select_n3A = arith.select %lt3A_32, %broadcast_in_dim3A, %broadcast_in_dim3A_33 : vector<128x1xi1>, vector<128x1xf32>
    %swap3A_34 = arith.constant 0 : index
    %swap3A_35 = arith.constant 0 : index
    %swap3A_36 = vector.load %arg6[%swap3A_34, %swap3A_35] : memref<128x1xf32, #tpu.memory_space<vmem>>, vector<128x1xf32>
    tpu.vector_store %arg6[%swap3A_34, %swap3A_35], %select_n3A {strides = array<i32>} : memref<128x1xf32, #tpu.memory_space<vmem>>, vector<128x1xf32>,
    return
  }
  func.func @transform_0(%arg0: i32) -> (i32, i32, i32) {
    %c0_i32 = arith.constant 0 : i32
    %c0_i32_0 = arith.constant 0 : i32
    %c0_i32_1 = arith.constant 0 : i32
    return %c0_i32, %arg0, %c0_i32_0 : i32, i32, i32
  }
  func.func @transform_1(%arg0: i32) -> (i32, i32) {
    %c0_i32 = arith.constant 0 : i32
    %c0_i32_0 = arith.constant 0 : i32
    return %arg0, %c0_i32 : i32, i32
  }
  func.func @transform_2(%arg0: i32) -> (i32, i32) {
    %c0_i32 = arith.constant 0 : i32
    %c0_i32_0 = arith.constant 0 : i32
    %c0_i32_1 = arith.constant 0 : i32
    return %c0_i32, %c0_i32_0 : i32, i32
  }
  func.func @transform_3(%arg0: i32) -> (i32, i32) {
    %c0_i32 = arith.constant 0 : i32
    %c0_i32_0 = arith.constant 0 : i32
    %c0_i32_1 = arith.constant 0 : i32
    return %c0_i32, %c0_i32_0 : i32, i32
  }
  func.func @transform_4(%arg0: i32) -> (i32, i32) {
    %c0_i32 = arith.constant 0 : i32
    %c0_i32_0 = arith.constant 0 : i32
    return %arg0, %c0_i32 : i32, i32
  }
  func.func @transform_5(%arg0: i32) -> (i32, i32) {
    %c0_i32 = arith.constant 0 : i32
    %c0_i32_0 = arith.constant 0 : i32
    return %arg0, %c0_i32 : i32, i32
  }
}

module attributes {stable_mosaic.version = 14 : i64} {
  func.func @_topk_kern(%arg0: memref<80x128xf32, #tpu.memory_space<vmem>>, %arg1: memref<1x128xi32, #tpu.memory_space<vmem>>) attributes {dimension_semantics = [], scalar_prefetch = 0 : i64, scratch_operands = 0 : i64, tpu.core_type = #tpu.core_type<tc>} {
    %get3A = arith.constant 0 : index
    %get3A_0 = arith.constant 0 : index
    %get3A_1 = vector.load %arg0[%get3A, %get3A_0] : memref<80x128xf32, #tpu.memory_space<vmem>>, vector<80x128xf32>
    %iota3A = tpu.iota {dimensions = array<i32: 0>} : vector<80x128xi32>
    %mul3A = arith.constant 128 : i32
    %mul3A_2 = vector.broadcast %mul3A : i32 to vector<80x128xi32>
    %mul3A_3 = arith.muli %iota3A, %mul3A_2 : vector<80x128xi32>
    %iota3A_4 = tpu.iota {dimensions = array<i32: 1>} : vector<80x128xi32>
    %add3A = arith.addi %mul3A_3, %iota3A_4 : vector<80x128xi32>
    %iota3A_5 = tpu.iota {dimensions = array<i32: 1>} : vector<1x128xi32>
    %broadcast_in_dim3A = arith.constant 0 : i32
    %broadcast_in_dim3A_6 = vector.broadcast %broadcast_in_dim3A : i32 to vector<1x128xi32>
    %scan3A = arith.constant 1073741824 : i32
    %scan3A_7 = arith.constant 0 : i32
    %scan3A_8 = arith.constant 10 : i32
    %scan3A_9 = arith.addi %scan3A_7, %scan3A_8 : i32
    %scan3A_10 = arith.constant 1 : i32
    %scan3A_11:2 = scf.for %scan3A_15 = %scan3A_7 to %scan3A_9 step %scan3A_10 iter_args(%scan3A_16 = %get3A_1, %scan3A_17 = %broadcast_in_dim3A_6) -> (vector<80x128xf32>, vector<1x128xi32>)  : i32 {
      %reduce_max3A = vector.shape_cast %scan3A_16 : vector<80x128xf32> to vector<1x80x128xf32>
      %reduce_max3A_18 = arith.constant dense<0xFF800000> : vector<1xf32>
      %reduce_max3A_19 = vector.multi_reduction <maximumf>, %reduce_max3A, %reduce_max3A_18 [1, 2] : vector<1x80x128xf32> to vector<1xf32>
      %reduce_max3A_20 = vector.shape_cast %reduce_max3A_19 : vector<1xf32> to vector<1x1x1xf32>
      %reduce_max3A_21 = vector.extract %reduce_max3A_20[0, 0, 0] : f32 from vector<1x1x1xf32>
      %eq3A = vector.broadcast %reduce_max3A_21 : f32 to vector<80x128xf32>
      %eq3A_22 = arith.cmpf oeq, %scan3A_16, %eq3A : vector<80x128xf32>
      %broadcast_in_dim3A_23 = vector.broadcast %scan3A : i32 to vector<80x128xi32>
      %select_n3A = arith.select %eq3A_22, %add3A, %broadcast_in_dim3A_23 : vector<80x128xi1>, vector<80x128xi32>
      %reduce_min3A = vector.shape_cast %select_n3A : vector<80x128xi32> to vector<1x80x128xi32>
      %reduce_min3A_24 = arith.constant dense<2147483647> : vector<1xi32>
      %reduce_min3A_25 = vector.multi_reduction <minsi>, %reduce_min3A, %reduce_min3A_24 [1, 2] : vector<1x80x128xi32> to vector<1xi32>
      %reduce_min3A_26 = vector.shape_cast %reduce_min3A_25 : vector<1xi32> to vector<1x1x1xi32>
      %reduce_min3A_27 = vector.extract %reduce_min3A_26[0, 0, 0] : i32 from vector<1x1x1xi32>
      %eq3A_28 = vector.broadcast %scan3A_15 : i32 to vector<1x128xi32>
      %eq3A_29 = arith.cmpi eq, %iota3A_5, %eq3A_28 : vector<1x128xi32>
      %broadcast_in_dim3A_30 = vector.broadcast %reduce_min3A_27 : i32 to vector<1x128xi32>
      %select_n3A_31 = arith.select %eq3A_29, %broadcast_in_dim3A_30, %scan3A_17 : vector<1x128xi1>, vector<1x128xi32>
      %eq3A_32 = vector.broadcast %reduce_min3A_27 : i32 to vector<80x128xi32>
      %eq3A_33 = arith.cmpi eq, %add3A, %eq3A_32 : vector<80x128xi32>
      %jit3A = arith.constant -2.000000e+00 : f32
      %broadcast_in_dim3A_34 = vector.broadcast %jit3A : f32 to vector<80x128xf32>
      %select_n3A_35 = arith.select %eq3A_33, %broadcast_in_dim3A_34, %scan3A_16 : vector<80x128xi1>, vector<80x128xf32>
      scf.yield %select_n3A_35, %select_n3A_31 : vector<80x128xf32>, vector<1x128xi32>
    }
    %scan3A_12 = arith.constant 10 : i32
    %swap3A = arith.constant 0 : index
    %swap3A_13 = arith.constant 0 : index
    %swap3A_14 = vector.load %arg1[%swap3A, %swap3A_13] : memref<1x128xi32, #tpu.memory_space<vmem>>, vector<1x128xi32>
    tpu.vector_store %arg1[%swap3A, %swap3A_13], %scan3A_11#1 {strides = array<i32>} : memref<1x128xi32, #tpu.memory_space<vmem>>, vector<1x128xi32>,
    return
  }
}

module attributes {stable_mosaic.version = 14 : i64} {
  func.func @_gather_kern(%arg0: i32, %arg1: memref<10xi32, #tpu.memory_space<smem>>, %arg2: memref<1x1x128xf32, #tpu.memory_space<vmem>>, %arg3: memref<1x1x128xf32, #tpu.memory_space<vmem>>) attributes {dimension_semantics = [#tpu.dimension_semantics<arbitrary>], iteration_bounds = array<i64: 10>, scalar_prefetch = 1 : i64, scratch_operands = 0 : i64, tpu.core_type = #tpu.core_type<tc>, window_params = [{transform_indices = @transform_0, window_bounds = array<i64: 1, 1, 128>}, {transform_indices = @transform_1, window_bounds = array<i64: 1, 1, 128>}]} {
    %get3A = arith.constant 0 : index
    %get3A_0 = arith.constant 0 : index
    %get3A_1 = arith.constant 0 : index
    %get3A_2 = vector.load %arg2[%get3A, %get3A_0, %get3A_1] : memref<1x1x128xf32, #tpu.memory_space<vmem>>, vector<1x1x128xf32>
    %swap3A = arith.constant 0 : index
    %swap3A_3 = arith.constant 0 : index
    %swap3A_4 = arith.constant 0 : index
    %swap3A_5 = vector.load %arg3[%swap3A, %swap3A_3, %swap3A_4] : memref<1x1x128xf32, #tpu.memory_space<vmem>>, vector<1x1x128xf32>
    tpu.vector_store %arg3[%swap3A, %swap3A_3, %swap3A_4], %get3A_2 {strides = array<i32>} : memref<1x1x128xf32, #tpu.memory_space<vmem>>, vector<1x1x128xf32>,
    return
  }
  func.func @transform_0(%arg0: i32, %arg1: memref<10xi32, #tpu.memory_space<smem>>) -> (i32, i32, i32) {
    %get3A = arith.index_cast %arg0 : i32 to index
    %get3A_0 = memref.load %arg1[%get3A] : memref<10xi32, #tpu.memory_space<smem>>
    %c0_i32 = arith.constant 0 : i32
    %c0_i32_1 = arith.constant 0 : i32
    %c0_i32_2 = arith.constant 0 : i32
    return %get3A_0, %c0_i32, %c0_i32_1 : i32, i32, i32
  }
  func.func @transform_1(%arg0: i32, %arg1: memref<10xi32, #tpu.memory_space<smem>>) -> (i32, i32, i32) {
    %c0_i32 = arith.constant 0 : i32
    %c0_i32_0 = arith.constant 0 : i32
    %c0_i32_1 = arith.constant 0 : i32
    return %arg0, %c0_i32, %c0_i32_0 : i32, i32, i32
  }
}

module attributes {stable_mosaic.version = 14 : i64} {
  func.func @_tail_kern(%arg0: memref<16x128xf32, #tpu.memory_space<vmem>>, %arg1: memref<128x64xf32, #tpu.memory_space<vmem>>, %arg2: memref<1x64xf32, #tpu.memory_space<vmem>>, %arg3: memref<5x64x128xf32, #tpu.memory_space<vmem>>, %arg4: memref<1x128xf32, #tpu.memory_space<vmem>>, %arg5: memref<1x128xf32, #tpu.memory_space<vmem>>) attributes {dimension_semantics = [], scalar_prefetch = 0 : i64, scratch_operands = 0 : i64, tpu.core_type = #tpu.core_type<tc>} {
    %get3A = arith.constant 0 : index
    %get3A_0 = arith.constant 0 : index
    %get3A_1 = vector.load %arg0[%get3A, %get3A_0] : memref<16x128xf32, #tpu.memory_space<vmem>>, vector<16x128xf32>
    %iota3A = tpu.iota {dimensions = array<i32: 0>} : vector<128x128xi32>
    %iota3A_2 = tpu.iota {dimensions = array<i32: 1>} : vector<128x128xi32>
    %iota3A_3 = tpu.iota {dimensions = array<i32: 1>} : vector<1x128xi32>
    %xor3A = arith.constant 1 : i32
    %xor3A_4 = vector.broadcast %xor3A : i32 to vector<128x128xi32>
    %xor3A_5 = arith.xori %iota3A_2, %xor3A_4 : vector<128x128xi32>
    %eq3A = arith.cmpi eq, %iota3A, %xor3A_5 : vector<128x128xi32>
    %convert_element_type3A = arith.extui %eq3A : vector<128x128xi1> to vector<128x128xi32>
    %convert_element_type3A_6 = arith.sitofp %convert_element_type3A : vector<128x128xi32> to vector<128x128xf32>
    %dot_general3A = arith.constant dense<0.000000e+00> : vector<16x128xf32>
    %dot_general3A_7 = tpu.matmul %get3A_1, %convert_element_type3A_6, %dot_general3A {dimension_numbers = #tpu.dot_dimension_numbers<[1], [0], [0], [1], [0, 0, 1, 1], [], []>, precision = #tpu.contract_precision<fp32>, transpose_lhs_hint = false} : vector<16x128xf32>, vector<128x128xf32>, vector<16x128xf32> -> vector<16x128xf32>
    %and3A = arith.constant 2 : i32
    %and3A_8 = vector.broadcast %and3A : i32 to vector<1x128xi32>
    %and3A_9 = arith.andi %iota3A_3, %and3A_8 : vector<1x128xi32>
    %eq3A_10 = arith.constant 0 : i32
    %eq3A_11 = vector.broadcast %eq3A_10 : i32 to vector<1x128xi32>
    %eq3A_12 = arith.cmpi eq, %and3A_9, %eq3A_11 : vector<1x128xi32>
    %and3A_13 = arith.constant 1 : i32
    %and3A_14 = vector.broadcast %and3A_13 : i32 to vector<1x128xi32>
    %and3A_15 = arith.andi %iota3A_3, %and3A_14 : vector<1x128xi32>
    %ne3A = arith.constant 0 : i32
    %ne3A_16 = vector.broadcast %ne3A : i32 to vector<1x128xi32>
    %ne3A_17 = arith.cmpi ne, %and3A_15, %ne3A_16 : vector<1x128xi32>
    %xor3A_18 = arith.xori %eq3A_12, %ne3A_17 : vector<1x128xi1>
    %min3A = arith.minimumf %get3A_1, %dot_general3A_7 : vector<16x128xf32>
    %max3A = arith.maximumf %get3A_1, %dot_general3A_7 : vector<16x128xf32>
    %broadcast_in_dim3A = vector.shape_cast %xor3A_18 : vector<1x128xi1> to vector<1x128xi1>
    %broadcast_in_dim3A_19 = vector.broadcast %broadcast_in_dim3A : vector<1x128xi1> to vector<16x128xi1>
    %select_n3A = arith.select %broadcast_in_dim3A_19, %min3A, %max3A : vector<16x128xi1>, vector<16x128xf32>
    %xor3A_20 = arith.constant 2 : i32
    %xor3A_21 = vector.broadcast %xor3A_20 : i32 to vector<128x128xi32>
    %xor3A_22 = arith.xori %iota3A_2, %xor3A_21 : vector<128x128xi32>
    %eq3A_23 = arith.cmpi eq, %iota3A, %xor3A_22 : vector<128x128xi32>
    %convert_element_type3A_24 = arith.extui %eq3A_23 : vector<128x128xi1> to vector<128x128xi32>
    %convert_element_type3A_25 = arith.sitofp %convert_element_type3A_24 : vector<128x128xi32> to vector<128x128xf32>
    %dot_general3A_26 = arith.constant dense<0.000000e+00> : vector<16x128xf32>
    %dot_general3A_27 = tpu.matmul %select_n3A, %convert_element_type3A_25, %dot_general3A_26 {dimension_numbers = #tpu.dot_dimension_numbers<[1], [0], [0], [1], [0, 0, 1, 1], [], []>, precision = #tpu.contract_precision<fp32>, transpose_lhs_hint = false} : vector<16x128xf32>, vector<128x128xf32>, vector<16x128xf32> -> vector<16x128xf32>
    %and3A_28 = arith.constant 4 : i32
    %and3A_29 = vector.broadcast %and3A_28 : i32 to vector<1x128xi32>
    %and3A_30 = arith.andi %iota3A_3, %and3A_29 : vector<1x128xi32>
    %eq3A_31 = arith.constant 0 : i32
    %eq3A_32 = vector.broadcast %eq3A_31 : i32 to vector<1x128xi32>
    %eq3A_33 = arith.cmpi eq, %and3A_30, %eq3A_32 : vector<1x128xi32>
    %and3A_34 = arith.constant 2 : i32
    %and3A_35 = vector.broadcast %and3A_34 : i32 to vector<1x128xi32>
    %and3A_36 = arith.andi %iota3A_3, %and3A_35 : vector<1x128xi32>
    %ne3A_37 = arith.constant 0 : i32
    %ne3A_38 = vector.broadcast %ne3A_37 : i32 to vector<1x128xi32>
    %ne3A_39 = arith.cmpi ne, %and3A_36, %ne3A_38 : vector<1x128xi32>
    %xor3A_40 = arith.xori %eq3A_33, %ne3A_39 : vector<1x128xi1>
    %min3A_41 = arith.minimumf %select_n3A, %dot_general3A_27 : vector<16x128xf32>
    %max3A_42 = arith.maximumf %select_n3A, %dot_general3A_27 : vector<16x128xf32>
    %broadcast_in_dim3A_43 = vector.shape_cast %xor3A_40 : vector<1x128xi1> to vector<1x128xi1>
    %broadcast_in_dim3A_44 = vector.broadcast %broadcast_in_dim3A_43 : vector<1x128xi1> to vector<16x128xi1>
    %select_n3A_45 = arith.select %broadcast_in_dim3A_44, %min3A_41, %max3A_42 : vector<16x128xi1>, vector<16x128xf32>
    %xor3A_46 = arith.constant 1 : i32
    %xor3A_47 = vector.broadcast %xor3A_46 : i32 to vector<128x128xi32>
    %xor3A_48 = arith.xori %iota3A_2, %xor3A_47 : vector<128x128xi32>
    %eq3A_49 = arith.cmpi eq, %iota3A, %xor3A_48 : vector<128x128xi32>
    %convert_element_type3A_50 = arith.extui %eq3A_49 : vector<128x128xi1> to vector<128x128xi32>
    %convert_element_type3A_51 = arith.sitofp %convert_element_type3A_50 : vector<128x128xi32> to vector<128x128xf32>
    %dot_general3A_52 = arith.constant dense<0.000000e+00> : vector<16x128xf32>
    %dot_general3A_53 = tpu.matmul %select_n3A_45, %convert_element_type3A_51, %dot_general3A_52 {dimension_numbers = #tpu.dot_dimension_numbers<[1], [0], [0], [1], [0, 0, 1, 1], [], []>, precision = #tpu.contract_precision<fp32>, transpose_lhs_hint = false} : vector<16x128xf32>, vector<128x128xf32>, vector<16x128xf32> -> vector<16x128xf32>
    %and3A_54 = arith.constant 4 : i32
    %and3A_55 = vector.broadcast %and3A_54 : i32 to vector<1x128xi32>
    %and3A_56 = arith.andi %iota3A_3, %and3A_55 : vector<1x128xi32>
    %eq3A_57 = arith.constant 0 : i32
    %eq3A_58 = vector.broadcast %eq3A_57 : i32 to vector<1x128xi32>
    %eq3A_59 = arith.cmpi eq, %and3A_56, %eq3A_58 : vector<1x128xi32>
    %and3A_60 = arith.constant 1 : i32
    %and3A_61 = vector.broadcast %and3A_60 : i32 to vector<1x128xi32>
    %and3A_62 = arith.andi %iota3A_3, %and3A_61 : vector<1x128xi32>
    %ne3A_63 = arith.constant 0 : i32
    %ne3A_64 = vector.broadcast %ne3A_63 : i32 to vector<1x128xi32>
    %ne3A_65 = arith.cmpi ne, %and3A_62, %ne3A_64 : vector<1x128xi32>
    %xor3A_66 = arith.xori %eq3A_59, %ne3A_65 : vector<1x128xi1>
    %min3A_67 = arith.minimumf %select_n3A_45, %dot_general3A_53 : vector<16x128xf32>
    %max3A_68 = arith.maximumf %select_n3A_45, %dot_general3A_53 : vector<16x128xf32>
    %broadcast_in_dim3A_69 = vector.shape_cast %xor3A_66 : vector<1x128xi1> to vector<1x128xi1>
    %broadcast_in_dim3A_70 = vector.broadcast %broadcast_in_dim3A_69 : vector<1x128xi1> to vector<16x128xi1>
    %select_n3A_71 = arith.select %broadcast_in_dim3A_70, %min3A_67, %max3A_68 : vector<16x128xi1>, vector<16x128xf32>
    %xor3A_72 = arith.constant 4 : i32
    %xor3A_73 = vector.broadcast %xor3A_72 : i32 to vector<128x128xi32>
    %xor3A_74 = arith.xori %iota3A_2, %xor3A_73 : vector<128x128xi32>
    %eq3A_75 = arith.cmpi eq, %iota3A, %xor3A_74 : vector<128x128xi32>
    %convert_element_type3A_76 = arith.extui %eq3A_75 : vector<128x128xi1> to vector<128x128xi32>
    %convert_element_type3A_77 = arith.sitofp %convert_element_type3A_76 : vector<128x128xi32> to vector<128x128xf32>
    %dot_general3A_78 = arith.constant dense<0.000000e+00> : vector<16x128xf32>
    %dot_general3A_79 = tpu.matmul %select_n3A_71, %convert_element_type3A_77, %dot_general3A_78 {dimension_numbers = #tpu.dot_dimension_numbers<[1], [0], [0], [1], [0, 0, 1, 1], [], []>, precision = #tpu.contract_precision<fp32>, transpose_lhs_hint = false} : vector<16x128xf32>, vector<128x128xf32>, vector<16x128xf32> -> vector<16x128xf32>
    %and3A_80 = arith.constant 8 : i32
    %and3A_81 = vector.broadcast %and3A_80 : i32 to vector<1x128xi32>
    %and3A_82 = arith.andi %iota3A_3, %and3A_81 : vector<1x128xi32>
    %eq3A_83 = arith.constant 0 : i32
    %eq3A_84 = vector.broadcast %eq3A_83 : i32 to vector<1x128xi32>
    %eq3A_85 = arith.cmpi eq, %and3A_82, %eq3A_84 : vector<1x128xi32>
    %and3A_86 = arith.constant 4 : i32
    %and3A_87 = vector.broadcast %and3A_86 : i32 to vector<1x128xi32>
    %and3A_88 = arith.andi %iota3A_3, %and3A_87 : vector<1x128xi32>
    %ne3A_89 = arith.constant 0 : i32
    %ne3A_90 = vector.broadcast %ne3A_89 : i32 to vector<1x128xi32>
    %ne3A_91 = arith.cmpi ne, %and3A_88, %ne3A_90 : vector<1x128xi32>
    %xor3A_92 = arith.xori %eq3A_85, %ne3A_91 : vector<1x128xi1>
    %min3A_93 = arith.minimumf %select_n3A_71, %dot_general3A_79 : vector<16x128xf32>
    %max3A_94 = arith.maximumf %select_n3A_71, %dot_general3A_79 : vector<16x128xf32>
    %broadcast_in_dim3A_95 = vector.shape_cast %xor3A_92 : vector<1x128xi1> to vector<1x128xi1>
    %broadcast_in_dim3A_96 = vector.broadcast %broadcast_in_dim3A_95 : vector<1x128xi1> to vector<16x128xi1>
    %select_n3A_97 = arith.select %broadcast_in_dim3A_96, %min3A_93, %max3A_94 : vector<16x128xi1>, vector<16x128xf32>
    %xor3A_98 = arith.constant 2 : i32
    %xor3A_99 = vector.broadcast %xor3A_98 : i32 to vector<128x128xi32>
    %xor3A_100 = arith.xori %iota3A_2, %xor3A_99 : vector<128x128xi32>
    %eq3A_101 = arith.cmpi eq, %iota3A, %xor3A_100 : vector<128x128xi32>
    %convert_element_type3A_102 = arith.extui %eq3A_101 : vector<128x128xi1> to vector<128x128xi32>
    %convert_element_type3A_103 = arith.sitofp %convert_element_type3A_102 : vector<128x128xi32> to vector<128x128xf32>
    %dot_general3A_104 = arith.constant dense<0.000000e+00> : vector<16x128xf32>
    %dot_general3A_105 = tpu.matmul %select_n3A_97, %convert_element_type3A_103, %dot_general3A_104 {dimension_numbers = #tpu.dot_dimension_numbers<[1], [0], [0], [1], [0, 0, 1, 1], [], []>, precision = #tpu.contract_precision<fp32>, transpose_lhs_hint = false} : vector<16x128xf32>, vector<128x128xf32>, vector<16x128xf32> -> vector<16x128xf32>
    %and3A_106 = arith.constant 8 : i32
    %and3A_107 = vector.broadcast %and3A_106 : i32 to vector<1x128xi32>
    %and3A_108 = arith.andi %iota3A_3, %and3A_107 : vector<1x128xi32>
    %eq3A_109 = arith.constant 0 : i32
    %eq3A_110 = vector.broadcast %eq3A_109 : i32 to vector<1x128xi32>
    %eq3A_111 = arith.cmpi eq, %and3A_108, %eq3A_110 : vector<1x128xi32>
    %and3A_112 = arith.constant 2 : i32
    %and3A_113 = vector.broadcast %and3A_112 : i32 to vector<1x128xi32>
    %and3A_114 = arith.andi %iota3A_3, %and3A_113 : vector<1x128xi32>
    %ne3A_115 = arith.constant 0 : i32
    %ne3A_116 = vector.broadcast %ne3A_115 : i32 to vector<1x128xi32>
    %ne3A_117 = arith.cmpi ne, %and3A_114, %ne3A_116 : vector<1x128xi32>
    %xor3A_118 = arith.xori %eq3A_111, %ne3A_117 : vector<1x128xi1>
    %min3A_119 = arith.minimumf %select_n3A_97, %dot_general3A_105 : vector<16x128xf32>
    %max3A_120 = arith.maximumf %select_n3A_97, %dot_general3A_105 : vector<16x128xf32>
    %broadcast_in_dim3A_121 = vector.shape_cast %xor3A_118 : vector<1x128xi1> to vector<1x128xi1>
    %broadcast_in_dim3A_122 = vector.broadcast %broadcast_in_dim3A_121 : vector<1x128xi1> to vector<16x128xi1>
    %select_n3A_123 = arith.select %broadcast_in_dim3A_122, %min3A_119, %max3A_120 : vector<16x128xi1>, vector<16x128xf32>
    %xor3A_124 = arith.constant 1 : i32
    %xor3A_125 = vector.broadcast %xor3A_124 : i32 to vector<128x128xi32>
    %xor3A_126 = arith.xori %iota3A_2, %xor3A_125 : vector<128x128xi32>
    %eq3A_127 = arith.cmpi eq, %iota3A, %xor3A_126 : vector<128x128xi32>
    %convert_element_type3A_128 = arith.extui %eq3A_127 : vector<128x128xi1> to vector<128x128xi32>
    %convert_element_type3A_129 = arith.sitofp %convert_element_type3A_128 : vector<128x128xi32> to vector<128x128xf32>
    %dot_general3A_130 = arith.constant dense<0.000000e+00> : vector<16x128xf32>
    %dot_general3A_131 = tpu.matmul %select_n3A_123, %convert_element_type3A_129, %dot_general3A_130 {dimension_numbers = #tpu.dot_dimension_numbers<[1], [0], [0], [1], [0, 0, 1, 1], [], []>, precision = #tpu.contract_precision<fp32>, transpose_lhs_hint = false} : vector<16x128xf32>, vector<128x128xf32>, vector<16x128xf32> -> vector<16x128xf32>
    %and3A_132 = arith.constant 8 : i32
    %and3A_133 = vector.broadcast %and3A_132 : i32 to vector<1x128xi32>
    %and3A_134 = arith.andi %iota3A_3, %and3A_133 : vector<1x128xi32>
    %eq3A_135 = arith.constant 0 : i32
    %eq3A_136 = vector.broadcast %eq3A_135 : i32 to vector<1x128xi32>
    %eq3A_137 = arith.cmpi eq, %and3A_134, %eq3A_136 : vector<1x128xi32>
    %and3A_138 = arith.constant 1 : i32
    %and3A_139 = vector.broadcast %and3A_138 : i32 to vector<1x128xi32>
    %and3A_140 = arith.andi %iota3A_3, %and3A_139 : vector<1x128xi32>
    %ne3A_141 = arith.constant 0 : i32
    %ne3A_142 = vector.broadcast %ne3A_141 : i32 to vector<1x128xi32>
    %ne3A_143 = arith.cmpi ne, %and3A_140, %ne3A_142 : vector<1x128xi32>
    %xor3A_144 = arith.xori %eq3A_137, %ne3A_143 : vector<1x128xi1>
    %min3A_145 = arith.minimumf %select_n3A_123, %dot_general3A_131 : vector<16x128xf32>
    %max3A_146 = arith.maximumf %select_n3A_123, %dot_general3A_131 : vector<16x128xf32>
    %broadcast_in_dim3A_147 = vector.shape_cast %xor3A_144 : vector<1x128xi1> to vector<1x128xi1>
    %broadcast_in_dim3A_148 = vector.broadcast %broadcast_in_dim3A_147 : vector<1x128xi1> to vector<16x128xi1>
    %select_n3A_149 = arith.select %broadcast_in_dim3A_148, %min3A_145, %max3A_146 : vector<16x128xi1>, vector<16x128xf32>
    %xor3A_150 = arith.constant 8 : i32
    %xor3A_151 = vector.broadcast %xor3A_150 : i32 to vector<128x128xi32>
    %xor3A_152 = arith.xori %iota3A_2, %xor3A_151 : vector<128x128xi32>
    %eq3A_153 = arith.cmpi eq, %iota3A, %xor3A_152 : vector<128x128xi32>
    %convert_element_type3A_154 = arith.extui %eq3A_153 : vector<128x128xi1> to vector<128x128xi32>
    %convert_element_type3A_155 = arith.sitofp %convert_element_type3A_154 : vector<128x128xi32> to vector<128x128xf32>
    %dot_general3A_156 = arith.constant dense<0.000000e+00> : vector<16x128xf32>
    %dot_general3A_157 = tpu.matmul %select_n3A_149, %convert_element_type3A_155, %dot_general3A_156 {dimension_numbers = #tpu.dot_dimension_numbers<[1], [0], [0], [1], [0, 0, 1, 1], [], []>, precision = #tpu.contract_precision<fp32>, transpose_lhs_hint = false} : vector<16x128xf32>, vector<128x128xf32>, vector<16x128xf32> -> vector<16x128xf32>
    %and3A_158 = arith.constant 16 : i32
    %and3A_159 = vector.broadcast %and3A_158 : i32 to vector<1x128xi32>
    %and3A_160 = arith.andi %iota3A_3, %and3A_159 : vector<1x128xi32>
    %eq3A_161 = arith.constant 0 : i32
    %eq3A_162 = vector.broadcast %eq3A_161 : i32 to vector<1x128xi32>
    %eq3A_163 = arith.cmpi eq, %and3A_160, %eq3A_162 : vector<1x128xi32>
    %and3A_164 = arith.constant 8 : i32
    %and3A_165 = vector.broadcast %and3A_164 : i32 to vector<1x128xi32>
    %and3A_166 = arith.andi %iota3A_3, %and3A_165 : vector<1x128xi32>
    %ne3A_167 = arith.constant 0 : i32
    %ne3A_168 = vector.broadcast %ne3A_167 : i32 to vector<1x128xi32>
    %ne3A_169 = arith.cmpi ne, %and3A_166, %ne3A_168 : vector<1x128xi32>
    %xor3A_170 = arith.xori %eq3A_163, %ne3A_169 : vector<1x128xi1>
    %min3A_171 = arith.minimumf %select_n3A_149, %dot_general3A_157 : vector<16x128xf32>
    %max3A_172 = arith.maximumf %select_n3A_149, %dot_general3A_157 : vector<16x128xf32>
    %broadcast_in_dim3A_173 = vector.shape_cast %xor3A_170 : vector<1x128xi1> to vector<1x128xi1>
    %broadcast_in_dim3A_174 = vector.broadcast %broadcast_in_dim3A_173 : vector<1x128xi1> to vector<16x128xi1>
    %select_n3A_175 = arith.select %broadcast_in_dim3A_174, %min3A_171, %max3A_172 : vector<16x128xi1>, vector<16x128xf32>
    %xor3A_176 = arith.constant 4 : i32
    %xor3A_177 = vector.broadcast %xor3A_176 : i32 to vector<128x128xi32>
    %xor3A_178 = arith.xori %iota3A_2, %xor3A_177 : vector<128x128xi32>
    %eq3A_179 = arith.cmpi eq, %iota3A, %xor3A_178 : vector<128x128xi32>
    %convert_element_type3A_180 = arith.extui %eq3A_179 : vector<128x128xi1> to vector<128x128xi32>
    %convert_element_type3A_181 = arith.sitofp %convert_element_type3A_180 : vector<128x128xi32> to vector<128x128xf32>
    %dot_general3A_182 = arith.constant dense<0.000000e+00> : vector<16x128xf32>
    %dot_general3A_183 = tpu.matmul %select_n3A_175, %convert_element_type3A_181, %dot_general3A_182 {dimension_numbers = #tpu.dot_dimension_numbers<[1], [0], [0], [1], [0, 0, 1, 1], [], []>, precision = #tpu.contract_precision<fp32>, transpose_lhs_hint = false} : vector<16x128xf32>, vector<128x128xf32>, vector<16x128xf32> -> vector<16x128xf32>
    %and3A_184 = arith.constant 16 : i32
    %and3A_185 = vector.broadcast %and3A_184 : i32 to vector<1x128xi32>
    %and3A_186 = arith.andi %iota3A_3, %and3A_185 : vector<1x128xi32>
    %eq3A_187 = arith.constant 0 : i32
    %eq3A_188 = vector.broadcast %eq3A_187 : i32 to vector<1x128xi32>
    %eq3A_189 = arith.cmpi eq, %and3A_186, %eq3A_188 : vector<1x128xi32>
    %and3A_190 = arith.constant 4 : i32
    %and3A_191 = vector.broadcast %and3A_190 : i32 to vector<1x128xi32>
    %and3A_192 = arith.andi %iota3A_3, %and3A_191 : vector<1x128xi32>
    %ne3A_193 = arith.constant 0 : i32
    %ne3A_194 = vector.broadcast %ne3A_193 : i32 to vector<1x128xi32>
    %ne3A_195 = arith.cmpi ne, %and3A_192, %ne3A_194 : vector<1x128xi32>
    %xor3A_196 = arith.xori %eq3A_189, %ne3A_195 : vector<1x128xi1>
    %min3A_197 = arith.minimumf %select_n3A_175, %dot_general3A_183 : vector<16x128xf32>
    %max3A_198 = arith.maximumf %select_n3A_175, %dot_general3A_183 : vector<16x128xf32>
    %broadcast_in_dim3A_199 = vector.shape_cast %xor3A_196 : vector<1x128xi1> to vector<1x128xi1>
    %broadcast_in_dim3A_200 = vector.broadcast %broadcast_in_dim3A_199 : vector<1x128xi1> to vector<16x128xi1>
    %select_n3A_201 = arith.select %broadcast_in_dim3A_200, %min3A_197, %max3A_198 : vector<16x128xi1>, vector<16x128xf32>
    %xor3A_202 = arith.constant 2 : i32
    %xor3A_203 = vector.broadcast %xor3A_202 : i32 to vector<128x128xi32>
    %xor3A_204 = arith.xori %iota3A_2, %xor3A_203 : vector<128x128xi32>
    %eq3A_205 = arith.cmpi eq, %iota3A, %xor3A_204 : vector<128x128xi32>
    %convert_element_type3A_206 = arith.extui %eq3A_205 : vector<128x128xi1> to vector<128x128xi32>
    %convert_element_type3A_207 = arith.sitofp %convert_element_type3A_206 : vector<128x128xi32> to vector<128x128xf32>
    %dot_general3A_208 = arith.constant dense<0.000000e+00> : vector<16x128xf32>
    %dot_general3A_209 = tpu.matmul %select_n3A_201, %convert_element_type3A_207, %dot_general3A_208 {dimension_numbers = #tpu.dot_dimension_numbers<[1], [0], [0], [1], [0, 0, 1, 1], [], []>, precision = #tpu.contract_precision<fp32>, transpose_lhs_hint = false} : vector<16x128xf32>, vector<128x128xf32>, vector<16x128xf32> -> vector<16x128xf32>
    %and3A_210 = arith.constant 16 : i32
    %and3A_211 = vector.broadcast %and3A_210 : i32 to vector<1x128xi32>
    %and3A_212 = arith.andi %iota3A_3, %and3A_211 : vector<1x128xi32>
    %eq3A_213 = arith.constant 0 : i32
    %eq3A_214 = vector.broadcast %eq3A_213 : i32 to vector<1x128xi32>
    %eq3A_215 = arith.cmpi eq, %and3A_212, %eq3A_214 : vector<1x128xi32>
    %and3A_216 = arith.constant 2 : i32
    %and3A_217 = vector.broadcast %and3A_216 : i32 to vector<1x128xi32>
    %and3A_218 = arith.andi %iota3A_3, %and3A_217 : vector<1x128xi32>
    %ne3A_219 = arith.constant 0 : i32
    %ne3A_220 = vector.broadcast %ne3A_219 : i32 to vector<1x128xi32>
    %ne3A_221 = arith.cmpi ne, %and3A_218, %ne3A_220 : vector<1x128xi32>
    %xor3A_222 = arith.xori %eq3A_215, %ne3A_221 : vector<1x128xi1>
    %min3A_223 = arith.minimumf %select_n3A_201, %dot_general3A_209 : vector<16x128xf32>
    %max3A_224 = arith.maximumf %select_n3A_201, %dot_general3A_209 : vector<16x128xf32>
    %broadcast_in_dim3A_225 = vector.shape_cast %xor3A_222 : vector<1x128xi1> to vector<1x128xi1>
    %broadcast_in_dim3A_226 = vector.broadcast %broadcast_in_dim3A_225 : vector<1x128xi1> to vector<16x128xi1>
    %select_n3A_227 = arith.select %broadcast_in_dim3A_226, %min3A_223, %max3A_224 : vector<16x128xi1>, vector<16x128xf32>
    %xor3A_228 = arith.constant 1 : i32
    %xor3A_229 = vector.broadcast %xor3A_228 : i32 to vector<128x128xi32>
    %xor3A_230 = arith.xori %iota3A_2, %xor3A_229 : vector<128x128xi32>
    %eq3A_231 = arith.cmpi eq, %iota3A, %xor3A_230 : vector<128x128xi32>
    %convert_element_type3A_232 = arith.extui %eq3A_231 : vector<128x128xi1> to vector<128x128xi32>
    %convert_element_type3A_233 = arith.sitofp %convert_element_type3A_232 : vector<128x128xi32> to vector<128x128xf32>
    %dot_general3A_234 = arith.constant dense<0.000000e+00> : vector<16x128xf32>
    %dot_general3A_235 = tpu.matmul %select_n3A_227, %convert_element_type3A_233, %dot_general3A_234 {dimension_numbers = #tpu.dot_dimension_numbers<[1], [0], [0], [1], [0, 0, 1, 1], [], []>, precision = #tpu.contract_precision<fp32>, transpose_lhs_hint = false} : vector<16x128xf32>, vector<128x128xf32>, vector<16x128xf32> -> vector<16x128xf32>
    %and3A_236 = arith.constant 16 : i32
    %and3A_237 = vector.broadcast %and3A_236 : i32 to vector<1x128xi32>
    %and3A_238 = arith.andi %iota3A_3, %and3A_237 : vector<1x128xi32>
    %eq3A_239 = arith.constant 0 : i32
    %eq3A_240 = vector.broadcast %eq3A_239 : i32 to vector<1x128xi32>
    %eq3A_241 = arith.cmpi eq, %and3A_238, %eq3A_240 : vector<1x128xi32>
    %and3A_242 = arith.constant 1 : i32
    %and3A_243 = vector.broadcast %and3A_242 : i32 to vector<1x128xi32>
    %and3A_244 = arith.andi %iota3A_3, %and3A_243 : vector<1x128xi32>
    %ne3A_245 = arith.constant 0 : i32
    %ne3A_246 = vector.broadcast %ne3A_245 : i32 to vector<1x128xi32>
    %ne3A_247 = arith.cmpi ne, %and3A_244, %ne3A_246 : vector<1x128xi32>
    %xor3A_248 = arith.xori %eq3A_241, %ne3A_247 : vector<1x128xi1>
    %min3A_249 = arith.minimumf %select_n3A_227, %dot_general3A_235 : vector<16x128xf32>
    %max3A_250 = arith.maximumf %select_n3A_227, %dot_general3A_235 : vector<16x128xf32>
    %broadcast_in_dim3A_251 = vector.shape_cast %xor3A_248 : vector<1x128xi1> to vector<1x128xi1>
    %broadcast_in_dim3A_252 = vector.broadcast %broadcast_in_dim3A_251 : vector<1x128xi1> to vector<16x128xi1>
    %select_n3A_253 = arith.select %broadcast_in_dim3A_252, %min3A_249, %max3A_250 : vector<16x128xi1>, vector<16x128xf32>
    %xor3A_254 = arith.constant 16 : i32
    %xor3A_255 = vector.broadcast %xor3A_254 : i32 to vector<128x128xi32>
    %xor3A_256 = arith.xori %iota3A_2, %xor3A_255 : vector<128x128xi32>
    %eq3A_257 = arith.cmpi eq, %iota3A, %xor3A_256 : vector<128x128xi32>
    %convert_element_type3A_258 = arith.extui %eq3A_257 : vector<128x128xi1> to vector<128x128xi32>
    %convert_element_type3A_259 = arith.sitofp %convert_element_type3A_258 : vector<128x128xi32> to vector<128x128xf32>
    %dot_general3A_260 = arith.constant dense<0.000000e+00> : vector<16x128xf32>
    %dot_general3A_261 = tpu.matmul %select_n3A_253, %convert_element_type3A_259, %dot_general3A_260 {dimension_numbers = #tpu.dot_dimension_numbers<[1], [0], [0], [1], [0, 0, 1, 1], [], []>, precision = #tpu.contract_precision<fp32>, transpose_lhs_hint = false} : vector<16x128xf32>, vector<128x128xf32>, vector<16x128xf32> -> vector<16x128xf32>
    %and3A_262 = arith.constant 32 : i32
    %and3A_263 = vector.broadcast %and3A_262 : i32 to vector<1x128xi32>
    %and3A_264 = arith.andi %iota3A_3, %and3A_263 : vector<1x128xi32>
    %eq3A_265 = arith.constant 0 : i32
    %eq3A_266 = vector.broadcast %eq3A_265 : i32 to vector<1x128xi32>
    %eq3A_267 = arith.cmpi eq, %and3A_264, %eq3A_266 : vector<1x128xi32>
    %and3A_268 = arith.constant 16 : i32
    %and3A_269 = vector.broadcast %and3A_268 : i32 to vector<1x128xi32>
    %and3A_270 = arith.andi %iota3A_3, %and3A_269 : vector<1x128xi32>
    %ne3A_271 = arith.constant 0 : i32
    %ne3A_272 = vector.broadcast %ne3A_271 : i32 to vector<1x128xi32>
    %ne3A_273 = arith.cmpi ne, %and3A_270, %ne3A_272 : vector<1x128xi32>
    %xor3A_274 = arith.xori %eq3A_267, %ne3A_273 : vector<1x128xi1>
    %min3A_275 = arith.minimumf %select_n3A_253, %dot_general3A_261 : vector<16x128xf32>
    %max3A_276 = arith.maximumf %select_n3A_253, %dot_general3A_261 : vector<16x128xf32>
    %broadcast_in_dim3A_277 = vector.shape_cast %xor3A_274 : vector<1x128xi1> to vector<1x128xi1>
    %broadcast_in_dim3A_278 = vector.broadcast %broadcast_in_dim3A_277 : vector<1x128xi1> to vector<16x128xi1>
    %select_n3A_279 = arith.select %broadcast_in_dim3A_278, %min3A_275, %max3A_276 : vector<16x128xi1>, vector<16x128xf32>
    %xor3A_280 = arith.constant 8 : i32
    %xor3A_281 = vector.broadcast %xor3A_280 : i32 to vector<128x128xi32>
    %xor3A_282 = arith.xori %iota3A_2, %xor3A_281 : vector<128x128xi32>
    %eq3A_283 = arith.cmpi eq, %iota3A, %xor3A_282 : vector<128x128xi32>
    %convert_element_type3A_284 = arith.extui %eq3A_283 : vector<128x128xi1> to vector<128x128xi32>
    %convert_element_type3A_285 = arith.sitofp %convert_element_type3A_284 : vector<128x128xi32> to vector<128x128xf32>
    %dot_general3A_286 = arith.constant dense<0.000000e+00> : vector<16x128xf32>
    %dot_general3A_287 = tpu.matmul %select_n3A_279, %convert_element_type3A_285, %dot_general3A_286 {dimension_numbers = #tpu.dot_dimension_numbers<[1], [0], [0], [1], [0, 0, 1, 1], [], []>, precision = #tpu.contract_precision<fp32>, transpose_lhs_hint = false} : vector<16x128xf32>, vector<128x128xf32>, vector<16x128xf32> -> vector<16x128xf32>
    %and3A_288 = arith.constant 32 : i32
    %and3A_289 = vector.broadcast %and3A_288 : i32 to vector<1x128xi32>
    %and3A_290 = arith.andi %iota3A_3, %and3A_289 : vector<1x128xi32>
    %eq3A_291 = arith.constant 0 : i32
    %eq3A_292 = vector.broadcast %eq3A_291 : i32 to vector<1x128xi32>
    %eq3A_293 = arith.cmpi eq, %and3A_290, %eq3A_292 : vector<1x128xi32>
    %and3A_294 = arith.constant 8 : i32
    %and3A_295 = vector.broadcast %and3A_294 : i32 to vector<1x128xi32>
    %and3A_296 = arith.andi %iota3A_3, %and3A_295 : vector<1x128xi32>
    %ne3A_297 = arith.constant 0 : i32
    %ne3A_298 = vector.broadcast %ne3A_297 : i32 to vector<1x128xi32>
    %ne3A_299 = arith.cmpi ne, %and3A_296, %ne3A_298 : vector<1x128xi32>
    %xor3A_300 = arith.xori %eq3A_293, %ne3A_299 : vector<1x128xi1>
    %min3A_301 = arith.minimumf %select_n3A_279, %dot_general3A_287 : vector<16x128xf32>
    %max3A_302 = arith.maximumf %select_n3A_279, %dot_general3A_287 : vector<16x128xf32>
    %broadcast_in_dim3A_303 = vector.shape_cast %xor3A_300 : vector<1x128xi1> to vector<1x128xi1>
    %broadcast_in_dim3A_304 = vector.broadcast %broadcast_in_dim3A_303 : vector<1x128xi1> to vector<16x128xi1>
    %select_n3A_305 = arith.select %broadcast_in_dim3A_304, %min3A_301, %max3A_302 : vector<16x128xi1>, vector<16x128xf32>
    %xor3A_306 = arith.constant 4 : i32
    %xor3A_307 = vector.broadcast %xor3A_306 : i32 to vector<128x128xi32>
    %xor3A_308 = arith.xori %iota3A_2, %xor3A_307 : vector<128x128xi32>
    %eq3A_309 = arith.cmpi eq, %iota3A, %xor3A_308 : vector<128x128xi32>
    %convert_element_type3A_310 = arith.extui %eq3A_309 : vector<128x128xi1> to vector<128x128xi32>
    %convert_element_type3A_311 = arith.sitofp %convert_element_type3A_310 : vector<128x128xi32> to vector<128x128xf32>
    %dot_general3A_312 = arith.constant dense<0.000000e+00> : vector<16x128xf32>
    %dot_general3A_313 = tpu.matmul %select_n3A_305, %convert_element_type3A_311, %dot_general3A_312 {dimension_numbers = #tpu.dot_dimension_numbers<[1], [0], [0], [1], [0, 0, 1, 1], [], []>, precision = #tpu.contract_precision<fp32>, transpose_lhs_hint = false} : vector<16x128xf32>, vector<128x128xf32>, vector<16x128xf32> -> vector<16x128xf32>
    %and3A_314 = arith.constant 32 : i32
    %and3A_315 = vector.broadcast %and3A_314 : i32 to vector<1x128xi32>
    %and3A_316 = arith.andi %iota3A_3, %and3A_315 : vector<1x128xi32>
    %eq3A_317 = arith.constant 0 : i32
    %eq3A_318 = vector.broadcast %eq3A_317 : i32 to vector<1x128xi32>
    %eq3A_319 = arith.cmpi eq, %and3A_316, %eq3A_318 : vector<1x128xi32>
    %and3A_320 = arith.constant 4 : i32
    %and3A_321 = vector.broadcast %and3A_320 : i32 to vector<1x128xi32>
    %and3A_322 = arith.andi %iota3A_3, %and3A_321 : vector<1x128xi32>
    %ne3A_323 = arith.constant 0 : i32
    %ne3A_324 = vector.broadcast %ne3A_323 : i32 to vector<1x128xi32>
    %ne3A_325 = arith.cmpi ne, %and3A_322, %ne3A_324 : vector<1x128xi32>
    %xor3A_326 = arith.xori %eq3A_319, %ne3A_325 : vector<1x128xi1>
    %min3A_327 = arith.minimumf %select_n3A_305, %dot_general3A_313 : vector<16x128xf32>
    %max3A_328 = arith.maximumf %select_n3A_305, %dot_general3A_313 : vector<16x128xf32>
    %broadcast_in_dim3A_329 = vector.shape_cast %xor3A_326 : vector<1x128xi1> to vector<1x128xi1>
    %broadcast_in_dim3A_330 = vector.broadcast %broadcast_in_dim3A_329 : vector<1x128xi1> to vector<16x128xi1>
    %select_n3A_331 = arith.select %broadcast_in_dim3A_330, %min3A_327, %max3A_328 : vector<16x128xi1>, vector<16x128xf32>
    %xor3A_332 = arith.constant 2 : i32
    %xor3A_333 = vector.broadcast %xor3A_332 : i32 to vector<128x128xi32>
    %xor3A_334 = arith.xori %iota3A_2, %xor3A_333 : vector<128x128xi32>
    %eq3A_335 = arith.cmpi eq, %iota3A, %xor3A_334 : vector<128x128xi32>
    %convert_element_type3A_336 = arith.extui %eq3A_335 : vector<128x128xi1> to vector<128x128xi32>
    %convert_element_type3A_337 = arith.sitofp %convert_element_type3A_336 : vector<128x128xi32> to vector<128x128xf32>
    %dot_general3A_338 = arith.constant dense<0.000000e+00> : vector<16x128xf32>
    %dot_general3A_339 = tpu.matmul %select_n3A_331, %convert_element_type3A_337, %dot_general3A_338 {dimension_numbers = #tpu.dot_dimension_numbers<[1], [0], [0], [1], [0, 0, 1, 1], [], []>, precision = #tpu.contract_precision<fp32>, transpose_lhs_hint = false} : vector<16x128xf32>, vector<128x128xf32>, vector<16x128xf32> -> vector<16x128xf32>
    %and3A_340 = arith.constant 32 : i32
    %and3A_341 = vector.broadcast %and3A_340 : i32 to vector<1x128xi32>
    %and3A_342 = arith.andi %iota3A_3, %and3A_341 : vector<1x128xi32>
    %eq3A_343 = arith.constant 0 : i32
    %eq3A_344 = vector.broadcast %eq3A_343 : i32 to vector<1x128xi32>
    %eq3A_345 = arith.cmpi eq, %and3A_342, %eq3A_344 : vector<1x128xi32>
    %and3A_346 = arith.constant 2 : i32
    %and3A_347 = vector.broadcast %and3A_346 : i32 to vector<1x128xi32>
    %and3A_348 = arith.andi %iota3A_3, %and3A_347 : vector<1x128xi32>
    %ne3A_349 = arith.constant 0 : i32
    %ne3A_350 = vector.broadcast %ne3A_349 : i32 to vector<1x128xi32>
    %ne3A_351 = arith.cmpi ne, %and3A_348, %ne3A_350 : vector<1x128xi32>
    %xor3A_352 = arith.xori %eq3A_345, %ne3A_351 : vector<1x128xi1>
    %min3A_353 = arith.minimumf %select_n3A_331, %dot_general3A_339 : vector<16x128xf32>
    %max3A_354 = arith.maximumf %select_n3A_331, %dot_general3A_339 : vector<16x128xf32>
    %broadcast_in_dim3A_355 = vector.shape_cast %xor3A_352 : vector<1x128xi1> to vector<1x128xi1>
    %broadcast_in_dim3A_356 = vector.broadcast %broadcast_in_dim3A_355 : vector<1x128xi1> to vector<16x128xi1>
    %select_n3A_357 = arith.select %broadcast_in_dim3A_356, %min3A_353, %max3A_354 : vector<16x128xi1>, vector<16x128xf32>
    %xor3A_358 = arith.constant 1 : i32
    %xor3A_359 = vector.broadcast %xor3A_358 : i32 to vector<128x128xi32>
    %xor3A_360 = arith.xori %iota3A_2, %xor3A_359 : vector<128x128xi32>
    %eq3A_361 = arith.cmpi eq, %iota3A, %xor3A_360 : vector<128x128xi32>
    %convert_element_type3A_362 = arith.extui %eq3A_361 : vector<128x128xi1> to vector<128x128xi32>
    %convert_element_type3A_363 = arith.sitofp %convert_element_type3A_362 : vector<128x128xi32> to vector<128x128xf32>
    %dot_general3A_364 = arith.constant dense<0.000000e+00> : vector<16x128xf32>
    %dot_general3A_365 = tpu.matmul %select_n3A_357, %convert_element_type3A_363, %dot_general3A_364 {dimension_numbers = #tpu.dot_dimension_numbers<[1], [0], [0], [1], [0, 0, 1, 1], [], []>, precision = #tpu.contract_precision<fp32>, transpose_lhs_hint = false} : vector<16x128xf32>, vector<128x128xf32>, vector<16x128xf32> -> vector<16x128xf32>
    %and3A_366 = arith.constant 32 : i32
    %and3A_367 = vector.broadcast %and3A_366 : i32 to vector<1x128xi32>
    %and3A_368 = arith.andi %iota3A_3, %and3A_367 : vector<1x128xi32>
    %eq3A_369 = arith.constant 0 : i32
    %eq3A_370 = vector.broadcast %eq3A_369 : i32 to vector<1x128xi32>
    %eq3A_371 = arith.cmpi eq, %and3A_368, %eq3A_370 : vector<1x128xi32>
    %and3A_372 = arith.constant 1 : i32
    %and3A_373 = vector.broadcast %and3A_372 : i32 to vector<1x128xi32>
    %and3A_374 = arith.andi %iota3A_3, %and3A_373 : vector<1x128xi32>
    %ne3A_375 = arith.constant 0 : i32
    %ne3A_376 = vector.broadcast %ne3A_375 : i32 to vector<1x128xi32>
    %ne3A_377 = arith.cmpi ne, %and3A_374, %ne3A_376 : vector<1x128xi32>
    %xor3A_378 = arith.xori %eq3A_371, %ne3A_377 : vector<1x128xi1>
    %min3A_379 = arith.minimumf %select_n3A_357, %dot_general3A_365 : vector<16x128xf32>
    %max3A_380 = arith.maximumf %select_n3A_357, %dot_general3A_365 : vector<16x128xf32>
    %broadcast_in_dim3A_381 = vector.shape_cast %xor3A_378 : vector<1x128xi1> to vector<1x128xi1>
    %broadcast_in_dim3A_382 = vector.broadcast %broadcast_in_dim3A_381 : vector<1x128xi1> to vector<16x128xi1>
    %select_n3A_383 = arith.select %broadcast_in_dim3A_382, %min3A_379, %max3A_380 : vector<16x128xi1>, vector<16x128xf32>
    %xor3A_384 = arith.constant 32 : i32
    %xor3A_385 = vector.broadcast %xor3A_384 : i32 to vector<128x128xi32>
    %xor3A_386 = arith.xori %iota3A_2, %xor3A_385 : vector<128x128xi32>
    %eq3A_387 = arith.cmpi eq, %iota3A, %xor3A_386 : vector<128x128xi32>
    %convert_element_type3A_388 = arith.extui %eq3A_387 : vector<128x128xi1> to vector<128x128xi32>
    %convert_element_type3A_389 = arith.sitofp %convert_element_type3A_388 : vector<128x128xi32> to vector<128x128xf32>
    %dot_general3A_390 = arith.constant dense<0.000000e+00> : vector<16x128xf32>
    %dot_general3A_391 = tpu.matmul %select_n3A_383, %convert_element_type3A_389, %dot_general3A_390 {dimension_numbers = #tpu.dot_dimension_numbers<[1], [0], [0], [1], [0, 0, 1, 1], [], []>, precision = #tpu.contract_precision<fp32>, transpose_lhs_hint = false} : vector<16x128xf32>, vector<128x128xf32>, vector<16x128xf32> -> vector<16x128xf32>
    %and3A_392 = arith.constant 64 : i32
    %and3A_393 = vector.broadcast %and3A_392 : i32 to vector<1x128xi32>
    %and3A_394 = arith.andi %iota3A_3, %and3A_393 : vector<1x128xi32>
    %eq3A_395 = arith.constant 0 : i32
    %eq3A_396 = vector.broadcast %eq3A_395 : i32 to vector<1x128xi32>
    %eq3A_397 = arith.cmpi eq, %and3A_394, %eq3A_396 : vector<1x128xi32>
    %and3A_398 = arith.constant 32 : i32
    %and3A_399 = vector.broadcast %and3A_398 : i32 to vector<1x128xi32>
    %and3A_400 = arith.andi %iota3A_3, %and3A_399 : vector<1x128xi32>
    %ne3A_401 = arith.constant 0 : i32
    %ne3A_402 = vector.broadcast %ne3A_401 : i32 to vector<1x128xi32>
    %ne3A_403 = arith.cmpi ne, %and3A_400, %ne3A_402 : vector<1x128xi32>
    %xor3A_404 = arith.xori %eq3A_397, %ne3A_403 : vector<1x128xi1>
    %min3A_405 = arith.minimumf %select_n3A_383, %dot_general3A_391 : vector<16x128xf32>
    %max3A_406 = arith.maximumf %select_n3A_383, %dot_general3A_391 : vector<16x128xf32>
    %broadcast_in_dim3A_407 = vector.shape_cast %xor3A_404 : vector<1x128xi1> to vector<1x128xi1>
    %broadcast_in_dim3A_408 = vector.broadcast %broadcast_in_dim3A_407 : vector<1x128xi1> to vector<16x128xi1>
    %select_n3A_409 = arith.select %broadcast_in_dim3A_408, %min3A_405, %max3A_406 : vector<16x128xi1>, vector<16x128xf32>
    %xor3A_410 = arith.constant 16 : i32
    %xor3A_411 = vector.broadcast %xor3A_410 : i32 to vector<128x128xi32>
    %xor3A_412 = arith.xori %iota3A_2, %xor3A_411 : vector<128x128xi32>
    %eq3A_413 = arith.cmpi eq, %iota3A, %xor3A_412 : vector<128x128xi32>
    %convert_element_type3A_414 = arith.extui %eq3A_413 : vector<128x128xi1> to vector<128x128xi32>
    %convert_element_type3A_415 = arith.sitofp %convert_element_type3A_414 : vector<128x128xi32> to vector<128x128xf32>
    %dot_general3A_416 = arith.constant dense<0.000000e+00> : vector<16x128xf32>
    %dot_general3A_417 = tpu.matmul %select_n3A_409, %convert_element_type3A_415, %dot_general3A_416 {dimension_numbers = #tpu.dot_dimension_numbers<[1], [0], [0], [1], [0, 0, 1, 1], [], []>, precision = #tpu.contract_precision<fp32>, transpose_lhs_hint = false} : vector<16x128xf32>, vector<128x128xf32>, vector<16x128xf32> -> vector<16x128xf32>
    %and3A_418 = arith.constant 64 : i32
    %and3A_419 = vector.broadcast %and3A_418 : i32 to vector<1x128xi32>
    %and3A_420 = arith.andi %iota3A_3, %and3A_419 : vector<1x128xi32>
    %eq3A_421 = arith.constant 0 : i32
    %eq3A_422 = vector.broadcast %eq3A_421 : i32 to vector<1x128xi32>
    %eq3A_423 = arith.cmpi eq, %and3A_420, %eq3A_422 : vector<1x128xi32>
    %and3A_424 = arith.constant 16 : i32
    %and3A_425 = vector.broadcast %and3A_424 : i32 to vector<1x128xi32>
    %and3A_426 = arith.andi %iota3A_3, %and3A_425 : vector<1x128xi32>
    %ne3A_427 = arith.constant 0 : i32
    %ne3A_428 = vector.broadcast %ne3A_427 : i32 to vector<1x128xi32>
    %ne3A_429 = arith.cmpi ne, %and3A_426, %ne3A_428 : vector<1x128xi32>
    %xor3A_430 = arith.xori %eq3A_423, %ne3A_429 : vector<1x128xi1>
    %min3A_431 = arith.minimumf %select_n3A_409, %dot_general3A_417 : vector<16x128xf32>
    %max3A_432 = arith.maximumf %select_n3A_409, %dot_general3A_417 : vector<16x128xf32>
    %broadcast_in_dim3A_433 = vector.shape_cast %xor3A_430 : vector<1x128xi1> to vector<1x128xi1>
    %broadcast_in_dim3A_434 = vector.broadcast %broadcast_in_dim3A_433 : vector<1x128xi1> to vector<16x128xi1>
    %select_n3A_435 = arith.select %broadcast_in_dim3A_434, %min3A_431, %max3A_432 : vector<16x128xi1>, vector<16x128xf32>
    %xor3A_436 = arith.constant 8 : i32
    %xor3A_437 = vector.broadcast %xor3A_436 : i32 to vector<128x128xi32>
    %xor3A_438 = arith.xori %iota3A_2, %xor3A_437 : vector<128x128xi32>
    %eq3A_439 = arith.cmpi eq, %iota3A, %xor3A_438 : vector<128x128xi32>
    %convert_element_type3A_440 = arith.extui %eq3A_439 : vector<128x128xi1> to vector<128x128xi32>
    %convert_element_type3A_441 = arith.sitofp %convert_element_type3A_440 : vector<128x128xi32> to vector<128x128xf32>
    %dot_general3A_442 = arith.constant dense<0.000000e+00> : vector<16x128xf32>
    %dot_general3A_443 = tpu.matmul %select_n3A_435, %convert_element_type3A_441, %dot_general3A_442 {dimension_numbers = #tpu.dot_dimension_numbers<[1], [0], [0], [1], [0, 0, 1, 1], [], []>, precision = #tpu.contract_precision<fp32>, transpose_lhs_hint = false} : vector<16x128xf32>, vector<128x128xf32>, vector<16x128xf32> -> vector<16x128xf32>
    %and3A_444 = arith.constant 64 : i32
    %and3A_445 = vector.broadcast %and3A_444 : i32 to vector<1x128xi32>
    %and3A_446 = arith.andi %iota3A_3, %and3A_445 : vector<1x128xi32>
    %eq3A_447 = arith.constant 0 : i32
    %eq3A_448 = vector.broadcast %eq3A_447 : i32 to vector<1x128xi32>
    %eq3A_449 = arith.cmpi eq, %and3A_446, %eq3A_448 : vector<1x128xi32>
    %and3A_450 = arith.constant 8 : i32
    %and3A_451 = vector.broadcast %and3A_450 : i32 to vector<1x128xi32>
    %and3A_452 = arith.andi %iota3A_3, %and3A_451 : vector<1x128xi32>
    %ne3A_453 = arith.constant 0 : i32
    %ne3A_454 = vector.broadcast %ne3A_453 : i32 to vector<1x128xi32>
    %ne3A_455 = arith.cmpi ne, %and3A_452, %ne3A_454 : vector<1x128xi32>
    %xor3A_456 = arith.xori %eq3A_449, %ne3A_455 : vector<1x128xi1>
    %min3A_457 = arith.minimumf %select_n3A_435, %dot_general3A_443 : vector<16x128xf32>
    %max3A_458 = arith.maximumf %select_n3A_435, %dot_general3A_443 : vector<16x128xf32>
    %broadcast_in_dim3A_459 = vector.shape_cast %xor3A_456 : vector<1x128xi1> to vector<1x128xi1>
    %broadcast_in_dim3A_460 = vector.broadcast %broadcast_in_dim3A_459 : vector<1x128xi1> to vector<16x128xi1>
    %select_n3A_461 = arith.select %broadcast_in_dim3A_460, %min3A_457, %max3A_458 : vector<16x128xi1>, vector<16x128xf32>
    %xor3A_462 = arith.constant 4 : i32
    %xor3A_463 = vector.broadcast %xor3A_462 : i32 to vector<128x128xi32>
    %xor3A_464 = arith.xori %iota3A_2, %xor3A_463 : vector<128x128xi32>
    %eq3A_465 = arith.cmpi eq, %iota3A, %xor3A_464 : vector<128x128xi32>
    %convert_element_type3A_466 = arith.extui %eq3A_465 : vector<128x128xi1> to vector<128x128xi32>
    %convert_element_type3A_467 = arith.sitofp %convert_element_type3A_466 : vector<128x128xi32> to vector<128x128xf32>
    %dot_general3A_468 = arith.constant dense<0.000000e+00> : vector<16x128xf32>
    %dot_general3A_469 = tpu.matmul %select_n3A_461, %convert_element_type3A_467, %dot_general3A_468 {dimension_numbers = #tpu.dot_dimension_numbers<[1], [0], [0], [1], [0, 0, 1, 1], [], []>, precision = #tpu.contract_precision<fp32>, transpose_lhs_hint = false} : vector<16x128xf32>, vector<128x128xf32>, vector<16x128xf32> -> vector<16x128xf32>
    %and3A_470 = arith.constant 64 : i32
    %and3A_471 = vector.broadcast %and3A_470 : i32 to vector<1x128xi32>
    %and3A_472 = arith.andi %iota3A_3, %and3A_471 : vector<1x128xi32>
    %eq3A_473 = arith.constant 0 : i32
    %eq3A_474 = vector.broadcast %eq3A_473 : i32 to vector<1x128xi32>
    %eq3A_475 = arith.cmpi eq, %and3A_472, %eq3A_474 : vector<1x128xi32>
    %and3A_476 = arith.constant 4 : i32
    %and3A_477 = vector.broadcast %and3A_476 : i32 to vector<1x128xi32>
    %and3A_478 = arith.andi %iota3A_3, %and3A_477 : vector<1x128xi32>
    %ne3A_479 = arith.constant 0 : i32
    %ne3A_480 = vector.broadcast %ne3A_479 : i32 to vector<1x128xi32>
    %ne3A_481 = arith.cmpi ne, %and3A_478, %ne3A_480 : vector<1x128xi32>
    %xor3A_482 = arith.xori %eq3A_475, %ne3A_481 : vector<1x128xi1>
    %min3A_483 = arith.minimumf %select_n3A_461, %dot_general3A_469 : vector<16x128xf32>
    %max3A_484 = arith.maximumf %select_n3A_461, %dot_general3A_469 : vector<16x128xf32>
    %broadcast_in_dim3A_485 = vector.shape_cast %xor3A_482 : vector<1x128xi1> to vector<1x128xi1>
    %broadcast_in_dim3A_486 = vector.broadcast %broadcast_in_dim3A_485 : vector<1x128xi1> to vector<16x128xi1>
    %select_n3A_487 = arith.select %broadcast_in_dim3A_486, %min3A_483, %max3A_484 : vector<16x128xi1>, vector<16x128xf32>
    %xor3A_488 = arith.constant 2 : i32
    %xor3A_489 = vector.broadcast %xor3A_488 : i32 to vector<128x128xi32>
    %xor3A_490 = arith.xori %iota3A_2, %xor3A_489 : vector<128x128xi32>
    %eq3A_491 = arith.cmpi eq, %iota3A, %xor3A_490 : vector<128x128xi32>
    %convert_element_type3A_492 = arith.extui %eq3A_491 : vector<128x128xi1> to vector<128x128xi32>
    %convert_element_type3A_493 = arith.sitofp %convert_element_type3A_492 : vector<128x128xi32> to vector<128x128xf32>
    %dot_general3A_494 = arith.constant dense<0.000000e+00> : vector<16x128xf32>
    %dot_general3A_495 = tpu.matmul %select_n3A_487, %convert_element_type3A_493, %dot_general3A_494 {dimension_numbers = #tpu.dot_dimension_numbers<[1], [0], [0], [1], [0, 0, 1, 1], [], []>, precision = #tpu.contract_precision<fp32>, transpose_lhs_hint = false} : vector<16x128xf32>, vector<128x128xf32>, vector<16x128xf32> -> vector<16x128xf32>
    %and3A_496 = arith.constant 64 : i32
    %and3A_497 = vector.broadcast %and3A_496 : i32 to vector<1x128xi32>
    %and3A_498 = arith.andi %iota3A_3, %and3A_497 : vector<1x128xi32>
    %eq3A_499 = arith.constant 0 : i32
    %eq3A_500 = vector.broadcast %eq3A_499 : i32 to vector<1x128xi32>
    %eq3A_501 = arith.cmpi eq, %and3A_498, %eq3A_500 : vector<1x128xi32>
    %and3A_502 = arith.constant 2 : i32
    %and3A_503 = vector.broadcast %and3A_502 : i32 to vector<1x128xi32>
    %and3A_504 = arith.andi %iota3A_3, %and3A_503 : vector<1x128xi32>
    %ne3A_505 = arith.constant 0 : i32
    %ne3A_506 = vector.broadcast %ne3A_505 : i32 to vector<1x128xi32>
    %ne3A_507 = arith.cmpi ne, %and3A_504, %ne3A_506 : vector<1x128xi32>
    %xor3A_508 = arith.xori %eq3A_501, %ne3A_507 : vector<1x128xi1>
    %min3A_509 = arith.minimumf %select_n3A_487, %dot_general3A_495 : vector<16x128xf32>
    %max3A_510 = arith.maximumf %select_n3A_487, %dot_general3A_495 : vector<16x128xf32>
    %broadcast_in_dim3A_511 = vector.shape_cast %xor3A_508 : vector<1x128xi1> to vector<1x128xi1>
    %broadcast_in_dim3A_512 = vector.broadcast %broadcast_in_dim3A_511 : vector<1x128xi1> to vector<16x128xi1>
    %select_n3A_513 = arith.select %broadcast_in_dim3A_512, %min3A_509, %max3A_510 : vector<16x128xi1>, vector<16x128xf32>
    %xor3A_514 = arith.constant 1 : i32
    %xor3A_515 = vector.broadcast %xor3A_514 : i32 to vector<128x128xi32>
    %xor3A_516 = arith.xori %iota3A_2, %xor3A_515 : vector<128x128xi32>
    %eq3A_517 = arith.cmpi eq, %iota3A, %xor3A_516 : vector<128x128xi32>
    %convert_element_type3A_518 = arith.extui %eq3A_517 : vector<128x128xi1> to vector<128x128xi32>
    %convert_element_type3A_519 = arith.sitofp %convert_element_type3A_518 : vector<128x128xi32> to vector<128x128xf32>
    %dot_general3A_520 = arith.constant dense<0.000000e+00> : vector<16x128xf32>
    %dot_general3A_521 = tpu.matmul %select_n3A_513, %convert_element_type3A_519, %dot_general3A_520 {dimension_numbers = #tpu.dot_dimension_numbers<[1], [0], [0], [1], [0, 0, 1, 1], [], []>, precision = #tpu.contract_precision<fp32>, transpose_lhs_hint = false} : vector<16x128xf32>, vector<128x128xf32>, vector<16x128xf32> -> vector<16x128xf32>
    %and3A_522 = arith.constant 64 : i32
    %and3A_523 = vector.broadcast %and3A_522 : i32 to vector<1x128xi32>
    %and3A_524 = arith.andi %iota3A_3, %and3A_523 : vector<1x128xi32>
    %eq3A_525 = arith.constant 0 : i32
    %eq3A_526 = vector.broadcast %eq3A_525 : i32 to vector<1x128xi32>
    %eq3A_527 = arith.cmpi eq, %and3A_524, %eq3A_526 : vector<1x128xi32>
    %and3A_528 = arith.constant 1 : i32
    %and3A_529 = vector.broadcast %and3A_528 : i32 to vector<1x128xi32>
    %and3A_530 = arith.andi %iota3A_3, %and3A_529 : vector<1x128xi32>
    %ne3A_531 = arith.constant 0 : i32
    %ne3A_532 = vector.broadcast %ne3A_531 : i32 to vector<1x128xi32>
    %ne3A_533 = arith.cmpi ne, %and3A_530, %ne3A_532 : vector<1x128xi32>
    %xor3A_534 = arith.xori %eq3A_527, %ne3A_533 : vector<1x128xi1>
    %min3A_535 = arith.minimumf %select_n3A_513, %dot_general3A_521 : vector<16x128xf32>
    %max3A_536 = arith.maximumf %select_n3A_513, %dot_general3A_521 : vector<16x128xf32>
    %broadcast_in_dim3A_537 = vector.shape_cast %xor3A_534 : vector<1x128xi1> to vector<1x128xi1>
    %broadcast_in_dim3A_538 = vector.broadcast %broadcast_in_dim3A_537 : vector<1x128xi1> to vector<16x128xi1>
    %select_n3A_539 = arith.select %broadcast_in_dim3A_538, %min3A_535, %max3A_536 : vector<16x128xi1>, vector<16x128xf32>
    %xor3A_540 = arith.constant 64 : i32
    %xor3A_541 = vector.broadcast %xor3A_540 : i32 to vector<128x128xi32>
    %xor3A_542 = arith.xori %iota3A_2, %xor3A_541 : vector<128x128xi32>
    %eq3A_543 = arith.cmpi eq, %iota3A, %xor3A_542 : vector<128x128xi32>
    %convert_element_type3A_544 = arith.extui %eq3A_543 : vector<128x128xi1> to vector<128x128xi32>
    %convert_element_type3A_545 = arith.sitofp %convert_element_type3A_544 : vector<128x128xi32> to vector<128x128xf32>
    %dot_general3A_546 = arith.constant dense<0.000000e+00> : vector<16x128xf32>
    %dot_general3A_547 = tpu.matmul %select_n3A_539, %convert_element_type3A_545, %dot_general3A_546 {dimension_numbers = #tpu.dot_dimension_numbers<[1], [0], [0], [1], [0, 0, 1, 1], [], []>, precision = #tpu.contract_precision<fp32>, transpose_lhs_hint = false} : vector<16x128xf32>, vector<128x128xf32>, vector<16x128xf32> -> vector<16x128xf32>
    %and3A_548 = arith.constant 128 : i32
    %and3A_549 = vector.broadcast %and3A_548 : i32 to vector<1x128xi32>
    %and3A_550 = arith.andi %iota3A_3, %and3A_549 : vector<1x128xi32>
    %eq3A_551 = arith.constant 0 : i32
    %eq3A_552 = vector.broadcast %eq3A_551 : i32 to vector<1x128xi32>
    %eq3A_553 = arith.cmpi eq, %and3A_550, %eq3A_552 : vector<1x128xi32>
    %and3A_554 = arith.constant 64 : i32
    %and3A_555 = vector.broadcast %and3A_554 : i32 to vector<1x128xi32>
    %and3A_556 = arith.andi %iota3A_3, %and3A_555 : vector<1x128xi32>
    %ne3A_557 = arith.constant 0 : i32
    %ne3A_558 = vector.broadcast %ne3A_557 : i32 to vector<1x128xi32>
    %ne3A_559 = arith.cmpi ne, %and3A_556, %ne3A_558 : vector<1x128xi32>
    %xor3A_560 = arith.xori %eq3A_553, %ne3A_559 : vector<1x128xi1>
    %min3A_561 = arith.minimumf %select_n3A_539, %dot_general3A_547 : vector<16x128xf32>
    %max3A_562 = arith.maximumf %select_n3A_539, %dot_general3A_547 : vector<16x128xf32>
    %broadcast_in_dim3A_563 = vector.shape_cast %xor3A_560 : vector<1x128xi1> to vector<1x128xi1>
    %broadcast_in_dim3A_564 = vector.broadcast %broadcast_in_dim3A_563 : vector<1x128xi1> to vector<16x128xi1>
    %select_n3A_565 = arith.select %broadcast_in_dim3A_564, %min3A_561, %max3A_562 : vector<16x128xi1>, vector<16x128xf32>
    %xor3A_566 = arith.constant 32 : i32
    %xor3A_567 = vector.broadcast %xor3A_566 : i32 to vector<128x128xi32>
    %xor3A_568 = arith.xori %iota3A_2, %xor3A_567 : vector<128x128xi32>
    %eq3A_569 = arith.cmpi eq, %iota3A, %xor3A_568 : vector<128x128xi32>
    %convert_element_type3A_570 = arith.extui %eq3A_569 : vector<128x128xi1> to vector<128x128xi32>
    %convert_element_type3A_571 = arith.sitofp %convert_element_type3A_570 : vector<128x128xi32> to vector<128x128xf32>
    %dot_general3A_572 = arith.constant dense<0.000000e+00> : vector<16x128xf32>
    %dot_general3A_573 = tpu.matmul %select_n3A_565, %convert_element_type3A_571, %dot_general3A_572 {dimension_numbers = #tpu.dot_dimension_numbers<[1], [0], [0], [1], [0, 0, 1, 1], [], []>, precision = #tpu.contract_precision<fp32>, transpose_lhs_hint = false} : vector<16x128xf32>, vector<128x128xf32>, vector<16x128xf32> -> vector<16x128xf32>
    %and3A_574 = arith.constant 128 : i32
    %and3A_575 = vector.broadcast %and3A_574 : i32 to vector<1x128xi32>
    %and3A_576 = arith.andi %iota3A_3, %and3A_575 : vector<1x128xi32>
    %eq3A_577 = arith.constant 0 : i32
    %eq3A_578 = vector.broadcast %eq3A_577 : i32 to vector<1x128xi32>
    %eq3A_579 = arith.cmpi eq, %and3A_576, %eq3A_578 : vector<1x128xi32>
    %and3A_580 = arith.constant 32 : i32
    %and3A_581 = vector.broadcast %and3A_580 : i32 to vector<1x128xi32>
    %and3A_582 = arith.andi %iota3A_3, %and3A_581 : vector<1x128xi32>
    %ne3A_583 = arith.constant 0 : i32
    %ne3A_584 = vector.broadcast %ne3A_583 : i32 to vector<1x128xi32>
    %ne3A_585 = arith.cmpi ne, %and3A_582, %ne3A_584 : vector<1x128xi32>
    %xor3A_586 = arith.xori %eq3A_579, %ne3A_585 : vector<1x128xi1>
    %min3A_587 = arith.minimumf %select_n3A_565, %dot_general3A_573 : vector<16x128xf32>
    %max3A_588 = arith.maximumf %select_n3A_565, %dot_general3A_573 : vector<16x128xf32>
    %broadcast_in_dim3A_589 = vector.shape_cast %xor3A_586 : vector<1x128xi1> to vector<1x128xi1>
    %broadcast_in_dim3A_590 = vector.broadcast %broadcast_in_dim3A_589 : vector<1x128xi1> to vector<16x128xi1>
    %select_n3A_591 = arith.select %broadcast_in_dim3A_590, %min3A_587, %max3A_588 : vector<16x128xi1>, vector<16x128xf32>
    %xor3A_592 = arith.constant 16 : i32
    %xor3A_593 = vector.broadcast %xor3A_592 : i32 to vector<128x128xi32>
    %xor3A_594 = arith.xori %iota3A_2, %xor3A_593 : vector<128x128xi32>
    %eq3A_595 = arith.cmpi eq, %iota3A, %xor3A_594 : vector<128x128xi32>
    %convert_element_type3A_596 = arith.extui %eq3A_595 : vector<128x128xi1> to vector<128x128xi32>
    %convert_element_type3A_597 = arith.sitofp %convert_element_type3A_596 : vector<128x128xi32> to vector<128x128xf32>
    %dot_general3A_598 = arith.constant dense<0.000000e+00> : vector<16x128xf32>
    %dot_general3A_599 = tpu.matmul %select_n3A_591, %convert_element_type3A_597, %dot_general3A_598 {dimension_numbers = #tpu.dot_dimension_numbers<[1], [0], [0], [1], [0, 0, 1, 1], [], []>, precision = #tpu.contract_precision<fp32>, transpose_lhs_hint = false} : vector<16x128xf32>, vector<128x128xf32>, vector<16x128xf32> -> vector<16x128xf32>
    %and3A_600 = arith.constant 128 : i32
    %and3A_601 = vector.broadcast %and3A_600 : i32 to vector<1x128xi32>
    %and3A_602 = arith.andi %iota3A_3, %and3A_601 : vector<1x128xi32>
    %eq3A_603 = arith.constant 0 : i32
    %eq3A_604 = vector.broadcast %eq3A_603 : i32 to vector<1x128xi32>
    %eq3A_605 = arith.cmpi eq, %and3A_602, %eq3A_604 : vector<1x128xi32>
    %and3A_606 = arith.constant 16 : i32
    %and3A_607 = vector.broadcast %and3A_606 : i32 to vector<1x128xi32>
    %and3A_608 = arith.andi %iota3A_3, %and3A_607 : vector<1x128xi32>
    %ne3A_609 = arith.constant 0 : i32
    %ne3A_610 = vector.broadcast %ne3A_609 : i32 to vector<1x128xi32>
    %ne3A_611 = arith.cmpi ne, %and3A_608, %ne3A_610 : vector<1x128xi32>
    %xor3A_612 = arith.xori %eq3A_605, %ne3A_611 : vector<1x128xi1>
    %min3A_613 = arith.minimumf %select_n3A_591, %dot_general3A_599 : vector<16x128xf32>
    %max3A_614 = arith.maximumf %select_n3A_591, %dot_general3A_599 : vector<16x128xf32>
    %broadcast_in_dim3A_615 = vector.shape_cast %xor3A_612 : vector<1x128xi1> to vector<1x128xi1>
    %broadcast_in_dim3A_616 = vector.broadcast %broadcast_in_dim3A_615 : vector<1x128xi1> to vector<16x128xi1>
    %select_n3A_617 = arith.select %broadcast_in_dim3A_616, %min3A_613, %max3A_614 : vector<16x128xi1>, vector<16x128xf32>
    %xor3A_618 = arith.constant 8 : i32
    %xor3A_619 = vector.broadcast %xor3A_618 : i32 to vector<128x128xi32>
    %xor3A_620 = arith.xori %iota3A_2, %xor3A_619 : vector<128x128xi32>
    %eq3A_621 = arith.cmpi eq, %iota3A, %xor3A_620 : vector<128x128xi32>
    %convert_element_type3A_622 = arith.extui %eq3A_621 : vector<128x128xi1> to vector<128x128xi32>
    %convert_element_type3A_623 = arith.sitofp %convert_element_type3A_622 : vector<128x128xi32> to vector<128x128xf32>
    %dot_general3A_624 = arith.constant dense<0.000000e+00> : vector<16x128xf32>
    %dot_general3A_625 = tpu.matmul %select_n3A_617, %convert_element_type3A_623, %dot_general3A_624 {dimension_numbers = #tpu.dot_dimension_numbers<[1], [0], [0], [1], [0, 0, 1, 1], [], []>, precision = #tpu.contract_precision<fp32>, transpose_lhs_hint = false} : vector<16x128xf32>, vector<128x128xf32>, vector<16x128xf32> -> vector<16x128xf32>
    %and3A_626 = arith.constant 128 : i32
    %and3A_627 = vector.broadcast %and3A_626 : i32 to vector<1x128xi32>
    %and3A_628 = arith.andi %iota3A_3, %and3A_627 : vector<1x128xi32>
    %eq3A_629 = arith.constant 0 : i32
    %eq3A_630 = vector.broadcast %eq3A_629 : i32 to vector<1x128xi32>
    %eq3A_631 = arith.cmpi eq, %and3A_628, %eq3A_630 : vector<1x128xi32>
    %and3A_632 = arith.constant 8 : i32
    %and3A_633 = vector.broadcast %and3A_632 : i32 to vector<1x128xi32>
    %and3A_634 = arith.andi %iota3A_3, %and3A_633 : vector<1x128xi32>
    %ne3A_635 = arith.constant 0 : i32
    %ne3A_636 = vector.broadcast %ne3A_635 : i32 to vector<1x128xi32>
    %ne3A_637 = arith.cmpi ne, %and3A_634, %ne3A_636 : vector<1x128xi32>
    %xor3A_638 = arith.xori %eq3A_631, %ne3A_637 : vector<1x128xi1>
    %min3A_639 = arith.minimumf %select_n3A_617, %dot_general3A_625 : vector<16x128xf32>
    %max3A_640 = arith.maximumf %select_n3A_617, %dot_general3A_625 : vector<16x128xf32>
    %broadcast_in_dim3A_641 = vector.shape_cast %xor3A_638 : vector<1x128xi1> to vector<1x128xi1>
    %broadcast_in_dim3A_642 = vector.broadcast %broadcast_in_dim3A_641 : vector<1x128xi1> to vector<16x128xi1>
    %select_n3A_643 = arith.select %broadcast_in_dim3A_642, %min3A_639, %max3A_640 : vector<16x128xi1>, vector<16x128xf32>
    %xor3A_644 = arith.constant 4 : i32
    %xor3A_645 = vector.broadcast %xor3A_644 : i32 to vector<128x128xi32>
    %xor3A_646 = arith.xori %iota3A_2, %xor3A_645 : vector<128x128xi32>
    %eq3A_647 = arith.cmpi eq, %iota3A, %xor3A_646 : vector<128x128xi32>
    %convert_element_type3A_648 = arith.extui %eq3A_647 : vector<128x128xi1> to vector<128x128xi32>
    %convert_element_type3A_649 = arith.sitofp %convert_element_type3A_648 : vector<128x128xi32> to vector<128x128xf32>
    %dot_general3A_650 = arith.constant dense<0.000000e+00> : vector<16x128xf32>
    %dot_general3A_651 = tpu.matmul %select_n3A_643, %convert_element_type3A_649, %dot_general3A_650 {dimension_numbers = #tpu.dot_dimension_numbers<[1], [0], [0], [1], [0, 0, 1, 1], [], []>, precision = #tpu.contract_precision<fp32>, transpose_lhs_hint = false} : vector<16x128xf32>, vector<128x128xf32>, vector<16x128xf32> -> vector<16x128xf32>
    %and3A_652 = arith.constant 128 : i32
    %and3A_653 = vector.broadcast %and3A_652 : i32 to vector<1x128xi32>
    %and3A_654 = arith.andi %iota3A_3, %and3A_653 : vector<1x128xi32>
    %eq3A_655 = arith.constant 0 : i32
    %eq3A_656 = vector.broadcast %eq3A_655 : i32 to vector<1x128xi32>
    %eq3A_657 = arith.cmpi eq, %and3A_654, %eq3A_656 : vector<1x128xi32>
    %and3A_658 = arith.constant 4 : i32
    %and3A_659 = vector.broadcast %and3A_658 : i32 to vector<1x128xi32>
    %and3A_660 = arith.andi %iota3A_3, %and3A_659 : vector<1x128xi32>
    %ne3A_661 = arith.constant 0 : i32
    %ne3A_662 = vector.broadcast %ne3A_661 : i32 to vector<1x128xi32>
    %ne3A_663 = arith.cmpi ne, %and3A_660, %ne3A_662 : vector<1x128xi32>
    %xor3A_664 = arith.xori %eq3A_657, %ne3A_663 : vector<1x128xi1>
    %min3A_665 = arith.minimumf %select_n3A_643, %dot_general3A_651 : vector<16x128xf32>
    %max3A_666 = arith.maximumf %select_n3A_643, %dot_general3A_651 : vector<16x128xf32>
    %broadcast_in_dim3A_667 = vector.shape_cast %xor3A_664 : vector<1x128xi1> to vector<1x128xi1>
    %broadcast_in_dim3A_668 = vector.broadcast %broadcast_in_dim3A_667 : vector<1x128xi1> to vector<16x128xi1>
    %select_n3A_669 = arith.select %broadcast_in_dim3A_668, %min3A_665, %max3A_666 : vector<16x128xi1>, vector<16x128xf32>
    %xor3A_670 = arith.constant 2 : i32
    %xor3A_671 = vector.broadcast %xor3A_670 : i32 to vector<128x128xi32>
    %xor3A_672 = arith.xori %iota3A_2, %xor3A_671 : vector<128x128xi32>
    %eq3A_673 = arith.cmpi eq, %iota3A, %xor3A_672 : vector<128x128xi32>
    %convert_element_type3A_674 = arith.extui %eq3A_673 : vector<128x128xi1> to vector<128x128xi32>
    %convert_element_type3A_675 = arith.sitofp %convert_element_type3A_674 : vector<128x128xi32> to vector<128x128xf32>
    %dot_general3A_676 = arith.constant dense<0.000000e+00> : vector<16x128xf32>
    %dot_general3A_677 = tpu.matmul %select_n3A_669, %convert_element_type3A_675, %dot_general3A_676 {dimension_numbers = #tpu.dot_dimension_numbers<[1], [0], [0], [1], [0, 0, 1, 1], [], []>, precision = #tpu.contract_precision<fp32>, transpose_lhs_hint = false} : vector<16x128xf32>, vector<128x128xf32>, vector<16x128xf32> -> vector<16x128xf32>
    %and3A_678 = arith.constant 128 : i32
    %and3A_679 = vector.broadcast %and3A_678 : i32 to vector<1x128xi32>
    %and3A_680 = arith.andi %iota3A_3, %and3A_679 : vector<1x128xi32>
    %eq3A_681 = arith.constant 0 : i32
    %eq3A_682 = vector.broadcast %eq3A_681 : i32 to vector<1x128xi32>
    %eq3A_683 = arith.cmpi eq, %and3A_680, %eq3A_682 : vector<1x128xi32>
    %and3A_684 = arith.constant 2 : i32
    %and3A_685 = vector.broadcast %and3A_684 : i32 to vector<1x128xi32>
    %and3A_686 = arith.andi %iota3A_3, %and3A_685 : vector<1x128xi32>
    %ne3A_687 = arith.constant 0 : i32
    %ne3A_688 = vector.broadcast %ne3A_687 : i32 to vector<1x128xi32>
    %ne3A_689 = arith.cmpi ne, %and3A_686, %ne3A_688 : vector<1x128xi32>
    %xor3A_690 = arith.xori %eq3A_683, %ne3A_689 : vector<1x128xi1>
    %min3A_691 = arith.minimumf %select_n3A_669, %dot_general3A_677 : vector<16x128xf32>
    %max3A_692 = arith.maximumf %select_n3A_669, %dot_general3A_677 : vector<16x128xf32>
    %broadcast_in_dim3A_693 = vector.shape_cast %xor3A_690 : vector<1x128xi1> to vector<1x128xi1>
    %broadcast_in_dim3A_694 = vector.broadcast %broadcast_in_dim3A_693 : vector<1x128xi1> to vector<16x128xi1>
    %select_n3A_695 = arith.select %broadcast_in_dim3A_694, %min3A_691, %max3A_692 : vector<16x128xi1>, vector<16x128xf32>
    %xor3A_696 = arith.constant 1 : i32
    %xor3A_697 = vector.broadcast %xor3A_696 : i32 to vector<128x128xi32>
    %xor3A_698 = arith.xori %iota3A_2, %xor3A_697 : vector<128x128xi32>
    %eq3A_699 = arith.cmpi eq, %iota3A, %xor3A_698 : vector<128x128xi32>
    %convert_element_type3A_700 = arith.extui %eq3A_699 : vector<128x128xi1> to vector<128x128xi32>
    %convert_element_type3A_701 = arith.sitofp %convert_element_type3A_700 : vector<128x128xi32> to vector<128x128xf32>
    %dot_general3A_702 = arith.constant dense<0.000000e+00> : vector<16x128xf32>
    %dot_general3A_703 = tpu.matmul %select_n3A_695, %convert_element_type3A_701, %dot_general3A_702 {dimension_numbers = #tpu.dot_dimension_numbers<[1], [0], [0], [1], [0, 0, 1, 1], [], []>, precision = #tpu.contract_precision<fp32>, transpose_lhs_hint = false} : vector<16x128xf32>, vector<128x128xf32>, vector<16x128xf32> -> vector<16x128xf32>
    %and3A_704 = arith.constant 128 : i32
    %and3A_705 = vector.broadcast %and3A_704 : i32 to vector<1x128xi32>
    %and3A_706 = arith.andi %iota3A_3, %and3A_705 : vector<1x128xi32>
    %eq3A_707 = arith.constant 0 : i32
    %eq3A_708 = vector.broadcast %eq3A_707 : i32 to vector<1x128xi32>
    %eq3A_709 = arith.cmpi eq, %and3A_706, %eq3A_708 : vector<1x128xi32>
    %and3A_710 = arith.constant 1 : i32
    %and3A_711 = vector.broadcast %and3A_710 : i32 to vector<1x128xi32>
    %and3A_712 = arith.andi %iota3A_3, %and3A_711 : vector<1x128xi32>
    %ne3A_713 = arith.constant 0 : i32
    %ne3A_714 = vector.broadcast %ne3A_713 : i32 to vector<1x128xi32>
    %ne3A_715 = arith.cmpi ne, %and3A_712, %ne3A_714 : vector<1x128xi32>
    %xor3A_716 = arith.xori %eq3A_709, %ne3A_715 : vector<1x128xi1>
    %min3A_717 = arith.minimumf %select_n3A_695, %dot_general3A_703 : vector<16x128xf32>
    %max3A_718 = arith.maximumf %select_n3A_695, %dot_general3A_703 : vector<16x128xf32>
    %broadcast_in_dim3A_719 = vector.shape_cast %xor3A_716 : vector<1x128xi1> to vector<1x128xi1>
    %broadcast_in_dim3A_720 = vector.broadcast %broadcast_in_dim3A_719 : vector<1x128xi1> to vector<16x128xi1>
    %select_n3A_721 = arith.select %broadcast_in_dim3A_720, %min3A_717, %max3A_718 : vector<16x128xi1>, vector<16x128xf32>
    %get3A_722 = arith.constant 0 : index
    %get3A_723 = arith.constant 0 : index
    %get3A_724 = vector.load %arg1[%get3A_722, %get3A_723] : memref<128x64xf32, #tpu.memory_space<vmem>>, vector<128x64xf32>
    %dot_general3A_725 = arith.constant dense<0.000000e+00> : vector<16x64xf32>
    %dot_general3A_726 = tpu.matmul %select_n3A_721, %get3A_724, %dot_general3A_725 {dimension_numbers = #tpu.dot_dimension_numbers<[1], [0], [0], [1], [0, 0, 1, 1], [], []>, precision = #tpu.contract_precision<fp32>, transpose_lhs_hint = false} : vector<16x128xf32>, vector<128x64xf32>, vector<16x64xf32> -> vector<16x64xf32>
    %get3A_727 = arith.constant 0 : index
    %get3A_728 = arith.constant 0 : index
    %get3A_729 = vector.load %arg2[%get3A_727, %get3A_728] : memref<1x64xf32, #tpu.memory_space<vmem>>, vector<1x64xf32>
    %add3A = vector.broadcast %get3A_729 : vector<1x64xf32> to vector<16x64xf32>
    %add3A_730 = arith.addf %dot_general3A_726, %add3A : vector<16x64xf32>
    %max3A_731 = arith.constant 0.000000e+00 : f32
    %max3A_732 = vector.broadcast %max3A_731 : f32 to vector<16x64xf32>
    %max3A_733 = arith.maximumf %add3A_730, %max3A_732 : vector<16x64xf32>
    %iota3A_734 = tpu.iota {dimensions = array<i32: 0>} : vector<8x16xi32>
    %iota3A_735 = tpu.iota {dimensions = array<i32: 1>} : vector<8x16xi32>
    %mul3A = arith.constant 2 : i32
    %mul3A_736 = vector.broadcast %mul3A : i32 to vector<8x16xi32>
    %mul3A_737 = arith.muli %mul3A_736, %iota3A_734 : vector<8x16xi32>
    %eq3A_738 = arith.cmpi eq, %iota3A_735, %mul3A_737 : vector<8x16xi32>
    %convert_element_type3A_739 = arith.extui %eq3A_738 : vector<8x16xi1> to vector<8x16xi32>
    %convert_element_type3A_740 = arith.sitofp %convert_element_type3A_739 : vector<8x16xi32> to vector<8x16xf32>
    %mul3A_741 = arith.constant 2 : i32
    %mul3A_742 = vector.broadcast %mul3A_741 : i32 to vector<8x16xi32>
    %mul3A_743 = arith.muli %mul3A_742, %iota3A_734 : vector<8x16xi32>
    %add3A_744 = arith.constant 1 : i32
    %add3A_745 = vector.broadcast %add3A_744 : i32 to vector<8x16xi32>
    %add3A_746 = arith.addi %mul3A_743, %add3A_745 : vector<8x16xi32>
    %eq3A_747 = arith.cmpi eq, %iota3A_735, %add3A_746 : vector<8x16xi32>
    %convert_element_type3A_748 = arith.extui %eq3A_747 : vector<8x16xi1> to vector<8x16xi32>
    %convert_element_type3A_749 = arith.sitofp %convert_element_type3A_748 : vector<8x16xi32> to vector<8x16xf32>
    %dot_general3A_750 = arith.constant dense<0.000000e+00> : vector<8x64xf32>
    %dot_general3A_751 = tpu.matmul %convert_element_type3A_740, %max3A_733, %dot_general3A_750 {dimension_numbers = #tpu.dot_dimension_numbers<[1], [0], [0], [1], [0, 0, 1, 1], [], []>, precision = #tpu.contract_precision<fp32>, transpose_lhs_hint = false} : vector<8x16xf32>, vector<16x64xf32>, vector<8x64xf32> -> vector<8x64xf32>
    %dot_general3A_752 = arith.constant dense<0.000000e+00> : vector<8x64xf32>
    %dot_general3A_753 = tpu.matmul %convert_element_type3A_749, %max3A_733, %dot_general3A_752 {dimension_numbers = #tpu.dot_dimension_numbers<[1], [0], [0], [1], [0, 0, 1, 1], [], []>, precision = #tpu.contract_precision<fp32>, transpose_lhs_hint = false} : vector<8x16xf32>, vector<16x64xf32>, vector<8x64xf32> -> vector<8x64xf32>
    %max3A_754 = arith.maximumf %dot_general3A_751, %dot_general3A_753 : vector<8x64xf32>
    %get3A_755 = arith.constant 0 : index
    %get3A_756 = arith.constant 0 : index
    %get3A_757 = vector.load %arg4[%get3A_755, %get3A_756] : memref<1x128xf32, #tpu.memory_space<vmem>>, vector<1x128xf32>
    %slice3A = vector.extract_strided_slice %max3A_754 {offsets = [0, 0], sizes = [1, 64], strides = [1, 1]} : vector<8x64xf32> to vector<1x64xf32>
    %get3A_758 = arith.constant 0 : index
    %get3A_759 = arith.constant 0 : index
    %get3A_760 = arith.constant 0 : index
    %get3A_761 = vector.load %arg3[%get3A_758, %get3A_759, %get3A_760] : memref<5x64x128xf32, #tpu.memory_space<vmem>>, vector<1x64x128xf32>
    %get3A_762 = vector.shape_cast %get3A_761 : vector<1x64x128xf32> to vector<64x128xf32>
    %dot_general3A_763 = arith.constant dense<0.000000e+00> : vector<1x128xf32>
    %dot_general3A_764 = tpu.matmul %slice3A, %get3A_762, %dot_general3A_763 {dimension_numbers = #tpu.dot_dimension_numbers<[1], [0], [0], [1], [0, 0, 1, 1], [], []>, precision = #tpu.contract_precision<fp32>, transpose_lhs_hint = false} : vector<1x64xf32>, vector<64x128xf32>, vector<1x128xf32> -> vector<1x128xf32>
    %add3A_765 = arith.addf %get3A_757, %dot_general3A_764 : vector<1x128xf32>
    %slice3A_766 = vector.extract_strided_slice %max3A_754 {offsets = [1, 0], sizes = [1, 64], strides = [1, 1]} : vector<8x64xf32> to vector<1x64xf32>
    %get3A_767 = arith.constant 1 : index
    %get3A_768 = arith.constant 0 : index
    %get3A_769 = arith.constant 0 : index
    %get3A_770 = vector.load %arg3[%get3A_767, %get3A_768, %get3A_769] : memref<5x64x128xf32, #tpu.memory_space<vmem>>, vector<1x64x128xf32>
    %get3A_771 = vector.shape_cast %get3A_770 : vector<1x64x128xf32> to vector<64x128xf32>
    %dot_general3A_772 = arith.constant dense<0.000000e+00> : vector<1x128xf32>
    %dot_general3A_773 = tpu.matmul %slice3A_766, %get3A_771, %dot_general3A_772 {dimension_numbers = #tpu.dot_dimension_numbers<[1], [0], [0], [1], [0, 0, 1, 1], [], []>, precision = #tpu.contract_precision<fp32>, transpose_lhs_hint = false} : vector<1x64xf32>, vector<64x128xf32>, vector<1x128xf32> -> vector<1x128xf32>
    %add3A_774 = arith.addf %add3A_765, %dot_general3A_773 : vector<1x128xf32>
    %slice3A_775 = vector.extract_strided_slice %max3A_754 {offsets = [2, 0], sizes = [1, 64], strides = [1, 1]} : vector<8x64xf32> to vector<1x64xf32>
    %get3A_776 = arith.constant 2 : index
    %get3A_777 = arith.constant 0 : index
    %get3A_778 = arith.constant 0 : index
    %get3A_779 = vector.load %arg3[%get3A_776, %get3A_777, %get3A_778] : memref<5x64x128xf32, #tpu.memory_space<vmem>>, vector<1x64x128xf32>
    %get3A_780 = vector.shape_cast %get3A_779 : vector<1x64x128xf32> to vector<64x128xf32>
    %dot_general3A_781 = arith.constant dense<0.000000e+00> : vector<1x128xf32>
    %dot_general3A_782 = tpu.matmul %slice3A_775, %get3A_780, %dot_general3A_781 {dimension_numbers = #tpu.dot_dimension_numbers<[1], [0], [0], [1], [0, 0, 1, 1], [], []>, precision = #tpu.contract_precision<fp32>, transpose_lhs_hint = false} : vector<1x64xf32>, vector<64x128xf32>, vector<1x128xf32> -> vector<1x128xf32>
    %add3A_783 = arith.addf %add3A_774, %dot_general3A_782 : vector<1x128xf32>
    %slice3A_784 = vector.extract_strided_slice %max3A_754 {offsets = [3, 0], sizes = [1, 64], strides = [1, 1]} : vector<8x64xf32> to vector<1x64xf32>
    %get3A_785 = arith.constant 3 : index
    %get3A_786 = arith.constant 0 : index
    %get3A_787 = arith.constant 0 : index
    %get3A_788 = vector.load %arg3[%get3A_785, %get3A_786, %get3A_787] : memref<5x64x128xf32, #tpu.memory_space<vmem>>, vector<1x64x128xf32>
    %get3A_789 = vector.shape_cast %get3A_788 : vector<1x64x128xf32> to vector<64x128xf32>
    %dot_general3A_790 = arith.constant dense<0.000000e+00> : vector<1x128xf32>
    %dot_general3A_791 = tpu.matmul %slice3A_784, %get3A_789, %dot_general3A_790 {dimension_numbers = #tpu.dot_dimension_numbers<[1], [0], [0], [1], [0, 0, 1, 1], [], []>, precision = #tpu.contract_precision<fp32>, transpose_lhs_hint = false} : vector<1x64xf32>, vector<64x128xf32>, vector<1x128xf32> -> vector<1x128xf32>
    %add3A_792 = arith.addf %add3A_783, %dot_general3A_791 : vector<1x128xf32>
    %slice3A_793 = vector.extract_strided_slice %max3A_754 {offsets = [4, 0], sizes = [1, 64], strides = [1, 1]} : vector<8x64xf32> to vector<1x64xf32>
    %get3A_794 = arith.constant 4 : index
    %get3A_795 = arith.constant 0 : index
    %get3A_796 = arith.constant 0 : index
    %get3A_797 = vector.load %arg3[%get3A_794, %get3A_795, %get3A_796] : memref<5x64x128xf32, #tpu.memory_space<vmem>>, vector<1x64x128xf32>
    %get3A_798 = vector.shape_cast %get3A_797 : vector<1x64x128xf32> to vector<64x128xf32>
    %dot_general3A_799 = arith.constant dense<0.000000e+00> : vector<1x128xf32>
    %dot_general3A_800 = tpu.matmul %slice3A_793, %get3A_798, %dot_general3A_799 {dimension_numbers = #tpu.dot_dimension_numbers<[1], [0], [0], [1], [0, 0, 1, 1], [], []>, precision = #tpu.contract_precision<fp32>, transpose_lhs_hint = false} : vector<1x64xf32>, vector<64x128xf32>, vector<1x128xf32> -> vector<1x128xf32>
    %add3A_801 = arith.addf %add3A_792, %dot_general3A_800 : vector<1x128xf32>
    %max3A_802 = arith.constant 0.000000e+00 : f32
    %max3A_803 = vector.broadcast %max3A_802 : f32 to vector<1x128xf32>
    %max3A_804 = arith.maximumf %add3A_801, %max3A_803 : vector<1x128xf32>
    %swap3A = arith.constant 0 : index
    %swap3A_805 = arith.constant 0 : index
    %swap3A_806 = vector.load %arg5[%swap3A, %swap3A_805] : memref<1x128xf32, #tpu.memory_space<vmem>>, vector<1x128xf32>
    tpu.vector_store %arg5[%swap3A, %swap3A_805], %max3A_804 {strides = array<i32>} : memref<1x128xf32, #tpu.memory_space<vmem>>, vector<1x128xf32>,
    return
  }
}

</mosaic_0001>

<sc_bundles>
// kernel: kernel.11.cloned.1.call-start
scs
__scs_entry_jumppad:
0x0: {  	(pc) =	sbr.rel $0x88, $3  }
0x1: {  	(tag) =	ssettag $0x0;
	lr =	simm.s32 $0x1  }
0x2: {  	[smem:$0x3F97] =	sst lr;
	_ =	strace $0xD0000000  }
0x3: {  	_ = 	snop  }
0x4: {  	_ = 	snop  }
0x5: {  	_ = 	snop  }
0x6: {  	_ = 	snop  }
0x7: {  	_ = 	snop  }
__scs_overlays_trampoline_lowered:
0x8: {  	[smem:$0x3FA6] =	sst s0  }
0x9: {  	[smem:$0x3FA7] =	sst s1  }
0xa: {  	[smem:$0x3FA8] =	sst s2  }
0xb: {  	[smem:$0x3FA9] =	sst s3  }
0xc: {  	[smem:$0x3FAA] =	sst s4  }
0xd: {  	[smem:$0x3FAB] =	sst s5  }
0xe: {  	[smem:$0x3FAC] =	sst s6  }
0xf: {  	[smem:$0x3FAD] =	sst s7  }
0x10: {  	[smem:$0x3FAE] =	sst s8  }
0x11: {  	[smem:$0x3FAF] =	sst s9;
	s0 =	simm.s32 @!p0 $0x0  }
0x12: {  	s1 =	sld [smem:$0x3F95];
	s0 =	simm.s32 @p0 $0x1  }
0x13: {  	[smem:$0x3FB0] =	sst s0;
	s0 =	simm.s32 @!p1 $0x0  }
0x14: {  	s2 =	sld [smem:$0x3F94];
	s0 =	simm.s32 @p1 $0x1  }
0x15: {  	[smem:$0x3FB1] =	sst s0;
	s0 =	simm.s32 @!p2 $0x0  }
0x16: {  	s3 =	sld [smem:$0x3FDB];
	s0 =	simm.s32 @p2 $0x1  }
0x17: {  	s4 =	simm.s32 $0x1BF5;
	[smem:$0x3FB3] =	sst s0  }
0x18: {  	s0 =	sld [smem:$0x3F96];
	_ =	swait.ge [sflag:s4], $0x0  }
0x19: {  	s7 =	sld [smem:$0x3F97]  }
0x1a: {  	s8 =	sadd.s32 $0xFFFFE003, lr  }
0x1b: {  	s9 =	sadd.s32 $0xFFFFFEF7, lr;
	s5 =	simm.s32 $0xFFFFFFFF;
	p2 =	slt.u32 s8, $0xFFFFF086  }
0x1c: {  	p1 =	slt.u32 s9, $0xF7A;
	s5 =	simm.s32 @!p2 $0x0  }
0x1d: {  	s5 =	simm.s32 @p1 $0x1;
	p0 =	seq.s32 s7, s2  }
0x1e: {  	s7 =	smul.u32 @!p0 $0xF7A, s2;
	p2 =	seq.s32 @!p0 s5, $0x0  }
0x1f: {  	s9 =	smul.u32 $0xF7A, s1;
	s8 =	simm.s32 @!p0 $0x1BF5;
	p2 =	por !p2, p0  }
0x20: {  	[sflag:s8] =	ssyncset.s32 @!p0 $0xFFFFF086;
	s6 =	sadd.s32 @!p0 s3, s7;
	s7 =	simm.s32 @!p0 $0x108  }
0x21: {  	s3 =	sadd.s32 s3, s9;
	s6 =	sadd.s32 @!p0 $0x88, s6;
	s7 =	simm.s32 @p2 $0x1082  }
0x22: {  	[simem:s7], [sflag:s8] =	dma.local @!p0 [hbm:s6], $0xF7A  }
0x23: {  	s9 =	sor.u32 $0xD0000000, s2;
	s6 =	simm.s32 $0x108;
	_ =	swait.ge @!p0 [sflag:s8], $0x0  }
0x24: {  	s3 =	sadd.s32 $0x88, s3;
	s6 =	simm.s32 @!p1 $0x1082;
	[sflag:s4] =	ssyncset.s32 $0xFFFFF086  }
0x25: {  	[simem:s6], [sflag:s4] =	dma.local [hbm:s3], $0xF7A  }
0x26: {  	[smem:$0x3F97] =	sst s1;
	(tag) =	ssettag s2;
	_ =	strace s9  }
0x27: {  	s1 =	sld [smem:$0x3FA7]  }
0x28: {  	s2 =	sld [smem:$0x3FA8]  }
0x29: {  	s4 =	sld [smem:$0x3FAA]  }
0x2a: {  	p0 =	seq.s32 s5, $0x0;
	s5 =	sld [smem:$0x3FAB]  }
0x2b: {  	s6 =	sld [smem:$0x3FAC]  }
0x2c: {  	s7 =	sld [smem:$0x3FAD]  }
0x2d: {  	s3 =	simm.s32 $0x108;
	s8 =	sld [smem:$0x3FAE]  }
0x2e: {  	s3 =	simm.s32 @!p0 $0x1082;
	s9 =	sld [smem:$0x3FAF]  }
0x2f: {  	lr =	sadd.s32 s0, s3;
	s0 =	sld [smem:$0x3FA6]  }
0x30: {  	s3 =	sld [smem:$0x3FA9]  }
0x31: {  	[smem:$0x3FB2] =	sst s10  }
0x32: {  	s10 =	sld [smem:$0x3FB0];
	_ =	sdelay $0x3  }
0x33: {  	p0 =	seq.s32 s10, $0x1;
	s10 =	sld [smem:$0x3FB2];
	_ =	sdelay $0x3  }
0x34: {  	[smem:$0x3FB2] =	sst s10  }
0x35: {  	s10 =	sld [smem:$0x3FB1];
	_ =	sdelay $0x3  }
0x36: {  	p1 =	seq.s32 s10, $0x1;
	s10 =	sld [smem:$0x3FB2];
	_ =	sdelay $0x3  }
0x37: {  	[smem:$0x3FB2] =	sst s10  }
0x38: {  	s10 =	sld [smem:$0x3FB3]  }
0x39: {  	_ = 	snop;
	(pc) =	sbr.ind lr, $3  }
0x3a: {  	_ = 	snop  }
0x3b: {  	_ = 	snop  }
0x3c: {  	p2 =	seq.s32 s10, $0x1;
	s10 =	sld [smem:$0x3FB2]  }
0x3d: {  	_ =	shalt  }
0x3e: {  	_ =	shalt  }
0x3f: {  	_ =	shalt  }
0x40: {  	_ =	shalt  }
0x41: {  	_ =	shalt  }
0x42: {  	_ =	shalt  }
0x43: {  	_ =	shalt  }
0x44: {  	_ =	shalt  }
0x45: {  	_ =	shalt  }
0x46: {  	_ =	shalt  }
0x47: {  	_ =	shalt  }
0x48: {  	_ =	shalt  }
0x49: {  	_ =	shalt  }
0x4a: {  	_ =	shalt  }
0x4b: {  	_ =	shalt  }
0x4c: {  	_ =	shalt  }
0x4d: {  	_ =	shalt  }
0x4e: {  	_ =	shalt  }
0x4f: {  	_ =	shalt  }
0x50: {  	_ =	shalt  }
0x51: {  	_ =	shalt  }
0x52: {  	_ =	shalt  }
0x53: {  	_ =	shalt  }
0x54: {  	_ =	shalt  }
0x55: {  	_ =	shalt  }
0x56: {  	_ =	shalt  }
0x57: {  	_ =	shalt  }
0x58: {  	_ =	shalt  }
0x59: {  	_ =	shalt  }
0x5a: {  	_ =	shalt  }
0x5b: {  	_ =	shalt  }
0x5c: {  	_ =	shalt  }
0x5d: {  	_ =	shalt  }
0x5e: {  	_ =	shalt  }
0x5f: {  	_ =	shalt  }
0x60: {  	_ =	shalt  }
0x61: {  	_ =	shalt  }
0x62: {  	_ =	shalt  }
0x63: {  	_ =	shalt  }
0x64: {  	_ =	shalt  }
0x65: {  	_ =	shalt  }
0x66: {  	_ =	shalt  }
0x67: {  	_ =	shalt  }
0x68: {  	_ =	shalt  }
0x69: {  	_ =	shalt  }
0x6a: {  	_ =	shalt  }
0x6b: {  	_ =	shalt  }
0x6c: {  	_ =	shalt  }
0x6d: {  	_ =	shalt  }
0x6e: {  	_ =	shalt  }
0x6f: {  	_ =	shalt  }
0x70: {  	_ =	shalt  }
0x71: {  	_ =	shalt  }
0x72: {  	_ =	shalt  }
0x73: {  	_ =	shalt  }
0x74: {  	_ =	shalt  }
0x75: {  	_ =	shalt  }
0x76: {  	_ =	shalt  }
0x77: {  	_ =	shalt  }
0x78: {  	_ =	shalt  }
0x79: {  	_ =	shalt  }
0x7a: {  	_ =	shalt  }
0x7b: {  	_ =	shalt  }
0x7c: {  	_ =	shalt  }
0x7d: {  	_ =	shalt  }
0x7e: {  	_ =	shalt  }
0x7f: {  	_ =	shalt  }
0x80: {  	_ =	shalt  }
0x81: {  	_ =	shalt  }
0x82: {  	_ =	shalt  }
0x83: {  	_ =	shalt  }
0x84: {  	_ =	shalt  }
0x85: {  	_ =	shalt  }
0x86: {  	_ =	shalt  }
0x87: {  	_ =	shalt  }
.Lfunc_end0:
.L_simem_size_0:
called_computation_lowered:
.L_overlay_start_0:
0x88: {  	s2 =	sld [smem:$0x3FD9]  }
0x89: {  	s3 =	sld [smem:$0x3FFE];
	_ =	sdelay $0x1  }
0x8a: {  	s1 =	srdreg.scid  }
0x8b: {  	s0 =	sand.u32 $0x1, s1  }
0x8c: {  	s16 =	sshll.u32 s0, $0xA;
	s2 =	sadd.s32 s3, s2  }
0x8d: {  	s2 =	sadd.s32 s2, s16  }
0x8e: {  	[smem:$0x3FBE] =	sst s2  }
0x8f: {  	_ = 	snop  }
0x90: {  	(tm) =	ssettm $0x1  }
0x91: {  	s17 =	sld [smem:$0x3FFB];
	_ =	sdelay $0x3  }
0x92: {  	_ =	strace s17  }
0x93: {  	s2 =	sld [smem:$0x3FFC];
	_ =	sdelay $0x3  }
0x94: {  	_ =	strace s2  }
0x95: {  	s2 =	sld [smem:$0x3FFD];
	_ =	sdelay $0x3  }
0x96: {  	_ =	strace s2  }
0x97: {  	_ =	strace $0x8FFFFFFF  }
0x98: {  	s18 =	sld [smem:$0x3FDB];
	_ =	sdelay $0x1  }
0x99: {  	s19 =	simm.s32 $_scs_section_size  }
0x9a: {  	s4 =	simm.s32 $_size__tile_overlayer_lowered;
	s5 =	simm.s32 $_tile_overlayer_lowered  }
0x9b: {  	s22 =	simm.s32 $0x1BFF;
	s21 =	sshll.u32 s5, $0x1;
	s2 =	sadd.s32 s19, s18  }
0x9c: {  	s6 =	simm.s32 $0x0;
	s20 =	sshll.u32 s4, $0x1;
	s4 =	sadd.s32 s21, s2  }
0x9d: {  	[timem:s6], [sflag:s22] =	dma.local [hbm:s4], s20  }
0x9e: {  	_ =	swait.ge [sflag:s22], s20  }
0x9f: {  	s3 =	ssub.s32 $0x0, s20;
	[sflag:s22] =	ssyncset.done $0x0  }
0xa0: {  	[sflag:s22] =	ssyncadd.s32 s3;
	_ =	sdelay $0x1  }
0xa1: {  	s23 =	simm.s32 $0x1B8B  }
0xa2: {  	_ =	swait.ge [sflag:s23], $0x1  }
0xa3: {  	[sflag:s23] =	ssyncset.done $0x0  }
0xa4: {  	s25 =	simm.s32 $0x1B8E;
	s24 =	sld [smem:$0x3FFE];
	[sflag:s23] =	ssyncadd.s32 $0xFFFFFFFF  }
0xa5: {  	s26 =	simm.s32 $execute0_lowered;
	[smem:$0x3FD2] =	sst s25  }
0xa6: {  	s4 =	sshll.u32 s26, $0x1;
	_ =	strace $0x80000046;
	[dreg:$0x1] =	wrdreg $0xFFFFFFFF  }
0xa7: {  	s28 =	simm.s32 $_size_execute0_lowered;
	s2 =	sadd.s32 s2, s4;
	[dreg:$0x0] =	wrdreg $0x0  }
0xa8: {  	s4 =	sshll.u32 s28, $0x1;
	[dreg:$0x2] =	wrdreg s2  }
0xa9: {  	[dreg:$0x3] =	wrdreg s4  }
0xaa: {  	[dreg:$0x4] =	wrdreg $0xC0  }
0xab: {  	_ =	task [dreg:s6], $0x5FFFF  }
0xac: {  	[dreg:$0x1] =	wrdreg $0xFFFFFFFF  }
0xad: {  	[dreg:$0x0] =	wrdreg $0x60  }
0xae: {  	[dreg:$0x2] =	wrdreg s24  }
0xaf: {  	[dreg:$0x3] =	wrdreg $0x53000  }
0xb0: {  	[dreg:$0x4] =	wrdreg $0x55800  }
0xb1: {  	[dreg:$0x5] =	wrdreg $0x9  }
0xb2: {  	_ =	task.clear_ibuf [dreg:s6], $0x6FFFF;
	_ =	strace $0x90000046  }
0xb3: {  	s29 =	simm.s32 $0x9;
	_ =	strace $0x80000048  }
0xb4: {  	_ =	swait.ge [sflag:s29], $0x1  }
0xb5: {  	[sflag:s29] =	ssyncadd.s32 $0xFFFFFFFF  }
0xb6: {  	_ =	strace $0x90000048  }
0xb7: {  	_ =	sfence  }
0xb8: {  	s30 =	sld [smem:$0x0];
	_ =	sdelay $0x2  }
0xb9: {  	s31 =	sshll.u32 s1, $0xD;
	s1 =	sshrl.u32 s1, $0x2  }
0xba: {  	s3 =	sand.u32 $0x4000, s31;
	s1 =	sadd.s32 s1, s30  }
0xbb: {  	s0 =	sor.u32 s3, s0;
	s1 =	sshll.u32 s1, $0x11  }
0xbc: {  	s0 =	sor.u32 s1, s0  }
0xbd: {  	s0 =	sadd.s32 $0x8F2B, s0  }
0xbe: {  	[sflag:s0] =	ssyncadd.remote.s32 $0x1  }
0xbf: {  	_ =	sfence.sel $0xFFFF  }
0xc0: {  	[dreg:$0x0] =	wrdreg $0xFFFFFFFF;
	(pc) =	sbr.abs _section_cstart, $3  }
0xc1: {  	[dreg:$0x1] =	wrdreg $0xFFFFFFFF  }
0xc2: {  	_ =	task.clear_ibuf [dreg:s6], $0x2FFFF;
	_ =	strace $0x9FFFFFFF  }
0xc3: {  	(tm) =	ssettm $0x7FFFFFFF  }
tec
execute0_lowered:
.L_overlay_start_1:
0x0: {  	(tag) =	ssettag $0x1  }
0x1: {  	s5 =	rddreg [dreg:$0x0]  }
0x2: {  	s1 =	srdreg.scid;
	s2 =	rddreg [dreg:$0x1]  }
0x3: {  	s0 =	stileid.u32;
	s3 =	rddreg [dreg:$0x2];
	s4 =	simm.s32 $0x0  }
0x4: {  	s13 =	simm.s32 $0x2800;
	s14 =	simm.s32 $0x5000;
	s15 =	simm.s32 $0x80  }
0x5: {  	s16 =	simm.s32 $0x5280;
	s19 =	simm.s32 $0x20;
	s20 =	simm.s32 $0x10  }
0x6: {  	s22 =	simm.s32 $0x0;
	s6 =	sand.u32 $0x1, s1;
	s9 =	smul.u32 $0x500, s0  }
0x7: {  	s30 =	sshll.u32 s0, $0x1;
	[smem:$0x7FF] =	sst s4;
	s10 =	smul.u32 $0x280, s0  }
0x8: {  	s17 =	sshll.u32 s0, $0x6;
	s1 =	sor.u32 s6, s30;
	s8 =	smul.u32 $0x5000, s6  }
0x9: {  	s6 =	ssub.s32 $0x2, s6;
	s17 =	sor.u32 $0x1C01, s17;
	s7 =	smul.u32 $0x500, s1  }
0xa: {  	s1 =	rddreg [dreg:$0x3];
	_ =	strace $0x80000047;
	s8 =	sadd.s32 s9, s8  }
0xb: {  	s31 =	sshrl.u32 s6, $0x1;
	s7 =	sadd.s32 s7, s5;
	s8 =	sshrl.u32 s8, $0x3  }
0xc: {  	s12 =	ssub.s32 s6, s31;
	s11 =	sadd.s32 s8, s5;
	s5 =	sadd.s32 $0x2E00, s7  }
0xd: {  	s6 =	sadd.s32 $0x16A00, s7;
	s7 =	sadd.s32 s10, s2;
	s8 =	sadd.s32 s10, s3  }
0xe: {  	s9 =	sadd.s32 $0xCE00, s11;
	s10 =	sadd.s32 $0xCE10, s11;
	s11 =	smax.u32 s12, $0x1  }
0xf: {  	v0 =	vimm.f32 $0.0e+00;
	v1 =	vimm.f32 $1.000000000e+00;
	s12 =	simm.s32 $0x1;
	s18 =	sshrl.u32 s7, $0x3;
	s21 =	sshrl.u32 s8, $0x3  }
.LBB2_1:
0x10: {  	[tilespmem:s4], [sflag:$0x1] =	stream.linear.gather [hbm4b:s5+s4], $0x2780, $0x38;
	[tilespmem:$0x5800] =	vst v63  }
0x11: {  	_ =	swait.ge [sflag:s12], $0x2780  }
0x12: {  	[sflag:s12] =	ssyncset.done $0x0  }
0x13: {  	[sflag:s12] =	ssyncadd.s32 $0xFFFFD880  }
0x14: {  	[tilespmem:s13], [sflag:$0x1] =	stream.linear.gather [hbm4b:s6+s4], $0x2780, $0x38;
	[tilespmem:$0x5800] =	vst v63  }
0x15: {  	_ =	swait.ge [sflag:s12], $0x2780  }
0x16: {  	[sflag:s12] =	ssyncset.done $0x0  }
0x17: {  	[sflag:s12] =	ssyncadd.s32 $0xFFFFD880  }
0x18: {  	[tilespmem:$0x5000] =	vst v0  }
0x19: {  	[tilespmem:$0x5010] =	vst v0  }
0x1a: {  	[tilespmem:$0x5020] =	vst v0  }
0x1b: {  	[tilespmem:$0x5030] =	vst v0  }
0x1c: {  	[tilespmem:$0x5040] =	vst v0  }
0x1d: {  	[tilespmem:$0x5050] =	vst v0  }
0x1e: {  	[tilespmem:$0x5060] =	vst v0  }
0x1f: {  	[tilespmem:$0x5070] =	vst v0  }
0x20: {  	[tilespmem:$0x5080] =	vst v0  }
0x21: {  	[tilespmem:$0x5090] =	vst v0  }
0x22: {  	[tilespmem:$0x50A0] =	vst v0  }
0x23: {  	[tilespmem:$0x50B0] =	vst v0  }
0x24: {  	[tilespmem:$0x50C0] =	vst v0  }
0x25: {  	[tilespmem:$0x50D0] =	vst v0  }
0x26: {  	[tilespmem:$0x50E0] =	vst v0  }
0x27: {  	[tilespmem:$0x50F0] =	vst v0  }
0x28: {  	[tilespmem:$0x5100] =	vst v0  }
0x29: {  	[tilespmem:$0x5110] =	vst v0  }
0x2a: {  	[tilespmem:$0x5120] =	vst v0  }
0x2b: {  	[tilespmem:$0x5130] =	vst v0  }
0x2c: {  	[tilespmem:$0x5140] =	vst v0  }
0x2d: {  	[tilespmem:$0x5150] =	vst v0  }
0x2e: {  	[tilespmem:$0x5160] =	vst v0  }
0x2f: {  	[tilespmem:$0x5170] =	vst v0  }
0x30: {  	[tilespmem:$0x5180] =	vst v0  }
0x31: {  	[tilespmem:$0x5190] =	vst v0  }
0x32: {  	[tilespmem:$0x51A0] =	vst v0  }
0x33: {  	[tilespmem:$0x51B0] =	vst v0  }
0x34: {  	[tilespmem:$0x51C0] =	vst v0  }
0x35: {  	[tilespmem:$0x51D0] =	vst v0  }
0x36: {  	[tilespmem:$0x51E0] =	vst v0  }
0x37: {  	[tilespmem:$0x51F0] =	vst v0  }
0x38: {  	[tilespmem:$0x5200] =	vst v0  }
0x39: {  	[tilespmem:$0x5210] =	vst v0  }
0x3a: {  	[tilespmem:$0x5220] =	vst v0  }
0x3b: {  	[tilespmem:$0x5230] =	vst v0  }
0x3c: {  	[tilespmem:$0x5240] =	vst v0  }
0x3d: {  	[tilespmem:$0x5250] =	vst v0  }
0x3e: {  	[tilespmem:$0x5260] =	vst v0  }
0x3f: {  	[tilespmem:$0x5270] =	vst v0  }
0x40: {  	[tilespmem:$0x5280] =	vst v1  }
0x41: {  	[tilespmem:$0x5290] =	vst v1  }
0x42: {  	[tilespmem:$0x52A0] =	vst v1  }
0x43: {  	[tilespmem:$0x52B0] =	vst v1  }
0x44: {  	[tilespmem:$0x52C0] =	vst v1  }
0x45: {  	[tilespmem:$0x52D0] =	vst v1  }
0x46: {  	[tilespmem:$0x52E0] =	vst v1  }
0x47: {  	[tilespmem:$0x52F0] =	vst v1  }
0x48: {  	[spmem:s7] =	stream.linear.scatter [tilespmem:s14], [sflag:$0x1], $0x280, $0x38;
	[tilespmem:$0x5800] =	vst v63  }
0x49: {  	_ =	swait.ge [sflag:s12], $0x280  }
0x4a: {  	[sflag:s12] =	ssyncset.done $0x0  }
0x4b: {  	[sflag:s12] =	ssyncadd.s32 $0xFFFFFD80  }
0x4c: {  	[spmem:s8] =	stream.linear.scatter [tilespmem:s14], [sflag:$0x1], $0x280, $0x38;
	[tilespmem:$0x5800] =	vst v63  }
0x4d: {  	_ =	swait.ge [sflag:s12], $0x280  }
0x4e: {  	[sflag:s12] =	ssyncset.done $0x0  }
0x4f: {  	[sflag:s12] =	ssyncadd.s32 $0xFFFFFD80  }
0x50: {  	s23 =	simm.s32 $0x0;
	[bflag:$0x0] =	sbarrier.arrive $0xFFFF  }
0x51: {  	[spmem:s2] =	stream.indirect.scatter.add.f32 [tilespmem:s16], [sflag:$0x1], $0x1, s23, s15, $0xb8;
	[tilespmem:$0x5800] =	vst v63  }
0x52: {  	_ =	swait.ge [sflag:s12], $0x80  }
0x53: {  	[sflag:s12] =	ssyncset.done $0x0  }
0x54: {  	s31 =	simm.s32 $0x2800;
	[sflag:s12] =	ssyncadd.s32 $0xFFFFFF80  }
0x55: {  	[spmem:s3] =	stream.indirect.scatter.add.f32 [tilespmem:s16], [sflag:$0x1], $0x1, s31, s15, $0xb8;
	[tilespmem:$0x5800] =	vst v63  }
0x56: {  	_ =	swait.ge [sflag:s12], $0x80  }
0x57: {  	s24 =	simm.s32 $0x400;
	s23 =	simm.s32 $0x200;
	[sflag:s12] =	ssyncset.done $0x0  }
.LBB2_2:
0x58: {  	s25 =	sshra.s32 s23, $0x2  }
0x59: {  	[sflag:s12] =	ssyncadd.s32 $0xFFFFFF80;
	s23 =	smov.u32 s24;
	s26 =	sadd.s32 $0x200, s24  }
0x5a: {  	[spmem:s2] =	stream.indirect.scatter.add.f32 [tilespmem:s16], [sflag:$0x1], $0x1, s25, s15, $0xb8;
	[tilespmem:$0x5800] =	vst v63  }
0x5b: {  	p0 =	sne.s32 s24, $0x9C00;
	_ =	swait.ge [sflag:s12], $0x80  }
.Ltmp0:
0x5c: {  	[sflag:s12] =	ssyncset.done $0x0;
	(pc) =	sbr.rel @p0 .LBB2_2-.Ltmp0, $4  }
0x5d: {  	s24 =	sadd.s32 $0x2800, s25;
	[sflag:s12] =	ssyncadd.s32 $0xFFFFFF80  }
0x5e: {  	[spmem:s3] =	stream.indirect.scatter.add.f32 [tilespmem:s16], [sflag:$0x1], $0x1, s24, s15, $0xb8;
	[tilespmem:$0x5800] =	vst v63  }
0x5f: {  	_ =	swait.ge [sflag:s12], $0x80  }
0x60: {  	s24 =	smov.u32 s26;
	[sflag:s12] =	ssyncset.done $0x0  }
0x61: {  	s23 =	sshra.s32 s23, $0x2;
	[sflag:s12] =	ssyncadd.s32 $0xFFFFFF80  }
0x62: {  	[spmem:s2] =	stream.indirect.scatter.add.f32 [tilespmem:s16], [sflag:$0x1], $0x1, s23, s15, $0xb8;
	[tilespmem:$0x5800] =	vst v63  }
0x63: {  	_ =	swait.ge [sflag:s12], $0x80  }
0x64: {  	[sflag:s12] =	ssyncset.done $0x0  }
0x65: {  	s23 =	sadd.s32 $0x2800, s23;
	[sflag:s12] =	ssyncadd.s32 $0xFFFFFF80  }
0x66: {  	[spmem:s3] =	stream.indirect.scatter.add.f32 [tilespmem:s16], [sflag:$0x1], $0x1, s23, s15, $0xb8;
	[tilespmem:$0x5800] =	vst v63  }
0x67: {  	_ =	swait.ge [sflag:s12], $0x80  }
0x68: {  	[sflag:s12] =	ssyncset.done $0x0  }
0x69: {  	[sflag:s12] =	ssyncadd.s32 $0xFFFFFF80  }
0x6a: {  	[bflag:$0x0] =	sbarrier.arrive $0xFFFF  }
0x6b: {  	[hbm:s9@s19], [sflag:s17] =	dma.strided [spmem:s18@s20], $0x50, s12, $0x10   }
0x6c: {  	s22 =	sadd.s32 $0x1, s22;
	_ =	swait.ge [sflag:s12], $0x50  }
0x6d: {  	p0 =	sne.s32 s22, s11;
	[sflag:s12] =	ssyncset.done $0x0  }
.Ltmp1:
0x6e: {  	[sflag:s12] =	ssyncadd.s32 $0xFFFFFFB0;
	(pc) =	sbr.rel @p0 .LBB2_1-.Ltmp1, $4  }
0x6f: {  	[hbm:s10@s19], [sflag:s17] =	dma.strided [spmem:s21@s20], $0x50, s12, $0x10   }
0x70: {  	_ =	swait.ge [sflag:s12], $0x50  }
0x71: {  	[sflag:s12] =	ssyncset.done $0x0  }
0x72: {  	[sflag:s12] =	ssyncadd.s32 $0xFFFFFFB0  }
0x73: {  	_ =	sfence.sel $0x180000  }
0x74: {  	[bflag:$0x0] =	sbarrier.arrive $0xFFFF  }
0x75: {  	p0 =	sne.s32 s0, $0x0;
	_ =	strace $0x90000047  }
0x76: {  	s0 =	sadd.s32 @!p0 $0x100000, s1;
	[bflag:$0x2] =	sbarrier.arrive $0xFFFF  }
0x77: {  	[sflag:s0] =	ssyncadd.tile.s32 @!p0 $0x1;
	_ =	shalt  }
.Lfunc_end2:
_tile_overlayer_lowered:
.L_overlay_start_2:
0x78: {  	(tag) =	ssettag $0x2  }
0x79: {  	s0 =	rddreg [dreg:$0x0];
	s2 =	stileid.u32  }
0x7a: {  	s1 =	rddreg [dreg:$0x1];
	p0 =	sne.s32 s2, $0x0  }
0x7b: {  	s3 =	rddreg [dreg:$0x2];
	[bflag:$0x3] =	sbarrier.arrive $0xFFFF;
	s2 =	simm.s32 @!p0 $0x1C01  }
0x7c: {  	[timem:s3], [sflag:s2] =	dma.local @!p0 [hbm:s0], s1  }
0x7d: {  	s0 =	simm.s32 @!p0 $0x1  }
0x7e: {  	_ =	swait.ge @!p0 [sflag:s0], s1  }
0x7f: {  	s1 =	ssub.s32 @!p0 $0x0, s1;
	[sflag:s0] =	ssyncset.done @!p0 $0x0  }
0x80: {  	[sflag:s0] =	ssyncadd.s32 @!p0 s1  }
0x81: {  	[bflag:$0x3] =	sbarrier.arrive $0xFFFF  }
0x82: {  	_ =	shalt  }

// kernel: kernel.14.cloned.1.call-start
scs
__scs_entry_jumppad:
0x0: {  	(pc) =	sbr.rel $0x88, $3  }
0x1: {  	(tag) =	ssettag $0x0;
	lr =	simm.s32 $0x1  }
0x2: {  	[smem:$0x3F97] =	sst lr;
	_ =	strace $0xD0000000  }
0x3: {  	_ = 	snop  }
0x4: {  	_ = 	snop  }
0x5: {  	_ = 	snop  }
0x6: {  	_ = 	snop  }
0x7: {  	_ = 	snop  }
__scs_overlays_trampoline_lowered:
0x8: {  	[smem:$0x3FA6] =	sst s0  }
0x9: {  	[smem:$0x3FA7] =	sst s1  }
0xa: {  	[smem:$0x3FA8] =	sst s2  }
0xb: {  	[smem:$0x3FA9] =	sst s3  }
0xc: {  	[smem:$0x3FAA] =	sst s4  }
0xd: {  	[smem:$0x3FAB] =	sst s5  }
0xe: {  	[smem:$0x3FAC] =	sst s6  }
0xf: {  	[smem:$0x3FAD] =	sst s7  }
0x10: {  	[smem:$0x3FAE] =	sst s8  }
0x11: {  	[smem:$0x3FAF] =	sst s9;
	s0 =	simm.s32 @!p0 $0x0  }
0x12: {  	s1 =	sld [smem:$0x3F95];
	s0 =	simm.s32 @p0 $0x1  }
0x13: {  	[smem:$0x3FB0] =	sst s0;
	s0 =	simm.s32 @!p1 $0x0  }
0x14: {  	s2 =	sld [smem:$0x3F94];
	s0 =	simm.s32 @p1 $0x1  }
0x15: {  	[smem:$0x3FB1] =	sst s0;
	s0 =	simm.s32 @!p2 $0x0  }
0x16: {  	s3 =	sld [smem:$0x3FDB];
	s0 =	simm.s32 @p2 $0x1  }
0x17: {  	s4 =	simm.s32 $0x1BF5;
	[smem:$0x3FB3] =	sst s0  }
0x18: {  	s0 =	sld [smem:$0x3F96];
	_ =	swait.ge [sflag:s4], $0x0  }
0x19: {  	s7 =	sld [smem:$0x3F97]  }
0x1a: {  	s8 =	sadd.s32 $0xFFFFE003, lr  }
0x1b: {  	s9 =	sadd.s32 $0xFFFFFEF7, lr;
	s5 =	simm.s32 $0xFFFFFFFF;
	p2 =	slt.u32 s8, $0xFFFFF086  }
0x1c: {  	p1 =	slt.u32 s9, $0xF7A;
	s5 =	simm.s32 @!p2 $0x0  }
0x1d: {  	s5 =	simm.s32 @p1 $0x1;
	p0 =	seq.s32 s7, s2  }
0x1e: {  	s7 =	smul.u32 @!p0 $0xF7A, s2;
	p2 =	seq.s32 @!p0 s5, $0x0  }
0x1f: {  	s9 =	smul.u32 $0xF7A, s1;
	s8 =	simm.s32 @!p0 $0x1BF5;
	p2 =	por !p2, p0  }
0x20: {  	[sflag:s8] =	ssyncset.s32 @!p0 $0xFFFFF086;
	s6 =	sadd.s32 @!p0 s3, s7;
	s7 =	simm.s32 @!p0 $0x108  }
0x21: {  	s3 =	sadd.s32 s3, s9;
	s6 =	sadd.s32 @!p0 $0x88, s6;
	s7 =	simm.s32 @p2 $0x1082  }
0x22: {  	[simem:s7], [sflag:s8] =	dma.local @!p0 [hbm:s6], $0xF7A  }
0x23: {  	s9 =	sor.u32 $0xD0000000, s2;
	s6 =	simm.s32 $0x108;
	_ =	swait.ge @!p0 [sflag:s8], $0x0  }
0x24: {  	s3 =	sadd.s32 $0x88, s3;
	s6 =	simm.s32 @!p1 $0x1082;
	[sflag:s4] =	ssyncset.s32 $0xFFFFF086  }
0x25: {  	[simem:s6], [sflag:s4] =	dma.local [hbm:s3], $0xF7A  }
0x26: {  	[smem:$0x3F97] =	sst s1;
	(tag) =	ssettag s2;
	_ =	strace s9  }
0x27: {  	s1 =	sld [smem:$0x3FA7]  }
0x28: {  	s2 =	sld [smem:$0x3FA8]  }
0x29: {  	s4 =	sld [smem:$0x3FAA]  }
0x2a: {  	p0 =	seq.s32 s5, $0x0;
	s5 =	sld [smem:$0x3FAB]  }
0x2b: {  	s6 =	sld [smem:$0x3FAC]  }
0x2c: {  	s7 =	sld [smem:$0x3FAD]  }
0x2d: {  	s3 =	simm.s32 $0x108;
	s8 =	sld [smem:$0x3FAE]  }
0x2e: {  	s3 =	simm.s32 @!p0 $0x1082;
	s9 =	sld [smem:$0x3FAF]  }
0x2f: {  	lr =	sadd.s32 s0, s3;
	s0 =	sld [smem:$0x3FA6]  }
0x30: {  	s3 =	sld [smem:$0x3FA9]  }
0x31: {  	[smem:$0x3FB2] =	sst s10  }
0x32: {  	s10 =	sld [smem:$0x3FB0];
	_ =	sdelay $0x3  }
0x33: {  	p0 =	seq.s32 s10, $0x1;
	s10 =	sld [smem:$0x3FB2];
	_ =	sdelay $0x3  }
0x34: {  	[smem:$0x3FB2] =	sst s10  }
0x35: {  	s10 =	sld [smem:$0x3FB1];
	_ =	sdelay $0x3  }
0x36: {  	p1 =	seq.s32 s10, $0x1;
	s10 =	sld [smem:$0x3FB2];
	_ =	sdelay $0x3  }
0x37: {  	[smem:$0x3FB2] =	sst s10  }
0x38: {  	s10 =	sld [smem:$0x3FB3]  }
0x39: {  	_ = 	snop;
	(pc) =	sbr.ind lr, $3  }
0x3a: {  	_ = 	snop  }
0x3b: {  	_ = 	snop  }
0x3c: {  	p2 =	seq.s32 s10, $0x1;
	s10 =	sld [smem:$0x3FB2]  }
0x3d: {  	_ =	shalt  }
0x3e: {  	_ =	shalt  }
0x3f: {  	_ =	shalt  }
0x40: {  	_ =	shalt  }
0x41: {  	_ =	shalt  }
0x42: {  	_ =	shalt  }
0x43: {  	_ =	shalt  }
0x44: {  	_ =	shalt  }
0x45: {  	_ =	shalt  }
0x46: {  	_ =	shalt  }
0x47: {  	_ =	shalt  }
0x48: {  	_ =	shalt  }
0x49: {  	_ =	shalt  }
0x4a: {  	_ =	shalt  }
0x4b: {  	_ =	shalt  }
0x4c: {  	_ =	shalt  }
0x4d: {  	_ =	shalt  }
0x4e: {  	_ =	shalt  }
0x4f: {  	_ =	shalt  }
0x50: {  	_ =	shalt  }
0x51: {  	_ =	shalt  }
0x52: {  	_ =	shalt  }
0x53: {  	_ =	shalt  }
0x54: {  	_ =	shalt  }
0x55: {  	_ =	shalt  }
0x56: {  	_ =	shalt  }
0x57: {  	_ =	shalt  }
0x58: {  	_ =	shalt  }
0x59: {  	_ =	shalt  }
0x5a: {  	_ =	shalt  }
0x5b: {  	_ =	shalt  }
0x5c: {  	_ =	shalt  }
0x5d: {  	_ =	shalt  }
0x5e: {  	_ =	shalt  }
0x5f: {  	_ =	shalt  }
0x60: {  	_ =	shalt  }
0x61: {  	_ =	shalt  }
0x62: {  	_ =	shalt  }
0x63: {  	_ =	shalt  }
0x64: {  	_ =	shalt  }
0x65: {  	_ =	shalt  }
0x66: {  	_ =	shalt  }
0x67: {  	_ =	shalt  }
0x68: {  	_ =	shalt  }
0x69: {  	_ =	shalt  }
0x6a: {  	_ =	shalt  }
0x6b: {  	_ =	shalt  }
0x6c: {  	_ =	shalt  }
0x6d: {  	_ =	shalt  }
0x6e: {  	_ =	shalt  }
0x6f: {  	_ =	shalt  }
0x70: {  	_ =	shalt  }
0x71: {  	_ =	shalt  }
0x72: {  	_ =	shalt  }
0x73: {  	_ =	shalt  }
0x74: {  	_ =	shalt  }
0x75: {  	_ =	shalt  }
0x76: {  	_ =	shalt  }
0x77: {  	_ =	shalt  }
0x78: {  	_ =	shalt  }
0x79: {  	_ =	shalt  }
0x7a: {  	_ =	shalt  }
0x7b: {  	_ =	shalt  }
0x7c: {  	_ =	shalt  }
0x7d: {  	_ =	shalt  }
0x7e: {  	_ =	shalt  }
0x7f: {  	_ =	shalt  }
0x80: {  	_ =	shalt  }
0x81: {  	_ =	shalt  }
0x82: {  	_ =	shalt  }
0x83: {  	_ =	shalt  }
0x84: {  	_ =	shalt  }
0x85: {  	_ =	shalt  }
0x86: {  	_ =	shalt  }
0x87: {  	_ =	shalt  }
.Lfunc_end0:
.L_simem_size_0:
called_computation.1_lowered:
.L_overlay_start_0:
0x88: {  	s2 =	sld [smem:$0x3FD9]  }
0x89: {  	s3 =	sld [smem:$0x3FFE];
	_ =	sdelay $0x1  }
0x8a: {  	s1 =	srdreg.scid  }
0x8b: {  	s0 =	sand.u32 $0x1, s1  }
0x8c: {  	s16 =	sshll.u32 s0, $0xA;
	s2 =	sadd.s32 s3, s2  }
0x8d: {  	s2 =	sadd.s32 s2, s16  }
0x8e: {  	[smem:$0x3FBE] =	sst s2  }
0x8f: {  	_ = 	snop  }
0x90: {  	(tm) =	ssettm $0x1  }
0x91: {  	s17 =	sld [smem:$0x3FFB];
	_ =	sdelay $0x3  }
0x92: {  	_ =	strace s17  }
0x93: {  	s2 =	sld [smem:$0x3FFC];
	_ =	sdelay $0x3  }
0x94: {  	_ =	strace s2  }
0x95: {  	s2 =	sld [smem:$0x3FFD];
	_ =	sdelay $0x3  }
0x96: {  	_ =	strace s2  }
0x97: {  	_ =	strace $0x8FFFFFFF  }
0x98: {  	s18 =	sld [smem:$0x3FDB];
	_ =	sdelay $0x1  }
0x99: {  	s19 =	simm.s32 $_scs_section_size  }
0x9a: {  	s4 =	simm.s32 $_size__tile_overlayer_lowered;
	s5 =	simm.s32 $_tile_overlayer_lowered  }
0x9b: {  	s22 =	simm.s32 $0x1BFF;
	s21 =	sshll.u32 s5, $0x1;
	s2 =	sadd.s32 s19, s18  }
0x9c: {  	s6 =	simm.s32 $0x0;
	s20 =	sshll.u32 s4, $0x1;
	s4 =	sadd.s32 s21, s2  }
0x9d: {  	[timem:s6], [sflag:s22] =	dma.local [hbm:s4], s20  }
0x9e: {  	_ =	swait.ge [sflag:s22], s20  }
0x9f: {  	s3 =	ssub.s32 $0x0, s20;
	[sflag:s22] =	ssyncset.done $0x0  }
0xa0: {  	[sflag:s22] =	ssyncadd.s32 s3;
	_ =	sdelay $0x1  }
0xa1: {  	s23 =	simm.s32 $0x1B8B  }
0xa2: {  	_ =	swait.ge [sflag:s23], $0x1  }
0xa3: {  	[sflag:s23] =	ssyncset.done $0x0  }
0xa4: {  	s25 =	simm.s32 $0x1B8E;
	s24 =	sld [smem:$0x3FFE];
	[sflag:s23] =	ssyncadd.s32 $0xFFFFFFFF  }
0xa5: {  	s26 =	simm.s32 $execute0_lowered;
	[smem:$0x3FD2] =	sst s25  }
0xa6: {  	s4 =	sshll.u32 s26, $0x1;
	_ =	strace $0x80000049;
	[dreg:$0x1] =	wrdreg $0xFFFFFFFF  }
0xa7: {  	s28 =	simm.s32 $_size_execute0_lowered;
	s2 =	sadd.s32 s2, s4;
	[dreg:$0x0] =	wrdreg $0x0  }
0xa8: {  	s4 =	sshll.u32 s28, $0x1;
	[dreg:$0x2] =	wrdreg s2  }
0xa9: {  	[dreg:$0x3] =	wrdreg s4  }
0xaa: {  	[dreg:$0x4] =	wrdreg $0xC0  }
0xab: {  	_ =	task [dreg:s6], $0x5FFFF  }
0xac: {  	[dreg:$0x1] =	wrdreg $0xFFFFFFFF  }
0xad: {  	[dreg:$0x0] =	wrdreg $0x60  }
0xae: {  	[dreg:$0x2] =	wrdreg s24  }
0xaf: {  	[dreg:$0x3] =	wrdreg $0x90000  }
0xb0: {  	[dreg:$0x4] =	wrdreg $0x9  }
0xb1: {  	_ =	task.clear_ibuf [dreg:s6], $0x5FFFF;
	_ =	strace $0x90000049  }
0xb2: {  	s29 =	simm.s32 $0x9;
	_ =	strace $0x8000004B  }
0xb3: {  	_ =	swait.ge [sflag:s29], $0x1  }
0xb4: {  	[sflag:s29] =	ssyncadd.s32 $0xFFFFFFFF  }
0xb5: {  	_ =	strace $0x9000004B  }
0xb6: {  	_ =	sfence  }
0xb7: {  	s30 =	sld [smem:$0x0];
	_ =	sdelay $0x2  }
0xb8: {  	s31 =	sshll.u32 s1, $0xD;
	s1 =	sshrl.u32 s1, $0x2  }
0xb9: {  	s3 =	sand.u32 $0x4000, s31;
	s1 =	sadd.s32 s1, s30  }
0xba: {  	s0 =	sor.u32 s3, s0;
	s1 =	sshll.u32 s1, $0x11  }
0xbb: {  	s0 =	sor.u32 s1, s0  }
0xbc: {  	s0 =	sadd.s32 $0x8F2B, s0  }
0xbd: {  	[sflag:s0] =	ssyncadd.remote.s32 $0x1  }
0xbe: {  	_ =	sfence.sel $0xFFFF  }
0xbf: {  	[dreg:$0x0] =	wrdreg $0xFFFFFFFF;
	(pc) =	sbr.abs _section_cstart, $3  }
0xc0: {  	[dreg:$0x1] =	wrdreg $0xFFFFFFFF  }
0xc1: {  	_ =	task.clear_ibuf [dreg:s6], $0x2FFFF;
	_ =	strace $0x9FFFFFFF  }
0xc2: {  	(tm) =	ssettm $0x7FFFFFFF  }
0xc3: {  	_ =	shalt  }
tec
execute0_lowered:
.L_overlay_start_1:
0x0: {  	(tag) =	ssettag $0x1  }
0x1: {  	s5 =	rddreg [dreg:$0x0]  }
0x2: {  	s2 =	rddreg [dreg:$0x1];
	s3 =	srdreg.scid  }
0x3: {  	s0 =	rddreg [dreg:$0x2];
	s1 =	stileid.u32;
	s14 =	simm.s32 $0x2  }
0x4: {  	s15 =	simm.s32 $0x2800;
	s16 =	simm.s32 $0x5000;
	s17 =	simm.s32 $0x80  }
0x5: {  	s18 =	simm.s32 $0x1;
	s21 =	simm.s32 $0x0;
	s9 =	smul.u32 $0x14000, s1  }
0x6: {  	s6 =	sand.u32 $0x1, s3;
	s3 =	simm.s32 $0x0;
	s30 =	smul.u32 $0x50000, s1  }
0x7: {  	s4 =	sshll.u32 s1, $0x1;
	s19 =	sshll.u32 s1, $0x6;
	s7 =	smul.u32 $0x140000, s6  }
0x8: {  	[smem:$0x7FF] =	sst s3;
	s8 =	sor.u32 s6, s4;
	s4 =	sadd.s32 $0x20A00, s5  }
0x9: {  	s6 =	ssub.s32 $0x2, s6;
	s19 =	sor.u32 $0x1C02, s19;
	_ =	strace $0x8000004A  }
0xa: {  	s8 =	smul.u32 $0x500, s8;
	s10 =	sshrl.u32 s6, $0x1;
	s7 =	sadd.s32 s9, s7  }
0xb: {  	s31 =	sshrl.u32 s30, $0x2;
	s13 =	ssub.s32 s6, s10;
	s7 =	sshrl.u32 s7, $0x3  }
0xc: {  	s8 =	sadd.s32 s8, s5;
	s13 =	smax.u32 s13, $0x1;
	s12 =	sadd.s32 s7, s5  }
0xd: {  	s5 =	sadd.s32 $0x2E00, s8;
	s6 =	sadd.s32 $0x16A00, s8;
	s7 =	sadd.s32 s31, s2  }
0xe: {  	s8 =	sadd.s32 $0x4000, s7;
	s9 =	sadd.s32 $0x8000, s7;
	s10 =	sadd.s32 $0xC000, s7  }
0xf: {  	v0 =	vimm.f32 $0.0e+00;
	s11 =	sadd.s32 $0x10000, s7;
	s12 =	sadd.s32 $0x48A00, s12;
	s20 =	sshrl.u32 s7, $0x3  }
.LBB2_1:
0x10: {  	[tilespmem:s3], [sflag:$0x2] =	stream.linear.gather [hbm4b:s5+s3], $0x2780, $0x38;
	[tilespmem:$0x1D000] =	vst v63  }
0x11: {  	_ =	swait.ge [sflag:s14], $0x2780  }
0x12: {  	[sflag:s14] =	ssyncset.done $0x0  }
0x13: {  	[sflag:s14] =	ssyncadd.s32 $0xFFFFD880  }
0x14: {  	[tilespmem:s15], [sflag:$0x2] =	stream.linear.gather [hbm4b:s6+s3], $0x2780, $0x38;
	[tilespmem:$0x1D000] =	vst v63  }
0x15: {  	_ =	swait.ge [sflag:s14], $0x2780  }
0x16: {  	[sflag:s14] =	ssyncset.done $0x0  }
0x17: {  	s22 =	simm.s32 $0x0;
	s23 =	simm.s32 $0x200;
	[sflag:s14] =	ssyncadd.s32 $0xFFFFD880  }
.LBB2_2:
0x18: {  	p0 =	sne.s32 s23, $0xFE00;
	[tilespmem:s22+$0x5070] =	vst v0  }
0x19: {  	[tilespmem:s22+$0x5000] =	vst v0  }
0x1a: {  	[tilespmem:s22+$0x5010] =	vst v0  }
.Ltmp0:
0x1b: {  	[tilespmem:s22+$0x5020] =	vst v0;
	(pc) =	sbr.rel @p0 .LBB2_2-.Ltmp0, $4  }
0x1c: {  	[tilespmem:s22+$0x5030] =	vst v0  }
0x1d: {  	[tilespmem:s22+$0x5040] =	vst v0  }
0x1e: {  	[tilespmem:s22+$0x5050] =	vst v0  }
0x1f: {  	[tilespmem:s22+$0x5060] =	vst v0;
	s22 =	sshra.s32 s23, $0x2;
	s23 =	sadd.s32 $0x200, s23  }
0x20: {  	[tilespmem:s22+$0x5070] =	vst v0  }
0x21: {  	[tilespmem:s22+$0x5000] =	vst v0  }
0x22: {  	[tilespmem:s22+$0x5010] =	vst v0  }
0x23: {  	[tilespmem:s22+$0x5020] =	vst v0  }
0x24: {  	[tilespmem:s22+$0x5030] =	vst v0  }
0x25: {  	[tilespmem:s22+$0x5040] =	vst v0  }
0x26: {  	[tilespmem:s22+$0x5050] =	vst v0  }
0x27: {  	[tilespmem:s22+$0x5060] =	vst v0  }
0x28: {  	[spmem:s7] =	stream.linear.scatter [tilespmem:s16], [sflag:$0x2], $0x4000, $0x38;
	[tilespmem:$0x1D000] =	vst v63  }
0x29: {  	_ =	swait.ge [sflag:s14], $0x4000  }
0x2a: {  	[sflag:s14] =	ssyncset.done $0x0  }
0x2b: {  	[sflag:s14] =	ssyncadd.s32 $0xFFFFC000  }
0x2c: {  	[spmem:s8] =	stream.linear.scatter [tilespmem:s16], [sflag:$0x2], $0x4000, $0x38;
	[tilespmem:$0x1D000] =	vst v63  }
0x2d: {  	_ =	swait.ge [sflag:s14], $0x4000  }
0x2e: {  	[sflag:s14] =	ssyncset.done $0x0  }
0x2f: {  	[sflag:s14] =	ssyncadd.s32 $0xFFFFC000  }
0x30: {  	[spmem:s9] =	stream.linear.scatter [tilespmem:s16], [sflag:$0x2], $0x4000, $0x38;
	[tilespmem:$0x1D000] =	vst v63  }
0x31: {  	_ =	swait.ge [sflag:s14], $0x4000  }
0x32: {  	[sflag:s14] =	ssyncset.done $0x0  }
0x33: {  	[sflag:s14] =	ssyncadd.s32 $0xFFFFC000  }
0x34: {  	[spmem:s10] =	stream.linear.scatter [tilespmem:s16], [sflag:$0x2], $0x4000, $0x38;
	[tilespmem:$0x1D000] =	vst v63  }
0x35: {  	_ =	swait.ge [sflag:s14], $0x4000  }
0x36: {  	[sflag:s14] =	ssyncset.done $0x0  }
0x37: {  	[sflag:s14] =	ssyncadd.s32 $0xFFFFC000  }
0x38: {  	[spmem:s11] =	stream.linear.scatter [tilespmem:s16], [sflag:$0x2], $0x4000, $0x38;
	[tilespmem:$0x1D000] =	vst v63  }
0x39: {  	_ =	swait.ge [sflag:s14], $0x4000  }
0x3a: {  	[sflag:s14] =	ssyncset.done $0x0  }
0x3b: {  	[sflag:s14] =	ssyncadd.s32 $0xFFFFC000  }
0x3c: {  	s30 =	simm.s32 $0x0;
	[bflag:$0x0] =	sbarrier.arrive $0xFFFF  }
0x3d: {  	[tilespmem:s16], [sflag:$0x1] =	stream.indirect.gather [hbm4b:s4+s17], $0x80, s30, s17, $0xb8;
	[tilespmem:$0x1D000] =	vst v63  }
0x3e: {  	_ =	swait.ge [sflag:s18], $0x4000  }
0x3f: {  	[sflag:s18] =	ssyncset.done $0x0  }
0x40: {  	s31 =	simm.s32 $0x2800;
	[sflag:s18] =	ssyncadd.s32 $0xFFFFC000  }
0x41: {  	[spmem:s2] =	stream.indirect.scatter.add.f32 [tilespmem:s16], [sflag:$0x2], $0x80, s31, s17, $0xb8;
	[tilespmem:$0x1D000] =	vst v63  }
0x42: {  	_ =	swait.ge [sflag:s14], $0x4000  }
0x43: {  	s22 =	simm.s32 $0x200;
	s23 =	simm.s32 $0x400;
	[sflag:s14] =	ssyncset.done $0x0  }
.LBB2_4:
0x44: {  	s24 =	sshra.s32 s22, $0x2  }
0x45: {  	[sflag:s14] =	ssyncadd.s32 $0xFFFFC000;
	s22 =	smov.u32 s23;
	s25 =	sadd.s32 $0x200, s23  }
0x46: {  	[tilespmem:s16], [sflag:$0x1] =	stream.indirect.gather [hbm4b:s4+s17], $0x80, s24, s17, $0xb8;
	[tilespmem:$0x1D000] =	vst v63  }
0x47: {  	p0 =	sne.s32 s23, $0x9C00;
	_ =	swait.ge [sflag:s18], $0x4000  }
.Ltmp1:
0x48: {  	[sflag:s18] =	ssyncset.done $0x0;
	(pc) =	sbr.rel @p0 .LBB2_4-.Ltmp1, $4  }
0x49: {  	s23 =	sadd.s32 $0x2800, s24;
	[sflag:s18] =	ssyncadd.s32 $0xFFFFC000  }
0x4a: {  	[spmem:s2] =	stream.indirect.scatter.add.f32 [tilespmem:s16], [sflag:$0x2], $0x80, s23, s17, $0xb8;
	[tilespmem:$0x1D000] =	vst v63  }
0x4b: {  	_ =	swait.ge [sflag:s14], $0x4000  }
0x4c: {  	s23 =	smov.u32 s25;
	[sflag:s14] =	ssyncset.done $0x0  }
0x4d: {  	s22 =	sshra.s32 s22, $0x2;
	[sflag:s14] =	ssyncadd.s32 $0xFFFFC000  }
0x4e: {  	[tilespmem:s16], [sflag:$0x1] =	stream.indirect.gather [hbm4b:s4+s17], $0x80, s22, s17, $0xb8;
	[tilespmem:$0x1D000] =	vst v63  }
0x4f: {  	_ =	swait.ge [sflag:s18], $0x4000  }
0x50: {  	[sflag:s18] =	ssyncset.done $0x0  }
0x51: {  	s22 =	sadd.s32 $0x2800, s22;
	[sflag:s18] =	ssyncadd.s32 $0xFFFFC000  }
0x52: {  	[spmem:s2] =	stream.indirect.scatter.add.f32 [tilespmem:s16], [sflag:$0x2], $0x80, s22, s17, $0xb8;
	[tilespmem:$0x1D000] =	vst v63  }
0x53: {  	_ =	swait.ge [sflag:s14], $0x4000  }
0x54: {  	s21 =	sadd.s32 $0x1, s21;
	[sflag:s14] =	ssyncset.done $0x0  }
0x55: {  	p0 =	sne.s32 s21, s13;
	[sflag:s14] =	ssyncadd.s32 $0xFFFFC000  }
.Ltmp2:
0x56: {  	[bflag:$0x0] =	sbarrier.arrive $0xFFFF;
	(pc) =	sbr.rel @p0 .LBB2_1-.Ltmp2, $4  }
0x57: {  	[hbm:s12], [sflag:s19] =	dma.local [spmem:s20], $0x2800  }
0x58: {  	_ =	swait.ge [sflag:s14], $0x2800  }
0x59: {  	[sflag:s14] =	ssyncset.done $0x0  }
0x5a: {  	[sflag:s14] =	ssyncadd.s32 $0xFFFFD800  }
0x5b: {  	_ =	sfence.sel $0x180000  }
0x5c: {  	[bflag:$0x0] =	sbarrier.arrive $0xFFFF  }
0x5d: {  	p0 =	sne.s32 s1, $0x0;
	_ =	strace $0x9000004A  }
0x5e: {  	s0 =	sadd.s32 @!p0 $0x100000, s0;
	[bflag:$0x2] =	sbarrier.arrive $0xFFFF  }
0x5f: {  	[sflag:s0] =	ssyncadd.tile.s32 @!p0 $0x1;
	_ =	shalt  }
.Lfunc_end2:
_tile_overlayer_lowered:
.L_overlay_start_2:
0x60: {  	(tag) =	ssettag $0x2  }
0x61: {  	s0 =	rddreg [dreg:$0x0];
	s2 =	stileid.u32  }
0x62: {  	s1 =	rddreg [dreg:$0x1];
	p0 =	sne.s32 s2, $0x0  }
0x63: {  	s3 =	rddreg [dreg:$0x2];
	[bflag:$0x3] =	sbarrier.arrive $0xFFFF;
	s2 =	simm.s32 @!p0 $0x1C02  }
0x64: {  	[timem:s3], [sflag:s2] =	dma.local @!p0 [hbm:s0], s1  }
0x65: {  	s0 =	simm.s32 @!p0 $0x2  }
0x66: {  	_ =	swait.ge @!p0 [sflag:s0], s1  }
0x67: {  	s1 =	ssub.s32 @!p0 $0x0, s1;
	[sflag:s0] =	ssyncset.done @!p0 $0x0  }
0x68: {  	[sflag:s0] =	ssyncadd.s32 @!p0 s1  }
0x69: {  	[bflag:$0x3] =	sbarrier.arrive $0xFFFF  }
0x6a: {  	_ =	shalt  }

// kernel: kernel.17.cloned.1.call-start
scs
__scs_entry_jumppad:
0x0: {  	(pc) =	sbr.rel $0x88, $3  }
0x1: {  	(tag) =	ssettag $0x0;
	lr =	simm.s32 $0x1  }
0x2: {  	[smem:$0x3F97] =	sst lr;
	_ =	strace $0xD0000000  }
0x3: {  	_ = 	snop  }
0x4: {  	_ = 	snop  }
0x5: {  	_ = 	snop  }
0x6: {  	_ = 	snop  }
0x7: {  	_ = 	snop  }
__scs_overlays_trampoline_lowered:
0x8: {  	[smem:$0x3FA6] =	sst s0  }
0x9: {  	[smem:$0x3FA7] =	sst s1  }
0xa: {  	[smem:$0x3FA8] =	sst s2  }
0xb: {  	[smem:$0x3FA9] =	sst s3  }
0xc: {  	[smem:$0x3FAA] =	sst s4  }
0xd: {  	[smem:$0x3FAB] =	sst s5  }
0xe: {  	[smem:$0x3FAC] =	sst s6  }
0xf: {  	[smem:$0x3FAD] =	sst s7  }
0x10: {  	[smem:$0x3FAE] =	sst s8  }
0x11: {  	[smem:$0x3FAF] =	sst s9;
	s0 =	simm.s32 @!p0 $0x0  }
0x12: {  	s1 =	sld [smem:$0x3F95];
	s0 =	simm.s32 @p0 $0x1  }
0x13: {  	[smem:$0x3FB0] =	sst s0;
	s0 =	simm.s32 @!p1 $0x0  }
0x14: {  	s2 =	sld [smem:$0x3F94];
	s0 =	simm.s32 @p1 $0x1  }
0x15: {  	[smem:$0x3FB1] =	sst s0;
	s0 =	simm.s32 @!p2 $0x0  }
0x16: {  	s3 =	sld [smem:$0x3FDB];
	s0 =	simm.s32 @p2 $0x1  }
0x17: {  	s4 =	simm.s32 $0x1BF5;
	[smem:$0x3FB3] =	sst s0  }
0x18: {  	s0 =	sld [smem:$0x3F96];
	_ =	swait.ge [sflag:s4], $0x0  }
0x19: {  	s7 =	sld [smem:$0x3F97]  }
0x1a: {  	s8 =	sadd.s32 $0xFFFFE003, lr  }
0x1b: {  	s9 =	sadd.s32 $0xFFFFFEF7, lr;
	s5 =	simm.s32 $0xFFFFFFFF;
	p2 =	slt.u32 s8, $0xFFFFF086  }
0x1c: {  	p1 =	slt.u32 s9, $0xF7A;
	s5 =	simm.s32 @!p2 $0x0  }
0x1d: {  	s5 =	simm.s32 @p1 $0x1;
	p0 =	seq.s32 s7, s2  }
0x1e: {  	s7 =	smul.u32 @!p0 $0xF7A, s2;
	p2 =	seq.s32 @!p0 s5, $0x0  }
0x1f: {  	s9 =	smul.u32 $0xF7A, s1;
	s8 =	simm.s32 @!p0 $0x1BF5;
	p2 =	por !p2, p0  }
0x20: {  	[sflag:s8] =	ssyncset.s32 @!p0 $0xFFFFF086;
	s6 =	sadd.s32 @!p0 s3, s7;
	s7 =	simm.s32 @!p0 $0x108  }
0x21: {  	s3 =	sadd.s32 s3, s9;
	s6 =	sadd.s32 @!p0 $0x88, s6;
	s7 =	simm.s32 @p2 $0x1082  }
0x22: {  	[simem:s7], [sflag:s8] =	dma.local @!p0 [hbm:s6], $0xF7A  }
0x23: {  	s9 =	sor.u32 $0xD0000000, s2;
	s6 =	simm.s32 $0x108;
	_ =	swait.ge @!p0 [sflag:s8], $0x0  }
0x24: {  	s3 =	sadd.s32 $0x88, s3;
	s6 =	simm.s32 @!p1 $0x1082;
	[sflag:s4] =	ssyncset.s32 $0xFFFFF086  }
0x25: {  	[simem:s6], [sflag:s4] =	dma.local [hbm:s3], $0xF7A  }
0x26: {  	[smem:$0x3F97] =	sst s1;
	(tag) =	ssettag s2;
	_ =	strace s9  }
0x27: {  	s1 =	sld [smem:$0x3FA7]  }
0x28: {  	s2 =	sld [smem:$0x3FA8]  }
0x29: {  	s4 =	sld [smem:$0x3FAA]  }
0x2a: {  	p0 =	seq.s32 s5, $0x0;
	s5 =	sld [smem:$0x3FAB]  }
0x2b: {  	s6 =	sld [smem:$0x3FAC]  }
0x2c: {  	s7 =	sld [smem:$0x3FAD]  }
0x2d: {  	s3 =	simm.s32 $0x108;
	s8 =	sld [smem:$0x3FAE]  }
0x2e: {  	s3 =	simm.s32 @!p0 $0x1082;
	s9 =	sld [smem:$0x3FAF]  }
0x2f: {  	lr =	sadd.s32 s0, s3;
	s0 =	sld [smem:$0x3FA6]  }
0x30: {  	s3 =	sld [smem:$0x3FA9]  }
0x31: {  	[smem:$0x3FB2] =	sst s10  }
0x32: {  	s10 =	sld [smem:$0x3FB0];
	_ =	sdelay $0x3  }
0x33: {  	p0 =	seq.s32 s10, $0x1;
	s10 =	sld [smem:$0x3FB2];
	_ =	sdelay $0x3  }
0x34: {  	[smem:$0x3FB2] =	sst s10  }
0x35: {  	s10 =	sld [smem:$0x3FB1];
	_ =	sdelay $0x3  }
0x36: {  	p1 =	seq.s32 s10, $0x1;
	s10 =	sld [smem:$0x3FB2];
	_ =	sdelay $0x3  }
0x37: {  	[smem:$0x3FB2] =	sst s10  }
0x38: {  	s10 =	sld [smem:$0x3FB3]  }
0x39: {  	_ = 	snop;
	(pc) =	sbr.ind lr, $3  }
0x3a: {  	_ = 	snop  }
0x3b: {  	_ = 	snop  }
0x3c: {  	p2 =	seq.s32 s10, $0x1;
	s10 =	sld [smem:$0x3FB2]  }
0x3d: {  	_ =	shalt  }
0x3e: {  	_ =	shalt  }
0x3f: {  	_ =	shalt  }
0x40: {  	_ =	shalt  }
0x41: {  	_ =	shalt  }
0x42: {  	_ =	shalt  }
0x43: {  	_ =	shalt  }
0x44: {  	_ =	shalt  }
0x45: {  	_ =	shalt  }
0x46: {  	_ =	shalt  }
0x47: {  	_ =	shalt  }
0x48: {  	_ =	shalt  }
0x49: {  	_ =	shalt  }
0x4a: {  	_ =	shalt  }
0x4b: {  	_ =	shalt  }
0x4c: {  	_ =	shalt  }
0x4d: {  	_ =	shalt  }
0x4e: {  	_ =	shalt  }
0x4f: {  	_ =	shalt  }
0x50: {  	_ =	shalt  }
0x51: {  	_ =	shalt  }
0x52: {  	_ =	shalt  }
0x53: {  	_ =	shalt  }
0x54: {  	_ =	shalt  }
0x55: {  	_ =	shalt  }
0x56: {  	_ =	shalt  }
0x57: {  	_ =	shalt  }
0x58: {  	_ =	shalt  }
0x59: {  	_ =	shalt  }
0x5a: {  	_ =	shalt  }
0x5b: {  	_ =	shalt  }
0x5c: {  	_ =	shalt  }
0x5d: {  	_ =	shalt  }
0x5e: {  	_ =	shalt  }
0x5f: {  	_ =	shalt  }
0x60: {  	_ =	shalt  }
0x61: {  	_ =	shalt  }
0x62: {  	_ =	shalt  }
0x63: {  	_ =	shalt  }
0x64: {  	_ =	shalt  }
0x65: {  	_ =	shalt  }
0x66: {  	_ =	shalt  }
0x67: {  	_ =	shalt  }
0x68: {  	_ =	shalt  }
0x69: {  	_ =	shalt  }
0x6a: {  	_ =	shalt  }
0x6b: {  	_ =	shalt  }
0x6c: {  	_ =	shalt  }
0x6d: {  	_ =	shalt  }
0x6e: {  	_ =	shalt  }
0x6f: {  	_ =	shalt  }
0x70: {  	_ =	shalt  }
0x71: {  	_ =	shalt  }
0x72: {  	_ =	shalt  }
0x73: {  	_ =	shalt  }
0x74: {  	_ =	shalt  }
0x75: {  	_ =	shalt  }
0x76: {  	_ =	shalt  }
0x77: {  	_ =	shalt  }
0x78: {  	_ =	shalt  }
0x79: {  	_ =	shalt  }
0x7a: {  	_ =	shalt  }
0x7b: {  	_ =	shalt  }
0x7c: {  	_ =	shalt  }
0x7d: {  	_ =	shalt  }
0x7e: {  	_ =	shalt  }
0x7f: {  	_ =	shalt  }
0x80: {  	_ =	shalt  }
0x81: {  	_ =	shalt  }
0x82: {  	_ =	shalt  }
0x83: {  	_ =	shalt  }
0x84: {  	_ =	shalt  }
0x85: {  	_ =	shalt  }
0x86: {  	_ =	shalt  }
0x87: {  	_ =	shalt  }
.Lfunc_end0:
.L_simem_size_0:
called_computation.2_lowered:
.L_overlay_start_0:
0x88: {  	s2 =	sld [smem:$0x3FD9]  }
0x89: {  	s3 =	sld [smem:$0x3FFE];
	_ =	sdelay $0x1  }
0x8a: {  	s1 =	srdreg.scid  }
0x8b: {  	s0 =	sand.u32 $0x1, s1  }
0x8c: {  	s16 =	sshll.u32 s0, $0xA;
	s2 =	sadd.s32 s3, s2  }
0x8d: {  	s2 =	sadd.s32 s2, s16  }
0x8e: {  	[smem:$0x3FBE] =	sst s2  }
0x8f: {  	_ = 	snop  }
0x90: {  	(tm) =	ssettm $0x1  }
0x91: {  	s17 =	sld [smem:$0x3FFB];
	_ =	sdelay $0x3  }
0x92: {  	_ =	strace s17  }
0x93: {  	s2 =	sld [smem:$0x3FFC];
	_ =	sdelay $0x3  }
0x94: {  	_ =	strace s2  }
0x95: {  	s2 =	sld [smem:$0x3FFD];
	_ =	sdelay $0x3  }
0x96: {  	_ =	strace s2  }
0x97: {  	_ =	strace $0x8FFFFFFF  }
0x98: {  	s18 =	sld [smem:$0x3FDB];
	_ =	sdelay $0x1  }
0x99: {  	s19 =	simm.s32 $_scs_section_size  }
0x9a: {  	s4 =	simm.s32 $_size__tile_overlayer_lowered;
	s5 =	simm.s32 $_tile_overlayer_lowered  }
0x9b: {  	s22 =	simm.s32 $0x1BFF;
	s21 =	sshll.u32 s5, $0x1;
	s2 =	sadd.s32 s19, s18  }
0x9c: {  	s6 =	simm.s32 $0x0;
	s20 =	sshll.u32 s4, $0x1;
	s4 =	sadd.s32 s21, s2  }
0x9d: {  	[timem:s6], [sflag:s22] =	dma.local [hbm:s4], s20  }
0x9e: {  	_ =	swait.ge [sflag:s22], s20  }
0x9f: {  	s3 =	ssub.s32 $0x0, s20;
	[sflag:s22] =	ssyncset.done $0x0  }
0xa0: {  	[sflag:s22] =	ssyncadd.s32 s3;
	_ =	sdelay $0x1  }
0xa1: {  	s23 =	simm.s32 $0x1B8B  }
0xa2: {  	_ =	swait.ge [sflag:s23], $0x1  }
0xa3: {  	[sflag:s23] =	ssyncset.done $0x0  }
0xa4: {  	s25 =	simm.s32 $0x1B8E;
	s24 =	sld [smem:$0x3FFE];
	[sflag:s23] =	ssyncadd.s32 $0xFFFFFFFF  }
0xa5: {  	s26 =	simm.s32 $execute0_lowered;
	[smem:$0x3FD2] =	sst s25  }
0xa6: {  	s4 =	sshll.u32 s26, $0x1;
	_ =	strace $0x8000004C;
	[dreg:$0x1] =	wrdreg $0xFFFFFFFF  }
0xa7: {  	s28 =	simm.s32 $_size_execute0_lowered;
	s2 =	sadd.s32 s2, s4;
	[dreg:$0x0] =	wrdreg $0x0  }
0xa8: {  	s4 =	sshll.u32 s28, $0x1;
	[dreg:$0x2] =	wrdreg s2  }
0xa9: {  	[dreg:$0x3] =	wrdreg s4  }
0xaa: {  	[dreg:$0x4] =	wrdreg $0xC0  }
0xab: {  	_ =	task [dreg:s6], $0x5FFFF  }
0xac: {  	[dreg:$0x1] =	wrdreg $0xFFFFFFFF  }
0xad: {  	[dreg:$0x0] =	wrdreg $0x60  }
0xae: {  	[dreg:$0x2] =	wrdreg s24  }
0xaf: {  	[dreg:$0x3] =	wrdreg $0x90000  }
0xb0: {  	[dreg:$0x4] =	wrdreg $0x9  }
0xb1: {  	_ =	task.clear_ibuf [dreg:s6], $0x5FFFF;
	_ =	strace $0x9000004C  }
0xb2: {  	s29 =	simm.s32 $0x9;
	_ =	strace $0x8000004E  }
0xb3: {  	_ =	swait.ge [sflag:s29], $0x1  }
0xb4: {  	[sflag:s29] =	ssyncadd.s32 $0xFFFFFFFF  }
0xb5: {  	_ =	strace $0x9000004E  }
0xb6: {  	_ =	sfence  }
0xb7: {  	s30 =	sld [smem:$0x0];
	_ =	sdelay $0x2  }
0xb8: {  	s31 =	sshll.u32 s1, $0xD;
	s1 =	sshrl.u32 s1, $0x2  }
0xb9: {  	s3 =	sand.u32 $0x4000, s31;
	s1 =	sadd.s32 s1, s30  }
0xba: {  	s0 =	sor.u32 s3, s0;
	s1 =	sshll.u32 s1, $0x11  }
0xbb: {  	s0 =	sor.u32 s1, s0  }
0xbc: {  	s0 =	sadd.s32 $0x8F2B, s0  }
0xbd: {  	[sflag:s0] =	ssyncadd.remote.s32 $0x1  }
0xbe: {  	_ =	sfence.sel $0xFFFF  }
0xbf: {  	[dreg:$0x0] =	wrdreg $0xFFFFFFFF;
	(pc) =	sbr.abs _section_cstart, $3  }
0xc0: {  	[dreg:$0x1] =	wrdreg $0xFFFFFFFF  }
0xc1: {  	_ =	task.clear_ibuf [dreg:s6], $0x2FFFF;
	_ =	strace $0x9FFFFFFF  }
0xc2: {  	(tm) =	ssettm $0x7FFFFFFF  }
0xc3: {  	_ =	shalt  }
tec
execute0_lowered:
.L_overlay_start_1:
0x0: {  	(tag) =	ssettag $0x1  }
0x1: {  	s5 =	rddreg [dreg:$0x0]  }
0x2: {  	s2 =	rddreg [dreg:$0x1];
	s3 =	srdreg.scid  }
0x3: {  	s0 =	rddreg [dreg:$0x2];
	s1 =	stileid.u32;
	s14 =	simm.s32 $0x2  }
0x4: {  	s15 =	simm.s32 $0x2800;
	s16 =	simm.s32 $0x5000;
	s17 =	simm.s32 $0x80  }
0x5: {  	s18 =	simm.s32 $0x1;
	s21 =	simm.s32 $0x0;
	s9 =	smul.u32 $0x14000, s1  }
0x6: {  	s6 =	sand.u32 $0x1, s3;
	s3 =	simm.s32 $0x0;
	s30 =	smul.u32 $0x50000, s1  }
0x7: {  	s4 =	sshll.u32 s1, $0x1;
	s19 =	sshll.u32 s1, $0x6;
	s7 =	smul.u32 $0x140000, s6  }
0x8: {  	[smem:$0x7FF] =	sst s3;
	s8 =	sor.u32 s6, s4;
	s4 =	sadd.s32 $0x20A00, s5  }
0x9: {  	s6 =	ssub.s32 $0x2, s6;
	s19 =	sor.u32 $0x1C02, s19;
	_ =	strace $0x8000004D  }
0xa: {  	s8 =	smul.u32 $0x500, s8;
	s10 =	sshrl.u32 s6, $0x1;
	s7 =	sadd.s32 s9, s7  }
0xb: {  	s31 =	sshrl.u32 s30, $0x2;
	s13 =	ssub.s32 s6, s10;
	s7 =	sshrl.u32 s7, $0x3  }
0xc: {  	s8 =	sadd.s32 s8, s5;
	s13 =	smax.u32 s13, $0x1;
	s12 =	sadd.s32 s7, s5  }
0xd: {  	s5 =	sadd.s32 $0x2E00, s8;
	s6 =	sadd.s32 $0x16A00, s8;
	s7 =	sadd.s32 s31, s2  }
0xe: {  	s8 =	sadd.s32 $0x4000, s7;
	s9 =	sadd.s32 $0x8000, s7;
	s10 =	sadd.s32 $0xC000, s7  }
0xf: {  	v0 =	vimm.f32 $0.0e+00;
	s11 =	sadd.s32 $0x10000, s7;
	s12 =	sadd.s32 $0x48A00, s12;
	s20 =	sshrl.u32 s7, $0x3  }
.LBB2_1:
0x10: {  	[tilespmem:s3], [sflag:$0x2] =	stream.linear.gather [hbm4b:s5+s3], $0x2780, $0x38;
	[tilespmem:$0x1D000] =	vst v63  }
0x11: {  	_ =	swait.ge [sflag:s14], $0x2780  }
0x12: {  	[sflag:s14] =	ssyncset.done $0x0  }
0x13: {  	[sflag:s14] =	ssyncadd.s32 $0xFFFFD880  }
0x14: {  	[tilespmem:s15], [sflag:$0x2] =	stream.linear.gather [hbm4b:s6+s3], $0x2780, $0x38;
	[tilespmem:$0x1D000] =	vst v63  }
0x15: {  	_ =	swait.ge [sflag:s14], $0x2780  }
0x16: {  	[sflag:s14] =	ssyncset.done $0x0  }
0x17: {  	s22 =	simm.s32 $0x0;
	s23 =	simm.s32 $0x200;
	[sflag:s14] =	ssyncadd.s32 $0xFFFFD880  }
.LBB2_2:
0x18: {  	p0 =	sne.s32 s23, $0xFE00;
	[tilespmem:s22+$0x5070] =	vst v0  }
0x19: {  	[tilespmem:s22+$0x5000] =	vst v0  }
0x1a: {  	[tilespmem:s22+$0x5010] =	vst v0  }
.Ltmp0:
0x1b: {  	[tilespmem:s22+$0x5020] =	vst v0;
	(pc) =	sbr.rel @p0 .LBB2_2-.Ltmp0, $4  }
0x1c: {  	[tilespmem:s22+$0x5030] =	vst v0  }
0x1d: {  	[tilespmem:s22+$0x5040] =	vst v0  }
0x1e: {  	[tilespmem:s22+$0x5050] =	vst v0  }
0x1f: {  	[tilespmem:s22+$0x5060] =	vst v0;
	s22 =	sshra.s32 s23, $0x2;
	s23 =	sadd.s32 $0x200, s23  }
0x20: {  	[tilespmem:s22+$0x5070] =	vst v0  }
0x21: {  	[tilespmem:s22+$0x5000] =	vst v0  }
0x22: {  	[tilespmem:s22+$0x5010] =	vst v0  }
0x23: {  	[tilespmem:s22+$0x5020] =	vst v0  }
0x24: {  	[tilespmem:s22+$0x5030] =	vst v0  }
0x25: {  	[tilespmem:s22+$0x5040] =	vst v0  }
0x26: {  	[tilespmem:s22+$0x5050] =	vst v0  }
0x27: {  	[tilespmem:s22+$0x5060] =	vst v0  }
0x28: {  	[spmem:s7] =	stream.linear.scatter [tilespmem:s16], [sflag:$0x2], $0x4000, $0x38;
	[tilespmem:$0x1D000] =	vst v63  }
0x29: {  	_ =	swait.ge [sflag:s14], $0x4000  }
0x2a: {  	[sflag:s14] =	ssyncset.done $0x0  }
0x2b: {  	[sflag:s14] =	ssyncadd.s32 $0xFFFFC000  }
0x2c: {  	[spmem:s8] =	stream.linear.scatter [tilespmem:s16], [sflag:$0x2], $0x4000, $0x38;
	[tilespmem:$0x1D000] =	vst v63  }
0x2d: {  	_ =	swait.ge [sflag:s14], $0x4000  }
0x2e: {  	[sflag:s14] =	ssyncset.done $0x0  }
0x2f: {  	[sflag:s14] =	ssyncadd.s32 $0xFFFFC000  }
0x30: {  	[spmem:s9] =	stream.linear.scatter [tilespmem:s16], [sflag:$0x2], $0x4000, $0x38;
	[tilespmem:$0x1D000] =	vst v63  }
0x31: {  	_ =	swait.ge [sflag:s14], $0x4000  }
0x32: {  	[sflag:s14] =	ssyncset.done $0x0  }
0x33: {  	[sflag:s14] =	ssyncadd.s32 $0xFFFFC000  }
0x34: {  	[spmem:s10] =	stream.linear.scatter [tilespmem:s16], [sflag:$0x2], $0x4000, $0x38;
	[tilespmem:$0x1D000] =	vst v63  }
0x35: {  	_ =	swait.ge [sflag:s14], $0x4000  }
0x36: {  	[sflag:s14] =	ssyncset.done $0x0  }
0x37: {  	[sflag:s14] =	ssyncadd.s32 $0xFFFFC000  }
0x38: {  	[spmem:s11] =	stream.linear.scatter [tilespmem:s16], [sflag:$0x2], $0x4000, $0x38;
	[tilespmem:$0x1D000] =	vst v63  }
0x39: {  	_ =	swait.ge [sflag:s14], $0x4000  }
0x3a: {  	[sflag:s14] =	ssyncset.done $0x0  }
0x3b: {  	[sflag:s14] =	ssyncadd.s32 $0xFFFFC000  }
0x3c: {  	s30 =	simm.s32 $0x0;
	[bflag:$0x0] =	sbarrier.arrive $0xFFFF  }
0x3d: {  	[tilespmem:s16], [sflag:$0x1] =	stream.indirect.gather [hbm4b:s4+s17], $0x80, s30, s17, $0xb8;
	[tilespmem:$0x1D000] =	vst v63  }
0x3e: {  	_ =	swait.ge [sflag:s18], $0x4000  }
0x3f: {  	[sflag:s18] =	ssyncset.done $0x0  }
0x40: {  	s31 =	simm.s32 $0x2800;
	[sflag:s18] =	ssyncadd.s32 $0xFFFFC000  }
0x41: {  	[spmem:s2] =	stream.indirect.scatter.add.f32 [tilespmem:s16], [sflag:$0x2], $0x80, s31, s17, $0xb8;
	[tilespmem:$0x1D000] =	vst v63  }
0x42: {  	_ =	swait.ge [sflag:s14], $0x4000  }
0x43: {  	s22 =	simm.s32 $0x200;
	s23 =	simm.s32 $0x400;
	[sflag:s14] =	ssyncset.done $0x0  }
.LBB2_4:
0x44: {  	s24 =	sshra.s32 s22, $0x2  }
0x45: {  	[sflag:s14] =	ssyncadd.s32 $0xFFFFC000;
	s22 =	smov.u32 s23;
	s25 =	sadd.s32 $0x200, s23  }
0x46: {  	[tilespmem:s16], [sflag:$0x1] =	stream.indirect.gather [hbm4b:s4+s17], $0x80, s24, s17, $0xb8;
	[tilespmem:$0x1D000] =	vst v63  }
0x47: {  	p0 =	sne.s32 s23, $0x9C00;
	_ =	swait.ge [sflag:s18], $0x4000  }
.Ltmp1:
0x48: {  	[sflag:s18] =	ssyncset.done $0x0;
	(pc) =	sbr.rel @p0 .LBB2_4-.Ltmp1, $4  }
0x49: {  	s23 =	sadd.s32 $0x2800, s24;
	[sflag:s18] =	ssyncadd.s32 $0xFFFFC000  }
0x4a: {  	[spmem:s2] =	stream.indirect.scatter.add.f32 [tilespmem:s16], [sflag:$0x2], $0x80, s23, s17, $0xb8;
	[tilespmem:$0x1D000] =	vst v63  }
0x4b: {  	_ =	swait.ge [sflag:s14], $0x4000  }
0x4c: {  	s23 =	smov.u32 s25;
	[sflag:s14] =	ssyncset.done $0x0  }
0x4d: {  	s22 =	sshra.s32 s22, $0x2;
	[sflag:s14] =	ssyncadd.s32 $0xFFFFC000  }
0x4e: {  	[tilespmem:s16], [sflag:$0x1] =	stream.indirect.gather [hbm4b:s4+s17], $0x80, s22, s17, $0xb8;
	[tilespmem:$0x1D000] =	vst v63  }
0x4f: {  	_ =	swait.ge [sflag:s18], $0x4000  }
0x50: {  	[sflag:s18] =	ssyncset.done $0x0  }
0x51: {  	s22 =	sadd.s32 $0x2800, s22;
	[sflag:s18] =	ssyncadd.s32 $0xFFFFC000  }
0x52: {  	[spmem:s2] =	stream.indirect.scatter.add.f32 [tilespmem:s16], [sflag:$0x2], $0x80, s22, s17, $0xb8;
	[tilespmem:$0x1D000] =	vst v63  }
0x53: {  	_ =	swait.ge [sflag:s14], $0x4000  }
0x54: {  	s21 =	sadd.s32 $0x1, s21;
	[sflag:s14] =	ssyncset.done $0x0  }
0x55: {  	p0 =	sne.s32 s21, s13;
	[sflag:s14] =	ssyncadd.s32 $0xFFFFC000  }
.Ltmp2:
0x56: {  	[bflag:$0x0] =	sbarrier.arrive $0xFFFF;
	(pc) =	sbr.rel @p0 .LBB2_1-.Ltmp2, $4  }
0x57: {  	[hbm:s12], [sflag:s19] =	dma.local [spmem:s20], $0x2800  }
0x58: {  	_ =	swait.ge [sflag:s14], $0x2800  }
0x59: {  	[sflag:s14] =	ssyncset.done $0x0  }
0x5a: {  	[sflag:s14] =	ssyncadd.s32 $0xFFFFD800  }
0x5b: {  	_ =	sfence.sel $0x180000  }
0x5c: {  	[bflag:$0x0] =	sbarrier.arrive $0xFFFF  }
0x5d: {  	p0 =	sne.s32 s1, $0x0;
	_ =	strace $0x9000004D  }
0x5e: {  	s0 =	sadd.s32 @!p0 $0x100000, s0;
	[bflag:$0x2] =	sbarrier.arrive $0xFFFF  }
0x5f: {  	[sflag:s0] =	ssyncadd.tile.s32 @!p0 $0x1;
	_ =	shalt  }
.Lfunc_end2:
_tile_overlayer_lowered:
.L_overlay_start_2:
0x60: {  	(tag) =	ssettag $0x2  }
0x61: {  	s0 =	rddreg [dreg:$0x0];
	s2 =	stileid.u32  }
0x62: {  	s1 =	rddreg [dreg:$0x1];
	p0 =	sne.s32 s2, $0x0  }
0x63: {  	s3 =	rddreg [dreg:$0x2];
	[bflag:$0x3] =	sbarrier.arrive $0xFFFF;
	s2 =	simm.s32 @!p0 $0x1C02  }
0x64: {  	[timem:s3], [sflag:s2] =	dma.local @!p0 [hbm:s0], s1  }
0x65: {  	s0 =	simm.s32 @!p0 $0x2  }
0x66: {  	_ =	swait.ge @!p0 [sflag:s0], s1  }
0x67: {  	s1 =	ssub.s32 @!p0 $0x0, s1;
	[sflag:s0] =	ssyncset.done @!p0 $0x0  }
0x68: {  	[sflag:s0] =	ssyncadd.s32 @!p0 s1  }
0x69: {  	[bflag:$0x3] =	sbarrier.arrive $0xFFFF  }
0x6a: {  	_ =	shalt  }

</sc_bundles>
